<compile_context>
chip_gen: v7x
topology: tpu7x:2x2x1
jax: 0.10.2.dev20260603
libtpu: 0.0.44.dev20260713+nightly
codegen_flags: <defaults>
</compile_context>

<pallas_src>
import functools

import jax
import jax.numpy as jnp
from jax import lax
from jax.experimental import pallas as pl
from jax.experimental.pallas import tpu as pltpu
from jax.experimental.pallas import tpu_sc as plsc

_N = 10000
_D = 256
_C = 4
_V = 4

_BN = 2000
_NP = _N // _BN
_G = 32
_NW = 32
_BPW = 40
_NBLKP = _NW * _BPW


def _dot_t(x, w):
    return lax.dot_general(x, w, (((1,), (1,)), ((), ())),
                           preferred_element_type=jnp.float32)


def _combine(x, w1, b1, w2, b2):
    y = jax.nn.sigmoid(_dot_t(x, w1) + b1) + (_dot_t(x, w2) + b2)
    nrm = jnp.sqrt(jnp.sum(y * y, axis=-1, keepdims=True))
    return y / (nrm + 1e-8)



def _table_body(v_ref, wn_ref, bn_ref, w1_ref, b1_ref, w2_ref, b2_ref,
                out_ref):
    v = v_ref[...]
    nv = _dot_t(v, wn_ref[...]) + bn_ref[...]
    w1, b1 = w1_ref[...], b1_ref[...]
    w2, b2 = w2_ref[...], b2_ref[...]
    out_ref[0] = _combine(v, w1, b1, w2, b2)
    out_ref[1] = _combine(nv, w1, b1, w2, b2)


def _build_table(variables, wn, bn, w1, b1, w2, b2):
    full = pl.BlockSpec((_D, _D), lambda i: (0, 0))
    row = pl.BlockSpec((1, _D), lambda i: (0, 0))
    return pl.pallas_call(
        _table_body,
        grid=(_NP,),
        in_specs=[pl.BlockSpec((_BN, _D), lambda i: (i, 0)),
                  full, row, full, row, full, row],
        out_specs=pl.BlockSpec((2, _BN, _D), lambda i: (0, i, 0)),
        out_shape=jax.ShapeDtypeStruct((2, _N, _D), jnp.float32),
    )(variables, wn, bn.reshape(1, _D), w1, b1.reshape(1, _D),
      w2, b2.reshape(1, _D))



def _accumulate(r, a):
    def clause(g, c2):
        for ch in range(_D // 16):
            s = pl.ds(ch * 16, 16)
            a[g, s] = (r[_V * g, s] + r[_V * g + 1, s]
                       + r[_V * g + 2, s] + r[_V * g + 3, s])
        return c2

    lax.fori_loop(0, _G, clause, 0)


def _sc_body(table, idx, out, idx_v, rows_v, acc_v, gs0, gs1, os0, os1):
    wid = lax.axis_index("s") * 2 + lax.axis_index("c")
    base = wid * _BPW

    pltpu.sync_copy(idx.at[wid], idx_v)
    pltpu.async_copy(table.at[idx_v.at[0]], rows_v.at[0], gs0)

    def pair(p, carry):
        b0 = 2 * p
        pltpu.async_copy(table.at[idx_v.at[b0 + 1]], rows_v.at[1], gs1)
        pltpu.make_async_copy(table.at[idx_v.at[b0]], rows_v.at[0], gs0).wait()

        @pl.when(p > 0)
        def _():
            pltpu.make_async_copy(
                acc_v.at[0], out.at[pl.ds((base + b0 - 2) * _G, _G)],
                os0).wait()

        _accumulate(rows_v.at[0], acc_v.at[0])
        pltpu.async_copy(acc_v.at[0], out.at[pl.ds((base + b0) * _G, _G)], os0)

        @pl.when(b0 + 2 < _BPW)
        def _():
            pltpu.async_copy(table.at[idx_v.at[b0 + 2]], rows_v.at[0], gs0)

        pltpu.make_async_copy(
            table.at[idx_v.at[b0 + 1]], rows_v.at[1], gs1).wait()

        @pl.when(p > 0)
        def _():
            pltpu.make_async_copy(
                acc_v.at[1], out.at[pl.ds((base + b0 - 1) * _G, _G)],
                os1).wait()

        _accumulate(rows_v.at[1], acc_v.at[1])
        pltpu.async_copy(
            acc_v.at[1], out.at[pl.ds((base + b0 + 1) * _G, _G)], os1)
        return carry

    lax.fori_loop(0, _BPW // 2, pair, 0)
    pltpu.make_async_copy(
        acc_v.at[0], out.at[pl.ds((base + _BPW - 2) * _G, _G)], os0).wait()
    pltpu.make_async_copy(
        acc_v.at[1], out.at[pl.ds((base + _BPW - 1) * _G, _G)], os1).wait()


@functools.cache
def _sc_gather_sum_fn():
    mesh = plsc.VectorSubcoreMesh(core_axis_name="c", subcore_axis_name="s")
    return pl.kernel(
        _sc_body,
        mesh=mesh,
        out_type=jax.ShapeDtypeStruct((_NBLKP * _G, _D), jnp.float32),
        scratch_types=[
            pltpu.VMEM((_BPW, _G * _V), jnp.int32),
            pltpu.VMEM((2, _G * _V, _D), jnp.float32),
            pltpu.VMEM((2, _G, _D), jnp.float32),
            pltpu.SemaphoreType.DMA,
            pltpu.SemaphoreType.DMA,
            pltpu.SemaphoreType.DMA,
            pltpu.SemaphoreType.DMA,
        ],
    )



def _update_body(ce0_ref, ce1_ref, ce2_ref, ce3_ref, v_ref,
                 w1_ref, b1_ref, w2_ref, b2_ref,
                 wz_ref, uz_ref, wr_ref, ur_ref, w_ref, u_ref, out_ref):
    w1, b1 = w1_ref[...], b1_ref[...]
    w2, b2 = w2_ref[...], b2_ref[...]
    av = _combine(ce0_ref[...], w1, b1, w2, b2)
    for ce_ref in (ce1_ref, ce2_ref, ce3_ref):
        av = av + _combine(ce_ref[...], w1, b1, w2, b2)
    x = v_ref[...]
    z = jax.nn.sigmoid(_dot_t(av, wz_ref[...]) + _dot_t(x, uz_ref[...]))
    r = jax.nn.sigmoid(_dot_t(av, wr_ref[...]) + _dot_t(x, ur_ref[...]))
    h_t = jnp.tanh(_dot_t(av, w_ref[...]) + _dot_t(r * x, u_ref[...]))
    out_ref[...] = (1.0 - z) * x + z * h_t


def _update(ce_pad, variables, w1, b1, w2, b2, wz, uz, wr, ur, w, u):
    full = pl.BlockSpec((_D, _D), lambda i: (0, 0))
    row = pl.BlockSpec((1, _D), lambda i: (0, 0))

    def plane_spec(c):
        return pl.BlockSpec((_BN, _D), lambda i, c=c: (c * _NP + i, 0))

    return pl.pallas_call(
        _update_body,
        grid=(_NP,),
        in_specs=[plane_spec(0), plane_spec(1), plane_spec(2), plane_spec(3),
                  pl.BlockSpec((_BN, _D), lambda i: (i, 0)),
                  full, row, full, row, full, full, full, full, full, full],
        out_specs=pl.BlockSpec((_BN, _D), lambda i: (i, 0)),
        out_shape=jax.ShapeDtypeStruct((_N, _D), jnp.float32),
    )(ce_pad, ce_pad, ce_pad, ce_pad, variables,
      w1, b1.reshape(1, _D), w2, b2.reshape(1, _D), wz, uz, wr, ur, w, u)


def kernel(variables, lits, Wn, bn, W1v, b1v, W2v, b2v, W1c, b1c, W2c, b2c,
           Wz, Uz, Wr, Ur, W, U):
    idx_flat = jnp.transpose(lits.astype(jnp.int32), (1, 0, 2)).reshape(-1)
    npad = _NBLKP * _G * _V - idx_flat.shape[0]
    idx_blk = jnp.concatenate(
        [idx_flat, jnp.arange(npad, dtype=jnp.int32)]
    ).reshape(_NW, _BPW, _G * _V)
    y_table = _build_table(variables, Wn, bn, W1v, b1v, W2v, b2v)
    ce_pad = _sc_gather_sum_fn()(y_table.reshape(2 * _N, _D), idx_blk)
    return _update(ce_pad, variables,
                   W1c, b1c, W2c, b2c, Wz, Uz, Wr, Ur, W, U)

# --- scband reference (transcript-rebuilt; emitter-appended) ---
"""Pipeline reference for scband-inner-iteration-50362786513248 (READ-ONLY COPY).

The authoritative reference and input builder live on the scoring server;
editing this copy changes nothing except your own understanding.
"""

import jax, jax.numpy as jnp
import numpy as np

N = 10000
D = 256
C = 4
V = 4


def _linear_params(key, d_out, d_in, bias=True):
    k1, k2 = jax.random.split(key)
    s = 1.0 / np.sqrt(d_in)
    W = jax.random.uniform(k1, (d_out, d_in), minval=-s, maxval=s, dtype=jnp.float32)
    if bias:
        b = jax.random.uniform(k2, (d_out,), minval=-s, maxval=s, dtype=jnp.float32)
        return W, b
    return W


def setup_inputs(seed: int = 0) -> dict:
    key = jax.random.key(seed)
    ks = jax.random.split(key, 20)
    variables = jax.random.normal(ks[0], (N, D), dtype=jnp.float32)
    # literals encoded in [0, 2N): var index = lits % N, negated if lits >= N
    lits = jax.random.randint(ks[1], (N, C, V), 0, 2 * N, dtype=jnp.int64)
    Wn, bn = _linear_params(ks[2], D, D)  # negation linear
    W1v, b1v = _linear_params(ks[3], D, D)  # variable_combiner.layer1
    W2v, b2v = _linear_params(ks[4], D, D)  # variable_combiner.layer2
    W1c, b1c = _linear_params(ks[5], D, D)  # clause_combiner.layer1
    W2c, b2c = _linear_params(ks[6], D, D)  # clause_combiner.layer2
    Wz = _linear_params(ks[7], D, D, bias=False)
    Uz = _linear_params(ks[8], D, D, bias=False)
    Wr = _linear_params(ks[9], D, D, bias=False)
    Ur = _linear_params(ks[10], D, D, bias=False)
    W = _linear_params(ks[11], D, D, bias=False)
    U = _linear_params(ks[12], D, D, bias=False)
    return {"variables": variables, "lits": lits, "Wn": Wn, "bn": bn,
            "W1v": W1v, "b1v": b1v, "W2v": W2v, "b2v": b2v,
            "W1c": W1c, "b1c": b1c, "W2c": W2c, "b2c": b2c,
            "Wz": Wz, "Uz": Uz, "Wr": Wr, "Ur": Ur, "W": W, "U": U}


def _normalize(x):
    return x / (jnp.linalg.norm(x, axis=-1, keepdims=True) + 1e-8)


def _symmetric_sum_combine(x, W1, b1, W2, b2, axis):
    # out = sum over inputs of normalize(sigmoid(layer1(x)) + layer2(x))
    y = jax.nn.sigmoid(x @ W1.T + b1) + (x @ W2.T + b2)
    y = _normalize(y)
    return y.sum(axis=axis)


def reference(variables, lits, Wn, bn, W1v, b1v, W2v, b2v, W1c, b1c, W2c, b2c, Wz, Uz, Wr, Ur, W, U):
    n = variables.shape[0]
    idx = lits % n                       # [N, C, V] variable index of each literal
    neg = (lits >= n)[..., None]         # [N, C, V, 1] negation flag
    v = jnp.take(variables, idx, axis=0)  # gather: [N, C, V, D]
    v_neg = v @ Wn.T + bn                # negation linear applied per literal
    v = jnp.where(neg, v_neg, v)
    # variable_combiner over the literals of each clause (order-invariant sum)
    clause_emb = _symmetric_sum_combine(v, W1v, b1v, W2v, b2v, axis=2)      # [N, C, D]
    # clause_combiner over the clauses of each variable
    av = _symmetric_sum_combine(clause_emb, W1c, b1c, W2c, b2c, axis=1)     # [N, D]
    # GRU update
    z = jax.nn.sigmoid(av @ Wz.T + variables @ Uz.T)
    r = jax.nn.sigmoid(av @ Wr.T + variables @ Ur.T)
    h_tilda = jnp.tanh(av @ W.T + (r * variables) @ U.T)
    h = (1.0 - z) * variables + z * h_tilda
    return h

if __name__ == "__main__":
    import jax
    _d = setup_inputs()
    print(jax.jit(kernel)(*tuple(_d.values())))

</pallas_src>

<mosaic_0001>
#map = affine_map<(d0, d1) -> (0, 0)>
#map1 = affine_map<(d0, d1) -> (0, 0, 0)>
module attributes {stable_mosaic.version = 14 : i64} {
  func.func @_sc_body(%arg0: i32, %arg1: i32, %arg2: memref<20000x256xf32, #tpu.memory_space<hbm>>, %arg3: memref<32x40x128xi32, #tpu.memory_space<hbm>>, %arg4: memref<40960x256xf32, #tpu.memory_space<hbm>>, %arg5: memref<40x128xi32, #tpu.memory_space<vmem>>, %arg6: memref<2x128x256xf32, #tpu.memory_space<vmem>>, %arg7: memref<2x32x256xf32, #tpu.memory_space<vmem>>, %arg8: memref<!tpu.dma_semaphore, #tpu.memory_space<semaphore_mem>>, %arg9: memref<!tpu.dma_semaphore, #tpu.memory_space<semaphore_mem>>, %arg10: memref<!tpu.dma_semaphore, #tpu.memory_space<semaphore_mem>>, %arg11: memref<!tpu.dma_semaphore, #tpu.memory_space<semaphore_mem>>) attributes {dimension_semantics = [#tpu.dimension_semantics<core_parallel>, #tpu.dimension_semantics<subcore_parallel>], iteration_bounds = array<i64: 2, 16>, scalar_prefetch = 0 : i64, scratch_operands = 7 : i64, tpu.core_type = #tpu.core_type<sc_vector_subcore>, window_params = [{transform_indices = #map}, {transform_indices = #map1}, {transform_indices = #map}]} {
    %mul3A = arith.constant 2 : i32
    %mul3A_0 = arith.muli %arg1, %mul3A : i32
    %add3A = arith.addi %mul3A_0, %arg0 : i32
    %mul3A_1 = arith.constant 40 : i32
    %mul3A_2 = arith.muli %add3A, %mul3A_1 : i32
    "tpu.region"() ({
      %run_scoped3A = tpu.sem_alloc : memref<!tpu.dma_semaphore, #tpu.memory_space<semaphore_mem>>
      %dma_start3A_55 = arith.constant 0 : i32
      %dma_start3A_56 = arith.constant 0 : i32
      %dma_start3A_57 = tpu.memref_slice %arg3[%add3A, %dma_start3A_55, %dma_start3A_56] : memref<32x40x128xi32, #tpu.memory_space<hbm>> -> memref<1x40x128xi32, #tpu.memory_space<hbm>>
      %dma_start3A_58 = tpu.memref_squeeze %dma_start3A_57 : memref<1x40x128xi32, #tpu.memory_space<hbm>> -> memref<40x128xi32, #tpu.memory_space<hbm>>
      %dma_start3A_59 = arith.constant 0 : i32
      %dma_start3A_60 = arith.constant 0 : i32
      %dma_start3A_61 = tpu.memref_slice %arg3[%add3A, %dma_start3A_59, %dma_start3A_60] : memref<32x40x128xi32, #tpu.memory_space<hbm>> -> memref<1x40x128xi32, #tpu.memory_space<hbm>>
      %dma_start3A_62 = tpu.memref_squeeze %dma_start3A_61 : memref<1x40x128xi32, #tpu.memory_space<hbm>> -> memref<40x128xi32, #tpu.memory_space<hbm>>
      tpu.enqueue_dma source(%dma_start3A_62 : memref<40x128xi32, #tpu.memory_space<hbm>>) target(%arg5 : memref<40x128xi32, #tpu.memory_space<vmem>>) target_semaphore(%run_scoped3A : memref<!tpu.dma_semaphore, #tpu.memory_space<semaphore_mem>>)
      %dma_wait3A_63 = arith.constant 0 : i32
      %dma_wait3A_64 = arith.constant 0 : i32
      %dma_wait3A_65 = tpu.memref_slice %arg3[%add3A, %dma_wait3A_63, %dma_wait3A_64] : memref<32x40x128xi32, #tpu.memory_space<hbm>> -> memref<1x40x128xi32, #tpu.memory_space<hbm>>
      %dma_wait3A_66 = tpu.memref_squeeze %dma_wait3A_65 : memref<1x40x128xi32, #tpu.memory_space<hbm>> -> memref<40x128xi32, #tpu.memory_space<hbm>>
      %dma_wait3A_67 = arith.constant 0 : i32
      %dma_wait3A_68 = arith.constant 0 : i32
      %dma_wait3A_69 = tpu.memref_slice %arg3[%add3A, %dma_wait3A_67, %dma_wait3A_68] : memref<32x40x128xi32, #tpu.memory_space<hbm>> -> memref<1x40x128xi32, #tpu.memory_space<hbm>>
      %dma_wait3A_70 = tpu.memref_squeeze %dma_wait3A_69 : memref<1x40x128xi32, #tpu.memory_space<hbm>> -> memref<40x128xi32, #tpu.memory_space<hbm>>
      tpu.wait_dma2 semaphore(%run_scoped3A : memref<!tpu.dma_semaphore, #tpu.memory_space<semaphore_mem>>) src(%dma_wait3A_70 : memref<40x128xi32, #tpu.memory_space<hbm>>) dst(%arg5 : memref<40x128xi32, #tpu.memory_space<vmem>>)
      tpu.yield
    }) : () -> ()
    %dma_start3A = arith.constant 0 : i32
    %dma_start3A_3 = arith.constant 0 : i32
    %dma_start3A_4 = arith.constant 0 : i32
    %dma_start3A_5 = arith.constant 0 : i32
    %dma_start3A_6 = tpu.memref_slice %arg6[%dma_start3A_3, %dma_start3A_4, %dma_start3A_5] : memref<2x128x256xf32, #tpu.memory_space<vmem>> -> memref<1x128x256xf32, #tpu.memory_space<vmem>>
    %dma_start3A_7 = tpu.memref_squeeze %dma_start3A_6 : memref<1x128x256xf32, #tpu.memory_space<vmem>> -> memref<128x256xf32, #tpu.memory_space<vmem>>
    %dma_start3A_8 = arith.constant 0 : i32
    %dma_start3A_9 = tpu.memref_slice %arg5[%dma_start3A, %dma_start3A_8] : memref<40x128xi32, #tpu.memory_space<vmem>> -> memref<1x128xi32, #tpu.memory_space<vmem>>
    %dma_start3A_10 = tpu.memref_squeeze %dma_start3A_9 : memref<1x128xi32, #tpu.memory_space<vmem>> -> memref<128xi32, #tpu.memory_space<vmem>>
    %dma_start3A_11 = arith.constant 0 : i32
    %dma_start3A_12 = arith.constant 0 : i32
    %dma_start3A_13 = tpu.memref_slice %arg2[%dma_start3A_11, %dma_start3A_12] : memref<20000x256xf32, #tpu.memory_space<hbm>> -> memref<20000x256xf32, #tpu.memory_space<hbm>>
    tpu.enqueue_indirect_dma source(%dma_start3A_13 : memref<20000x256xf32, #tpu.memory_space<hbm>>) target(%dma_start3A_7 : memref<128x256xf32, #tpu.memory_space<vmem>>) offsets(%dma_start3A_10 : memref<128xi32, #tpu.memory_space<vmem>>) semaphore(%arg8 : memref<!tpu.dma_semaphore, #tpu.memory_space<semaphore_mem>>)
    %scan3A = arith.constant 0 : i32
    %scan3A_14 = arith.constant 0 : i32
    %scan3A_15 = arith.constant 20 : i32
    %scan3A_16 = arith.addi %scan3A_14, %scan3A_15 : i32
    %scan3A_17 = arith.constant 1 : i32
    scf.for %scan3A_55 = %scan3A_14 to %scan3A_16 step %scan3A_17  : i32 {
      %mul3A_56 = arith.constant 2 : i32
      %mul3A_57 = arith.muli %mul3A_56, %scan3A_55 : i32
      %add3A_58 = arith.constant 1 : i32
      %add3A_59 = arith.addi %mul3A_57, %add3A_58 : i32
      %dma_start3A_60 = arith.constant 1 : i32
      %dma_start3A_61 = arith.constant 0 : i32
      %dma_start3A_62 = arith.constant 0 : i32
      %dma_start3A_63 = tpu.memref_slice %arg6[%dma_start3A_60, %dma_start3A_61, %dma_start3A_62] : memref<2x128x256xf32, #tpu.memory_space<vmem>> -> memref<1x128x256xf32, #tpu.memory_space<vmem>>
      %dma_start3A_64 = tpu.memref_squeeze %dma_start3A_63 : memref<1x128x256xf32, #tpu.memory_space<vmem>> -> memref<128x256xf32, #tpu.memory_space<vmem>>
      %dma_start3A_65 = arith.constant 0 : i32
      %dma_start3A_66 = tpu.memref_slice %arg5[%add3A_59, %dma_start3A_65] : memref<40x128xi32, #tpu.memory_space<vmem>> -> memref<1x128xi32, #tpu.memory_space<vmem>>
      %dma_start3A_67 = tpu.memref_squeeze %dma_start3A_66 : memref<1x128xi32, #tpu.memory_space<vmem>> -> memref<128xi32, #tpu.memory_space<vmem>>
      %dma_start3A_68 = arith.constant 0 : i32
      %dma_start3A_69 = arith.constant 0 : i32
      %dma_start3A_70 = tpu.memref_slice %arg2[%dma_start3A_68, %dma_start3A_69] : memref<20000x256xf32, #tpu.memory_space<hbm>> -> memref<20000x256xf32, #tpu.memory_space<hbm>>
      tpu.enqueue_indirect_dma source(%dma_start3A_70 : memref<20000x256xf32, #tpu.memory_space<hbm>>) target(%dma_start3A_64 : memref<128x256xf32, #tpu.memory_space<vmem>>) offsets(%dma_start3A_67 : memref<128xi32, #tpu.memory_space<vmem>>) semaphore(%arg9 : memref<!tpu.dma_semaphore, #tpu.memory_space<semaphore_mem>>)
      %dma_wait3A_71 = arith.constant 0 : i32
      %dma_wait3A_72 = arith.constant 0 : i32
      %dma_wait3A_73 = arith.constant 0 : i32
      %dma_wait3A_74 = tpu.memref_slice %arg6[%dma_wait3A_71, %dma_wait3A_72, %dma_wait3A_73] : memref<2x128x256xf32, #tpu.memory_space<vmem>> -> memref<1x128x256xf32, #tpu.memory_space<vmem>>
      %dma_wait3A_75 = tpu.memref_squeeze %dma_wait3A_74 : memref<1x128x256xf32, #tpu.memory_space<vmem>> -> memref<128x256xf32, #tpu.memory_space<vmem>>
      %dma_wait3A_76 = arith.constant 0 : i32
      %dma_wait3A_77 = tpu.memref_slice %arg5[%mul3A_57, %dma_wait3A_76] : memref<40x128xi32, #tpu.memory_space<vmem>> -> memref<1x128xi32, #tpu.memory_space<vmem>>
      %dma_wait3A_78 = tpu.memref_squeeze %dma_wait3A_77 : memref<1x128xi32, #tpu.memory_space<vmem>> -> memref<128xi32, #tpu.memory_space<vmem>>
      %dma_wait3A_79 = arith.constant 0 : i32
      %dma_wait3A_80 = arith.constant 0 : i32
      %dma_wait3A_81 = tpu.memref_slice %arg2[%dma_wait3A_79, %dma_wait3A_80] : memref<20000x256xf32, #tpu.memory_space<hbm>> -> memref<20000x256xf32, #tpu.memory_space<hbm>>
      tpu.wait_indirect_dma semaphore(%arg8 : memref<!tpu.dma_semaphore, #tpu.memory_space<semaphore_mem>>) src(%dma_wait3A_81 : memref<20000x256xf32, #tpu.memory_space<hbm>>) dst(%dma_wait3A_75 : memref<128x256xf32, #tpu.memory_space<vmem>>)
      %gt3A = arith.constant 0 : i32
      %gt3A_82 = arith.cmpi sgt, %scan3A_55, %gt3A : i32
      %convert_element_type3A = arith.extui %gt3A_82 : i1 to i32
      %cond3A = arith.constant 0 : i32
      %cond3A_83 = arith.cmpi ne, %convert_element_type3A, %cond3A : i32
      scf.if %cond3A_83 {
        %add3A_158 = arith.addi %mul3A_2, %mul3A_57 : i32
        %sub3A_159 = arith.constant 2 : i32
        %sub3A_160 = arith.subi %add3A_158, %sub3A_159 : i32
        %mul3A_161 = arith.constant 32 : i32
        %mul3A_162 = arith.muli %sub3A_160, %mul3A_161 : i32
        %dma_wait3A_163 = arith.constant 0 : i32
        %dma_wait3A_164 = arith.constant 0 : i32
        %dma_wait3A_165 = arith.constant 0 : i32
        %dma_wait3A_166 = tpu.memref_slice %arg7[%dma_wait3A_163, %dma_wait3A_164, %dma_wait3A_165] : memref<2x32x256xf32, #tpu.memory_space<vmem>> -> memref<1x32x256xf32, #tpu.memory_space<vmem>>
        %dma_wait3A_167 = tpu.memref_squeeze %dma_wait3A_166 : memref<1x32x256xf32, #tpu.memory_space<vmem>> -> memref<32x256xf32, #tpu.memory_space<vmem>>
        %dma_wait3A_168 = arith.constant 0 : i32
        %dma_wait3A_169 = tpu.memref_slice %arg4[%mul3A_162, %dma_wait3A_168] : memref<40960x256xf32, #tpu.memory_space<hbm>> -> memref<32x256xf32, #tpu.memory_space<hbm>>
        %dma_wait3A_170 = arith.constant 0 : i32
        %dma_wait3A_171 = tpu.memref_slice %arg4[%mul3A_162, %dma_wait3A_170] : memref<40960x256xf32, #tpu.memory_space<hbm>> -> memref<32x256xf32, #tpu.memory_space<hbm>>
        %dma_wait3A_172 = arith.constant 0 : i32
        %dma_wait3A_173 = arith.constant 0 : i32
        %dma_wait3A_174 = tpu.memref_slice %arg7[%dma_wait3A_163, %dma_wait3A_172, %dma_wait3A_173] : memref<2x32x256xf32, #tpu.memory_space<vmem>> -> memref<1x32x256xf32, #tpu.memory_space<vmem>>
        %dma_wait3A_175 = tpu.memref_squeeze %dma_wait3A_174 : memref<1x32x256xf32, #tpu.memory_space<vmem>> -> memref<32x256xf32, #tpu.memory_space<vmem>>
        tpu.wait_dma2 semaphore(%arg10 : memref<!tpu.dma_semaphore, #tpu.memory_space<semaphore_mem>>) src(%dma_wait3A_175 : memref<32x256xf32, #tpu.memory_space<vmem>>) dst(%dma_wait3A_171 : memref<32x256xf32, #tpu.memory_space<hbm>>)
      } else {
      }
      %scan3A_84 = arith.constant 0 : i32
      %scan3A_85 = arith.constant 0 : i32
      %scan3A_86 = arith.constant 0 : i32
      %scan3A_87 = arith.constant 0 : i32
      %scan3A_88 = arith.constant 32 : i32
      %scan3A_89 = arith.addi %scan3A_87, %scan3A_88 : i32
      %scan3A_90 = arith.constant 1 : i32
      scf.for %scan3A_158 = %scan3A_87 to %scan3A_89 step %scan3A_90  : i32 {
        %mul3A_159 = arith.constant 4 : i32
        %mul3A_160 = arith.muli %mul3A_159, %scan3A_158 : i32
        %get3A = arith.constant 0 : i32
        %get3A_161 = arith.constant 0 : i32
        %get3A_162 = tpu.memref_slice %arg6[%scan3A_85, %get3A, %get3A_161] : memref<2x128x256xf32, #tpu.memory_space<vmem>> -> memref<1x128x256xf32, #tpu.memory_space<vmem>>
        %get3A_163 = tpu.memref_squeeze %get3A_162 : memref<1x128x256xf32, #tpu.memory_space<vmem>> -> memref<128x256xf32, #tpu.memory_space<vmem>>
        %get3A_164 = arith.index_cast %mul3A_160 : i32 to index
        %get3A_165 = arith.constant 0 : index
        %get3A_166 = tpu.vector_load %get3A_163[%get3A_164, %get3A_165] {strides = array<i32>} : memref<128x256xf32, #tpu.memory_space<vmem>>, vector<1x16xf32>,
        %get3A_167 = vector.shape_cast %get3A_166 : vector<1x16xf32> to vector<16xf32>
        %mul3A_168 = arith.constant 4 : i32
        %mul3A_169 = arith.muli %mul3A_168, %scan3A_158 : i32
        %add3A_170 = arith.constant 1 : i32
        %add3A_171 = arith.addi %mul3A_169, %add3A_170 : i32
        %get3A_172 = arith.constant 0 : i32
        %get3A_173 = arith.constant 0 : i32
        %get3A_174 = tpu.memref_slice %arg6[%scan3A_85, %get3A_172, %get3A_173] : memref<2x128x256xf32, #tpu.memory_space<vmem>> -> memref<1x128x256xf32, #tpu.memory_space<vmem>>
        %get3A_175 = tpu.memref_squeeze %get3A_174 : memref<1x128x256xf32, #tpu.memory_space<vmem>> -> memref<128x256xf32, #tpu.memory_space<vmem>>
        %get3A_176 = arith.index_cast %add3A_171 : i32 to index
        %get3A_177 = arith.constant 0 : index
        %get3A_178 = tpu.vector_load %get3A_175[%get3A_176, %get3A_177] {strides = array<i32>} : memref<128x256xf32, #tpu.memory_space<vmem>>, vector<1x16xf32>,
        %get3A_179 = vector.shape_cast %get3A_178 : vector<1x16xf32> to vector<16xf32>
        %add3A_180 = arith.addf %get3A_167, %get3A_179 : vector<16xf32>
        %mul3A_181 = arith.constant 4 : i32
        %mul3A_182 = arith.muli %mul3A_181, %scan3A_158 : i32
        %add3A_183 = arith.constant 2 : i32
        %add3A_184 = arith.addi %mul3A_182, %add3A_183 : i32
        %get3A_185 = arith.constant 0 : i32
        %get3A_186 = arith.constant 0 : i32
        %get3A_187 = tpu.memref_slice %arg6[%scan3A_85, %get3A_185, %get3A_186] : memref<2x128x256xf32, #tpu.memory_space<vmem>> -> memref<1x128x256xf32, #tpu.memory_space<vmem>>
        %get3A_188 = tpu.memref_squeeze %get3A_187 : memref<1x128x256xf32, #tpu.memory_space<vmem>> -> memref<128x256xf32, #tpu.memory_space<vmem>>
        %get3A_189 = arith.index_cast %add3A_184 : i32 to index
        %get3A_190 = arith.constant 0 : index
        %get3A_191 = tpu.vector_load %get3A_188[%get3A_189, %get3A_190] {strides = array<i32>} : memref<128x256xf32, #tpu.memory_space<vmem>>, vector<1x16xf32>,
        %get3A_192 = vector.shape_cast %get3A_191 : vector<1x16xf32> to vector<16xf32>
        %add3A_193 = arith.addf %add3A_180, %get3A_192 : vector<16xf32>
        %mul3A_194 = arith.constant 4 : i32
        %mul3A_195 = arith.muli %mul3A_194, %scan3A_158 : i32
        %add3A_196 = arith.constant 3 : i32
        %add3A_197 = arith.addi %mul3A_195, %add3A_196 : i32
        %get3A_198 = arith.constant 0 : i32
        %get3A_199 = arith.constant 0 : i32
        %get3A_200 = tpu.memref_slice %arg6[%scan3A_85, %get3A_198, %get3A_199] : memref<2x128x256xf32, #tpu.memory_space<vmem>> -> memref<1x128x256xf32, #tpu.memory_space<vmem>>
        %get3A_201 = tpu.memref_squeeze %get3A_200 : memref<1x128x256xf32, #tpu.memory_space<vmem>> -> memref<128x256xf32, #tpu.memory_space<vmem>>
        %get3A_202 = arith.index_cast %add3A_197 : i32 to index
        %get3A_203 = arith.constant 0 : index
        %get3A_204 = tpu.vector_load %get3A_201[%get3A_202, %get3A_203] {strides = array<i32>} : memref<128x256xf32, #tpu.memory_space<vmem>>, vector<1x16xf32>,
        %get3A_205 = vector.shape_cast %get3A_204 : vector<1x16xf32> to vector<16xf32>
        %add3A_206 = arith.addf %add3A_193, %get3A_205 : vector<16xf32>
        %swap3A = arith.constant 0 : i32
        %swap3A_207 = arith.constant 0 : i32
        %swap3A_208 = tpu.memref_slice %arg7[%scan3A_86, %swap3A, %swap3A_207] : memref<2x32x256xf32, #tpu.memory_space<vmem>> -> memref<1x32x256xf32, #tpu.memory_space<vmem>>
        %swap3A_209 = tpu.memref_squeeze %swap3A_208 : memref<1x32x256xf32, #tpu.memory_space<vmem>> -> memref<32x256xf32, #tpu.memory_space<vmem>>
        %swap3A_210 = arith.index_cast %scan3A_158 : i32 to index
        %swap3A_211 = arith.constant 0 : index
        %swap3A_212 = tpu.vector_load %swap3A_209[%swap3A_210, %swap3A_211] {strides = array<i32>} : memref<32x256xf32, #tpu.memory_space<vmem>>, vector<1x16xf32>,
        %swap3A_213 = vector.shape_cast %swap3A_212 : vector<1x16xf32> to vector<16xf32>
        %swap3A_214 = vector.shape_cast %add3A_206 : vector<16xf32> to vector<1x16xf32>
        tpu.vector_store %swap3A_209[%swap3A_210, %swap3A_211], %swap3A_214 {strides = array<i32>} : memref<32x256xf32, #tpu.memory_space<vmem>>, vector<1x16xf32>,
        %mul3A_215 = arith.constant 4 : i32
        %mul3A_216 = arith.muli %mul3A_215, %scan3A_158 : i32
        %get3A_217 = arith.constant 0 : i32
        %get3A_218 = arith.constant 0 : i32
        %get3A_219 = tpu.memref_slice %arg6[%scan3A_85, %get3A_217, %get3A_218] : memref<2x128x256xf32, #tpu.memory_space<vmem>> -> memref<1x128x256xf32, #tpu.memory_space<vmem>>
        %get3A_220 = tpu.memref_squeeze %get3A_219 : memref<1x128x256xf32, #tpu.memory_space<vmem>> -> memref<128x256xf32, #tpu.memory_space<vmem>>
        %get3A_221 = arith.index_cast %mul3A_216 : i32 to index
        %get3A_222 = arith.constant 16 : index
        %get3A_223 = tpu.vector_load %get3A_220[%get3A_221, %get3A_222] {strides = array<i32>} : memref<128x256xf32, #tpu.memory_space<vmem>>, vector<1x16xf32>,
        %get3A_224 = vector.shape_cast %get3A_223 : vector<1x16xf32> to vector<16xf32>
        %mul3A_225 = arith.constant 4 : i32
        %mul3A_226 = arith.muli %mul3A_225, %scan3A_158 : i32
        %add3A_227 = arith.constant 1 : i32
        %add3A_228 = arith.addi %mul3A_226, %add3A_227 : i32
        %get3A_229 = arith.constant 0 : i32
        %get3A_230 = arith.constant 0 : i32
        %get3A_231 = tpu.memref_slice %arg6[%scan3A_85, %get3A_229, %get3A_230] : memref<2x128x256xf32, #tpu.memory_space<vmem>> -> memref<1x128x256xf32, #tpu.memory_space<vmem>>
        %get3A_232 = tpu.memref_squeeze %get3A_231 : memref<1x128x256xf32, #tpu.memory_space<vmem>> -> memref<128x256xf32, #tpu.memory_space<vmem>>
        %get3A_233 = arith.index_cast %add3A_228 : i32 to index
        %get3A_234 = arith.constant 16 : index
        %get3A_235 = tpu.vector_load %get3A_232[%get3A_233, %get3A_234] {strides = array<i32>} : memref<128x256xf32, #tpu.memory_space<vmem>>, vector<1x16xf32>,
        %get3A_236 = vector.shape_cast %get3A_235 : vector<1x16xf32> to vector<16xf32>
        %add3A_237 = arith.addf %get3A_224, %get3A_236 : vector<16xf32>
        %mul3A_238 = arith.constant 4 : i32
        %mul3A_239 = arith.muli %mul3A_238, %scan3A_158 : i32
        %add3A_240 = arith.constant 2 : i32
        %add3A_241 = arith.addi %mul3A_239, %add3A_240 : i32
        %get3A_242 = arith.constant 0 : i32
        %get3A_243 = arith.constant 0 : i32
        %get3A_244 = tpu.memref_slice %arg6[%scan3A_85, %get3A_242, %get3A_243] : memref<2x128x256xf32, #tpu.memory_space<vmem>> -> memref<1x128x256xf32, #tpu.memory_space<vmem>>
        %get3A_245 = tpu.memref_squeeze %get3A_244 : memref<1x128x256xf32, #tpu.memory_space<vmem>> -> memref<128x256xf32, #tpu.memory_space<vmem>>
        %get3A_246 = arith.index_cast %add3A_241 : i32 to index
        %get3A_247 = arith.constant 16 : index
        %get3A_248 = tpu.vector_load %get3A_245[%get3A_246, %get3A_247] {strides = array<i32>} : memref<128x256xf32, #tpu.memory_space<vmem>>, vector<1x16xf32>,
        %get3A_249 = vector.shape_cast %get3A_248 : vector<1x16xf32> to vector<16xf32>
        %add3A_250 = arith.addf %add3A_237, %get3A_249 : vector<16xf32>
        %mul3A_251 = arith.constant 4 : i32
        %mul3A_252 = arith.muli %mul3A_251, %scan3A_158 : i32
        %add3A_253 = arith.constant 3 : i32
        %add3A_254 = arith.addi %mul3A_252, %add3A_253 : i32
        %get3A_255 = arith.constant 0 : i32
        %get3A_256 = arith.constant 0 : i32
        %get3A_257 = tpu.memref_slice %arg6[%scan3A_85, %get3A_255, %get3A_256] : memref<2x128x256xf32, #tpu.memory_space<vmem>> -> memref<1x128x256xf32, #tpu.memory_space<vmem>>
        %get3A_258 = tpu.memref_squeeze %get3A_257 : memref<1x128x256xf32, #tpu.memory_space<vmem>> -> memref<128x256xf32, #tpu.memory_space<vmem>>
        %get3A_259 = arith.index_cast %add3A_254 : i32 to index
        %get3A_260 = arith.constant 16 : index
        %get3A_261 = tpu.vector_load %get3A_258[%get3A_259, %get3A_260] {strides = array<i32>} : memref<128x256xf32, #tpu.memory_space<vmem>>, vector<1x16xf32>,
        %get3A_262 = vector.shape_cast %get3A_261 : vector<1x16xf32> to vector<16xf32>
        %add3A_263 = arith.addf %add3A_250, %get3A_262 : vector<16xf32>
        %swap3A_264 = arith.constant 0 : i32
        %swap3A_265 = arith.constant 0 : i32
        %swap3A_266 = tpu.memref_slice %arg7[%scan3A_86, %swap3A_264, %swap3A_265] : memref<2x32x256xf32, #tpu.memory_space<vmem>> -> memref<1x32x256xf32, #tpu.memory_space<vmem>>
        %swap3A_267 = tpu.memref_squeeze %swap3A_266 : memref<1x32x256xf32, #tpu.memory_space<vmem>> -> memref<32x256xf32, #tpu.memory_space<vmem>>
        %swap3A_268 = arith.index_cast %scan3A_158 : i32 to index
        %swap3A_269 = arith.constant 16 : index
        %swap3A_270 = tpu.vector_load %swap3A_267[%swap3A_268, %swap3A_269] {strides = array<i32>} : memref<32x256xf32, #tpu.memory_space<vmem>>, vector<1x16xf32>,
        %swap3A_271 = vector.shape_cast %swap3A_270 : vector<1x16xf32> to vector<16xf32>
        %swap3A_272 = vector.shape_cast %add3A_263 : vector<16xf32> to vector<1x16xf32>
        tpu.vector_store %swap3A_267[%swap3A_268, %swap3A_269], %swap3A_272 {strides = array<i32>} : memref<32x256xf32, #tpu.memory_space<vmem>>, vector<1x16xf32>,
        %mul3A_273 = arith.constant 4 : i32
        %mul3A_274 = arith.muli %mul3A_273, %scan3A_158 : i32
        %get3A_275 = arith.constant 0 : i32
        %get3A_276 = arith.constant 0 : i32
        %get3A_277 = tpu.memref_slice %arg6[%scan3A_85, %get3A_275, %get3A_276] : memref<2x128x256xf32, #tpu.memory_space<vmem>> -> memref<1x128x256xf32, #tpu.memory_space<vmem>>
        %get3A_278 = tpu.memref_squeeze %get3A_277 : memref<1x128x256xf32, #tpu.memory_space<vmem>> -> memref<128x256xf32, #tpu.memory_space<vmem>>
        %get3A_279 = arith.index_cast %mul3A_274 : i32 to index
        %get3A_280 = arith.constant 32 : index
        %get3A_281 = tpu.vector_load %get3A_278[%get3A_279, %get3A_280] {strides = array<i32>} : memref<128x256xf32, #tpu.memory_space<vmem>>, vector<1x16xf32>,
        %get3A_282 = vector.shape_cast %get3A_281 : vector<1x16xf32> to vector<16xf32>
        %mul3A_283 = arith.constant 4 : i32
        %mul3A_284 = arith.muli %mul3A_283, %scan3A_158 : i32
        %add3A_285 = arith.constant 1 : i32
        %add3A_286 = arith.addi %mul3A_284, %add3A_285 : i32
        %get3A_287 = arith.constant 0 : i32
        %get3A_288 = arith.constant 0 : i32
        %get3A_289 = tpu.memref_slice %arg6[%scan3A_85, %get3A_287, %get3A_288] : memref<2x128x256xf32, #tpu.memory_space<vmem>> -> memref<1x128x256xf32, #tpu.memory_space<vmem>>
        %get3A_290 = tpu.memref_squeeze %get3A_289 : memref<1x128x256xf32, #tpu.memory_space<vmem>> -> memref<128x256xf32, #tpu.memory_space<vmem>>
        %get3A_291 = arith.index_cast %add3A_286 : i32 to index
        %get3A_292 = arith.constant 32 : index
        %get3A_293 = tpu.vector_load %get3A_290[%get3A_291, %get3A_292] {strides = array<i32>} : memref<128x256xf32, #tpu.memory_space<vmem>>, vector<1x16xf32>,
        %get3A_294 = vector.shape_cast %get3A_293 : vector<1x16xf32> to vector<16xf32>
        %add3A_295 = arith.addf %get3A_282, %get3A_294 : vector<16xf32>
        %mul3A_296 = arith.constant 4 : i32
        %mul3A_297 = arith.muli %mul3A_296, %scan3A_158 : i32
        %add3A_298 = arith.constant 2 : i32
        %add3A_299 = arith.addi %mul3A_297, %add3A_298 : i32
        %get3A_300 = arith.constant 0 : i32
        %get3A_301 = arith.constant 0 : i32
        %get3A_302 = tpu.memref_slice %arg6[%scan3A_85, %get3A_300, %get3A_301] : memref<2x128x256xf32, #tpu.memory_space<vmem>> -> memref<1x128x256xf32, #tpu.memory_space<vmem>>
        %get3A_303 = tpu.memref_squeeze %get3A_302 : memref<1x128x256xf32, #tpu.memory_space<vmem>> -> memref<128x256xf32, #tpu.memory_space<vmem>>
        %get3A_304 = arith.index_cast %add3A_299 : i32 to index
        %get3A_305 = arith.constant 32 : index
        %get3A_306 = tpu.vector_load %get3A_303[%get3A_304, %get3A_305] {strides = array<i32>} : memref<128x256xf32, #tpu.memory_space<vmem>>, vector<1x16xf32>,
        %get3A_307 = vector.shape_cast %get3A_306 : vector<1x16xf32> to vector<16xf32>
        %add3A_308 = arith.addf %add3A_295, %get3A_307 : vector<16xf32>
        %mul3A_309 = arith.constant 4 : i32
        %mul3A_310 = arith.muli %mul3A_309, %scan3A_158 : i32
        %add3A_311 = arith.constant 3 : i32
        %add3A_312 = arith.addi %mul3A_310, %add3A_311 : i32
        %get3A_313 = arith.constant 0 : i32
        %get3A_314 = arith.constant 0 : i32
        %get3A_315 = tpu.memref_slice %arg6[%scan3A_85, %get3A_313, %get3A_314] : memref<2x128x256xf32, #tpu.memory_space<vmem>> -> memref<1x128x256xf32, #tpu.memory_space<vmem>>
        %get3A_316 = tpu.memref_squeeze %get3A_315 : memref<1x128x256xf32, #tpu.memory_space<vmem>> -> memref<128x256xf32, #tpu.memory_space<vmem>>
        %get3A_317 = arith.index_cast %add3A_312 : i32 to index
        %get3A_318 = arith.constant 32 : index
        %get3A_319 = tpu.vector_load %get3A_316[%get3A_317, %get3A_318] {strides = array<i32>} : memref<128x256xf32, #tpu.memory_space<vmem>>, vector<1x16xf32>,
        %get3A_320 = vector.shape_cast %get3A_319 : vector<1x16xf32> to vector<16xf32>
        %add3A_321 = arith.addf %add3A_308, %get3A_320 : vector<16xf32>
        %swap3A_322 = arith.constant 0 : i32
        %swap3A_323 = arith.constant 0 : i32
        %swap3A_324 = tpu.memref_slice %arg7[%scan3A_86, %swap3A_322, %swap3A_323] : memref<2x32x256xf32, #tpu.memory_space<vmem>> -> memref<1x32x256xf32, #tpu.memory_space<vmem>>
        %swap3A_325 = tpu.memref_squeeze %swap3A_324 : memref<1x32x256xf32, #tpu.memory_space<vmem>> -> memref<32x256xf32, #tpu.memory_space<vmem>>
        %swap3A_326 = arith.index_cast %scan3A_158 : i32 to index
        %swap3A_327 = arith.constant 32 : index
        %swap3A_328 = tpu.vector_load %swap3A_325[%swap3A_326, %swap3A_327] {strides = array<i32>} : memref<32x256xf32, #tpu.memory_space<vmem>>, vector<1x16xf32>,
        %swap3A_329 = vector.shape_cast %swap3A_328 : vector<1x16xf32> to vector<16xf32>
        %swap3A_330 = vector.shape_cast %add3A_321 : vector<16xf32> to vector<1x16xf32>
        tpu.vector_store %swap3A_325[%swap3A_326, %swap3A_327], %swap3A_330 {strides = array<i32>} : memref<32x256xf32, #tpu.memory_space<vmem>>, vector<1x16xf32>,
        %mul3A_331 = arith.constant 4 : i32
        %mul3A_332 = arith.muli %mul3A_331, %scan3A_158 : i32
        %get3A_333 = arith.constant 0 : i32
        %get3A_334 = arith.constant 0 : i32
        %get3A_335 = tpu.memref_slice %arg6[%scan3A_85, %get3A_333, %get3A_334] : memref<2x128x256xf32, #tpu.memory_space<vmem>> -> memref<1x128x256xf32, #tpu.memory_space<vmem>>
        %get3A_336 = tpu.memref_squeeze %get3A_335 : memref<1x128x256xf32, #tpu.memory_space<vmem>> -> memref<128x256xf32, #tpu.memory_space<vmem>>
        %get3A_337 = arith.index_cast %mul3A_332 : i32 to index
        %get3A_338 = arith.constant 48 : index
        %get3A_339 = tpu.vector_load %get3A_336[%get3A_337, %get3A_338] {strides = array<i32>} : memref<128x256xf32, #tpu.memory_space<vmem>>, vector<1x16xf32>,
        %get3A_340 = vector.shape_cast %get3A_339 : vector<1x16xf32> to vector<16xf32>
        %mul3A_341 = arith.constant 4 : i32
        %mul3A_342 = arith.muli %mul3A_341, %scan3A_158 : i32
        %add3A_343 = arith.constant 1 : i32
        %add3A_344 = arith.addi %mul3A_342, %add3A_343 : i32
        %get3A_345 = arith.constant 0 : i32
        %get3A_346 = arith.constant 0 : i32
        %get3A_347 = tpu.memref_slice %arg6[%scan3A_85, %get3A_345, %get3A_346] : memref<2x128x256xf32, #tpu.memory_space<vmem>> -> memref<1x128x256xf32, #tpu.memory_space<vmem>>
        %get3A_348 = tpu.memref_squeeze %get3A_347 : memref<1x128x256xf32, #tpu.memory_space<vmem>> -> memref<128x256xf32, #tpu.memory_space<vmem>>
        %get3A_349 = arith.index_cast %add3A_344 : i32 to index
        %get3A_350 = arith.constant 48 : index
        %get3A_351 = tpu.vector_load %get3A_348[%get3A_349, %get3A_350] {strides = array<i32>} : memref<128x256xf32, #tpu.memory_space<vmem>>, vector<1x16xf32>,
        %get3A_352 = vector.shape_cast %get3A_351 : vector<1x16xf32> to vector<16xf32>
        %add3A_353 = arith.addf %get3A_340, %get3A_352 : vector<16xf32>
        %mul3A_354 = arith.constant 4 : i32
        %mul3A_355 = arith.muli %mul3A_354, %scan3A_158 : i32
        %add3A_356 = arith.constant 2 : i32
        %add3A_357 = arith.addi %mul3A_355, %add3A_356 : i32
        %get3A_358 = arith.constant 0 : i32
        %get3A_359 = arith.constant 0 : i32
        %get3A_360 = tpu.memref_slice %arg6[%scan3A_85, %get3A_358, %get3A_359] : memref<2x128x256xf32, #tpu.memory_space<vmem>> -> memref<1x128x256xf32, #tpu.memory_space<vmem>>
        %get3A_361 = tpu.memref_squeeze %get3A_360 : memref<1x128x256xf32, #tpu.memory_space<vmem>> -> memref<128x256xf32, #tpu.memory_space<vmem>>
        %get3A_362 = arith.index_cast %add3A_357 : i32 to index
        %get3A_363 = arith.constant 48 : index
        %get3A_364 = tpu.vector_load %get3A_361[%get3A_362, %get3A_363] {strides = array<i32>} : memref<128x256xf32, #tpu.memory_space<vmem>>, vector<1x16xf32>,
        %get3A_365 = vector.shape_cast %get3A_364 : vector<1x16xf32> to vector<16xf32>
        %add3A_366 = arith.addf %add3A_353, %get3A_365 : vector<16xf32>
        %mul3A_367 = arith.constant 4 : i32
        %mul3A_368 = arith.muli %mul3A_367, %scan3A_158 : i32
        %add3A_369 = arith.constant 3 : i32
        %add3A_370 = arith.addi %mul3A_368, %add3A_369 : i32
        %get3A_371 = arith.constant 0 : i32
        %get3A_372 = arith.constant 0 : i32
        %get3A_373 = tpu.memref_slice %arg6[%scan3A_85, %get3A_371, %get3A_372] : memref<2x128x256xf32, #tpu.memory_space<vmem>> -> memref<1x128x256xf32, #tpu.memory_space<vmem>>
        %get3A_374 = tpu.memref_squeeze %get3A_373 : memref<1x128x256xf32, #tpu.memory_space<vmem>> -> memref<128x256xf32, #tpu.memory_space<vmem>>
        %get3A_375 = arith.index_cast %add3A_370 : i32 to index
        %get3A_376 = arith.constant 48 : index
        %get3A_377 = tpu.vector_load %get3A_374[%get3A_375, %get3A_376] {strides = array<i32>} : memref<128x256xf32, #tpu.memory_space<vmem>>, vector<1x16xf32>,
        %get3A_378 = vector.shape_cast %get3A_377 : vector<1x16xf32> to vector<16xf32>
        %add3A_379 = arith.addf %add3A_366, %get3A_378 : vector<16xf32>
        %swap3A_380 = arith.constant 0 : i32
        %swap3A_381 = arith.constant 0 : i32
        %swap3A_382 = tpu.memref_slice %arg7[%scan3A_86, %swap3A_380, %swap3A_381] : memref<2x32x256xf32, #tpu.memory_space<vmem>> -> memref<1x32x256xf32, #tpu.memory_space<vmem>>
        %swap3A_383 = tpu.memref_squeeze %swap3A_382 : memref<1x32x256xf32, #tpu.memory_space<vmem>> -> memref<32x256xf32, #tpu.memory_space<vmem>>
        %swap3A_384 = arith.index_cast %scan3A_158 : i32 to index
        %swap3A_385 = arith.constant 48 : index
        %swap3A_386 = tpu.vector_load %swap3A_383[%swap3A_384, %swap3A_385] {strides = array<i32>} : memref<32x256xf32, #tpu.memory_space<vmem>>, vector<1x16xf32>,
        %swap3A_387 = vector.shape_cast %swap3A_386 : vector<1x16xf32> to vector<16xf32>
        %swap3A_388 = vector.shape_cast %add3A_379 : vector<16xf32> to vector<1x16xf32>
        tpu.vector_store %swap3A_383[%swap3A_384, %swap3A_385], %swap3A_388 {strides = array<i32>} : memref<32x256xf32, #tpu.memory_space<vmem>>, vector<1x16xf32>,
        %mul3A_389 = arith.constant 4 : i32
        %mul3A_390 = arith.muli %mul3A_389, %scan3A_158 : i32
        %get3A_391 = arith.constant 0 : i32
        %get3A_392 = arith.constant 0 : i32
        %get3A_393 = tpu.memref_slice %arg6[%scan3A_85, %get3A_391, %get3A_392] : memref<2x128x256xf32, #tpu.memory_space<vmem>> -> memref<1x128x256xf32, #tpu.memory_space<vmem>>
        %get3A_394 = tpu.memref_squeeze %get3A_393 : memref<1x128x256xf32, #tpu.memory_space<vmem>> -> memref<128x256xf32, #tpu.memory_space<vmem>>
        %get3A_395 = arith.index_cast %mul3A_390 : i32 to index
        %get3A_396 = arith.constant 64 : index
        %get3A_397 = tpu.vector_load %get3A_394[%get3A_395, %get3A_396] {strides = array<i32>} : memref<128x256xf32, #tpu.memory_space<vmem>>, vector<1x16xf32>,
        %get3A_398 = vector.shape_cast %get3A_397 : vector<1x16xf32> to vector<16xf32>
        %mul3A_399 = arith.constant 4 : i32
        %mul3A_400 = arith.muli %mul3A_399, %scan3A_158 : i32
        %add3A_401 = arith.constant 1 : i32
        %add3A_402 = arith.addi %mul3A_400, %add3A_401 : i32
        %get3A_403 = arith.constant 0 : i32
        %get3A_404 = arith.constant 0 : i32
        %get3A_405 = tpu.memref_slice %arg6[%scan3A_85, %get3A_403, %get3A_404] : memref<2x128x256xf32, #tpu.memory_space<vmem>> -> memref<1x128x256xf32, #tpu.memory_space<vmem>>
        %get3A_406 = tpu.memref_squeeze %get3A_405 : memref<1x128x256xf32, #tpu.memory_space<vmem>> -> memref<128x256xf32, #tpu.memory_space<vmem>>
        %get3A_407 = arith.index_cast %add3A_402 : i32 to index
        %get3A_408 = arith.constant 64 : index
        %get3A_409 = tpu.vector_load %get3A_406[%get3A_407, %get3A_408] {strides = array<i32>} : memref<128x256xf32, #tpu.memory_space<vmem>>, vector<1x16xf32>,
        %get3A_410 = vector.shape_cast %get3A_409 : vector<1x16xf32> to vector<16xf32>
        %add3A_411 = arith.addf %get3A_398, %get3A_410 : vector<16xf32>
        %mul3A_412 = arith.constant 4 : i32
        %mul3A_413 = arith.muli %mul3A_412, %scan3A_158 : i32
        %add3A_414 = arith.constant 2 : i32
        %add3A_415 = arith.addi %mul3A_413, %add3A_414 : i32
        %get3A_416 = arith.constant 0 : i32
        %get3A_417 = arith.constant 0 : i32
        %get3A_418 = tpu.memref_slice %arg6[%scan3A_85, %get3A_416, %get3A_417] : memref<2x128x256xf32, #tpu.memory_space<vmem>> -> memref<1x128x256xf32, #tpu.memory_space<vmem>>
        %get3A_419 = tpu.memref_squeeze %get3A_418 : memref<1x128x256xf32, #tpu.memory_space<vmem>> -> memref<128x256xf32, #tpu.memory_space<vmem>>
        %get3A_420 = arith.index_cast %add3A_415 : i32 to index
        %get3A_421 = arith.constant 64 : index
        %get3A_422 = tpu.vector_load %get3A_419[%get3A_420, %get3A_421] {strides = array<i32>} : memref<128x256xf32, #tpu.memory_space<vmem>>, vector<1x16xf32>,
        %get3A_423 = vector.shape_cast %get3A_422 : vector<1x16xf32> to vector<16xf32>
        %add3A_424 = arith.addf %add3A_411, %get3A_423 : vector<16xf32>
        %mul3A_425 = arith.constant 4 : i32
        %mul3A_426 = arith.muli %mul3A_425, %scan3A_158 : i32
        %add3A_427 = arith.constant 3 : i32
        %add3A_428 = arith.addi %mul3A_426, %add3A_427 : i32
        %get3A_429 = arith.constant 0 : i32
        %get3A_430 = arith.constant 0 : i32
        %get3A_431 = tpu.memref_slice %arg6[%scan3A_85, %get3A_429, %get3A_430] : memref<2x128x256xf32, #tpu.memory_space<vmem>> -> memref<1x128x256xf32, #tpu.memory_space<vmem>>
        %get3A_432 = tpu.memref_squeeze %get3A_431 : memref<1x128x256xf32, #tpu.memory_space<vmem>> -> memref<128x256xf32, #tpu.memory_space<vmem>>
        %get3A_433 = arith.index_cast %add3A_428 : i32 to index
        %get3A_434 = arith.constant 64 : index
        %get3A_435 = tpu.vector_load %get3A_432[%get3A_433, %get3A_434] {strides = array<i32>} : memref<128x256xf32, #tpu.memory_space<vmem>>, vector<1x16xf32>,
        %get3A_436 = vector.shape_cast %get3A_435 : vector<1x16xf32> to vector<16xf32>
        %add3A_437 = arith.addf %add3A_424, %get3A_436 : vector<16xf32>
        %swap3A_438 = arith.constant 0 : i32
        %swap3A_439 = arith.constant 0 : i32
        %swap3A_440 = tpu.memref_slice %arg7[%scan3A_86, %swap3A_438, %swap3A_439] : memref<2x32x256xf32, #tpu.memory_space<vmem>> -> memref<1x32x256xf32, #tpu.memory_space<vmem>>
        %swap3A_441 = tpu.memref_squeeze %swap3A_440 : memref<1x32x256xf32, #tpu.memory_space<vmem>> -> memref<32x256xf32, #tpu.memory_space<vmem>>
        %swap3A_442 = arith.index_cast %scan3A_158 : i32 to index
        %swap3A_443 = arith.constant 64 : index
        %swap3A_444 = tpu.vector_load %swap3A_441[%swap3A_442, %swap3A_443] {strides = array<i32>} : memref<32x256xf32, #tpu.memory_space<vmem>>, vector<1x16xf32>,
        %swap3A_445 = vector.shape_cast %swap3A_444 : vector<1x16xf32> to vector<16xf32>
        %swap3A_446 = vector.shape_cast %add3A_437 : vector<16xf32> to vector<1x16xf32>
        tpu.vector_store %swap3A_441[%swap3A_442, %swap3A_443], %swap3A_446 {strides = array<i32>} : memref<32x256xf32, #tpu.memory_space<vmem>>, vector<1x16xf32>,
        %mul3A_447 = arith.constant 4 : i32
        %mul3A_448 = arith.muli %mul3A_447, %scan3A_158 : i32
        %get3A_449 = arith.constant 0 : i32
        %get3A_450 = arith.constant 0 : i32
        %get3A_451 = tpu.memref_slice %arg6[%scan3A_85, %get3A_449, %get3A_450] : memref<2x128x256xf32, #tpu.memory_space<vmem>> -> memref<1x128x256xf32, #tpu.memory_space<vmem>>
        %get3A_452 = tpu.memref_squeeze %get3A_451 : memref<1x128x256xf32, #tpu.memory_space<vmem>> -> memref<128x256xf32, #tpu.memory_space<vmem>>
        %get3A_453 = arith.index_cast %mul3A_448 : i32 to index
        %get3A_454 = arith.constant 80 : index
        %get3A_455 = tpu.vector_load %get3A_452[%get3A_453, %get3A_454] {strides = array<i32>} : memref<128x256xf32, #tpu.memory_space<vmem>>, vector<1x16xf32>,
        %get3A_456 = vector.shape_cast %get3A_455 : vector<1x16xf32> to vector<16xf32>
        %mul3A_457 = arith.constant 4 : i32
        %mul3A_458 = arith.muli %mul3A_457, %scan3A_158 : i32
        %add3A_459 = arith.constant 1 : i32
        %add3A_460 = arith.addi %mul3A_458, %add3A_459 : i32
        %get3A_461 = arith.constant 0 : i32
        %get3A_462 = arith.constant 0 : i32
        %get3A_463 = tpu.memref_slice %arg6[%scan3A_85, %get3A_461, %get3A_462] : memref<2x128x256xf32, #tpu.memory_space<vmem>> -> memref<1x128x256xf32, #tpu.memory_space<vmem>>
        %get3A_464 = tpu.memref_squeeze %get3A_463 : memref<1x128x256xf32, #tpu.memory_space<vmem>> -> memref<128x256xf32, #tpu.memory_space<vmem>>
        %get3A_465 = arith.index_cast %add3A_460 : i32 to index
        %get3A_466 = arith.constant 80 : index
        %get3A_467 = tpu.vector_load %get3A_464[%get3A_465, %get3A_466] {strides = array<i32>} : memref<128x256xf32, #tpu.memory_space<vmem>>, vector<1x16xf32>,
        %get3A_468 = vector.shape_cast %get3A_467 : vector<1x16xf32> to vector<16xf32>
        %add3A_469 = arith.addf %get3A_456, %get3A_468 : vector<16xf32>
        %mul3A_470 = arith.constant 4 : i32
        %mul3A_471 = arith.muli %mul3A_470, %scan3A_158 : i32
        %add3A_472 = arith.constant 2 : i32
        %add3A_473 = arith.addi %mul3A_471, %add3A_472 : i32
        %get3A_474 = arith.constant 0 : i32
        %get3A_475 = arith.constant 0 : i32
        %get3A_476 = tpu.memref_slice %arg6[%scan3A_85, %get3A_474, %get3A_475] : memref<2x128x256xf32, #tpu.memory_space<vmem>> -> memref<1x128x256xf32, #tpu.memory_space<vmem>>
        %get3A_477 = tpu.memref_squeeze %get3A_476 : memref<1x128x256xf32, #tpu.memory_space<vmem>> -> memref<128x256xf32, #tpu.memory_space<vmem>>
        %get3A_478 = arith.index_cast %add3A_473 : i32 to index
        %get3A_479 = arith.constant 80 : index
        %get3A_480 = tpu.vector_load %get3A_477[%get3A_478, %get3A_479] {strides = array<i32>} : memref<128x256xf32, #tpu.memory_space<vmem>>, vector<1x16xf32>,
        %get3A_481 = vector.shape_cast %get3A_480 : vector<1x16xf32> to vector<16xf32>
        %add3A_482 = arith.addf %add3A_469, %get3A_481 : vector<16xf32>
        %mul3A_483 = arith.constant 4 : i32
        %mul3A_484 = arith.muli %mul3A_483, %scan3A_158 : i32
        %add3A_485 = arith.constant 3 : i32
        %add3A_486 = arith.addi %mul3A_484, %add3A_485 : i32
        %get3A_487 = arith.constant 0 : i32
        %get3A_488 = arith.constant 0 : i32
        %get3A_489 = tpu.memref_slice %arg6[%scan3A_85, %get3A_487, %get3A_488] : memref<2x128x256xf32, #tpu.memory_space<vmem>> -> memref<1x128x256xf32, #tpu.memory_space<vmem>>
        %get3A_490 = tpu.memref_squeeze %get3A_489 : memref<1x128x256xf32, #tpu.memory_space<vmem>> -> memref<128x256xf32, #tpu.memory_space<vmem>>
        %get3A_491 = arith.index_cast %add3A_486 : i32 to index
        %get3A_492 = arith.constant 80 : index
        %get3A_493 = tpu.vector_load %get3A_490[%get3A_491, %get3A_492] {strides = array<i32>} : memref<128x256xf32, #tpu.memory_space<vmem>>, vector<1x16xf32>,
        %get3A_494 = vector.shape_cast %get3A_493 : vector<1x16xf32> to vector<16xf32>
        %add3A_495 = arith.addf %add3A_482, %get3A_494 : vector<16xf32>
        %swap3A_496 = arith.constant 0 : i32
        %swap3A_497 = arith.constant 0 : i32
        %swap3A_498 = tpu.memref_slice %arg7[%scan3A_86, %swap3A_496, %swap3A_497] : memref<2x32x256xf32, #tpu.memory_space<vmem>> -> memref<1x32x256xf32, #tpu.memory_space<vmem>>
        %swap3A_499 = tpu.memref_squeeze %swap3A_498 : memref<1x32x256xf32, #tpu.memory_space<vmem>> -> memref<32x256xf32, #tpu.memory_space<vmem>>
        %swap3A_500 = arith.index_cast %scan3A_158 : i32 to index
        %swap3A_501 = arith.constant 80 : index
        %swap3A_502 = tpu.vector_load %swap3A_499[%swap3A_500, %swap3A_501] {strides = array<i32>} : memref<32x256xf32, #tpu.memory_space<vmem>>, vector<1x16xf32>,
        %swap3A_503 = vector.shape_cast %swap3A_502 : vector<1x16xf32> to vector<16xf32>
        %swap3A_504 = vector.shape_cast %add3A_495 : vector<16xf32> to vector<1x16xf32>
        tpu.vector_store %swap3A_499[%swap3A_500, %swap3A_501], %swap3A_504 {strides = array<i32>} : memref<32x256xf32, #tpu.memory_space<vmem>>, vector<1x16xf32>,
        %mul3A_505 = arith.constant 4 : i32
        %mul3A_506 = arith.muli %mul3A_505, %scan3A_158 : i32
        %get3A_507 = arith.constant 0 : i32
        %get3A_508 = arith.constant 0 : i32
        %get3A_509 = tpu.memref_slice %arg6[%scan3A_85, %get3A_507, %get3A_508] : memref<2x128x256xf32, #tpu.memory_space<vmem>> -> memref<1x128x256xf32, #tpu.memory_space<vmem>>
        %get3A_510 = tpu.memref_squeeze %get3A_509 : memref<1x128x256xf32, #tpu.memory_space<vmem>> -> memref<128x256xf32, #tpu.memory_space<vmem>>
        %get3A_511 = arith.index_cast %mul3A_506 : i32 to index
        %get3A_512 = arith.constant 96 : index
        %get3A_513 = tpu.vector_load %get3A_510[%get3A_511, %get3A_512] {strides = array<i32>} : memref<128x256xf32, #tpu.memory_space<vmem>>, vector<1x16xf32>,
        %get3A_514 = vector.shape_cast %get3A_513 : vector<1x16xf32> to vector<16xf32>
        %mul3A_515 = arith.constant 4 : i32
        %mul3A_516 = arith.muli %mul3A_515, %scan3A_158 : i32
        %add3A_517 = arith.constant 1 : i32
        %add3A_518 = arith.addi %mul3A_516, %add3A_517 : i32
        %get3A_519 = arith.constant 0 : i32
        %get3A_520 = arith.constant 0 : i32
        %get3A_521 = tpu.memref_slice %arg6[%scan3A_85, %get3A_519, %get3A_520] : memref<2x128x256xf32, #tpu.memory_space<vmem>> -> memref<1x128x256xf32, #tpu.memory_space<vmem>>
        %get3A_522 = tpu.memref_squeeze %get3A_521 : memref<1x128x256xf32, #tpu.memory_space<vmem>> -> memref<128x256xf32, #tpu.memory_space<vmem>>
        %get3A_523 = arith.index_cast %add3A_518 : i32 to index
        %get3A_524 = arith.constant 96 : index
        %get3A_525 = tpu.vector_load %get3A_522[%get3A_523, %get3A_524] {strides = array<i32>} : memref<128x256xf32, #tpu.memory_space<vmem>>, vector<1x16xf32>,
        %get3A_526 = vector.shape_cast %get3A_525 : vector<1x16xf32> to vector<16xf32>
        %add3A_527 = arith.addf %get3A_514, %get3A_526 : vector<16xf32>
        %mul3A_528 = arith.constant 4 : i32
        %mul3A_529 = arith.muli %mul3A_528, %scan3A_158 : i32
        %add3A_530 = arith.constant 2 : i32
        %add3A_531 = arith.addi %mul3A_529, %add3A_530 : i32
        %get3A_532 = arith.constant 0 : i32
        %get3A_533 = arith.constant 0 : i32
        %get3A_534 = tpu.memref_slice %arg6[%scan3A_85, %get3A_532, %get3A_533] : memref<2x128x256xf32, #tpu.memory_space<vmem>> -> memref<1x128x256xf32, #tpu.memory_space<vmem>>
        %get3A_535 = tpu.memref_squeeze %get3A_534 : memref<1x128x256xf32, #tpu.memory_space<vmem>> -> memref<128x256xf32, #tpu.memory_space<vmem>>
        %get3A_536 = arith.index_cast %add3A_531 : i32 to index
        %get3A_537 = arith.constant 96 : index
        %get3A_538 = tpu.vector_load %get3A_535[%get3A_536, %get3A_537] {strides = array<i32>} : memref<128x256xf32, #tpu.memory_space<vmem>>, vector<1x16xf32>,
        %get3A_539 = vector.shape_cast %get3A_538 : vector<1x16xf32> to vector<16xf32>
        %add3A_540 = arith.addf %add3A_527, %get3A_539 : vector<16xf32>
        %mul3A_541 = arith.constant 4 : i32
        %mul3A_542 = arith.muli %mul3A_541, %scan3A_158 : i32
        %add3A_543 = arith.constant 3 : i32
        %add3A_544 = arith.addi %mul3A_542, %add3A_543 : i32
        %get3A_545 = arith.constant 0 : i32
        %get3A_546 = arith.constant 0 : i32
        %get3A_547 = tpu.memref_slice %arg6[%scan3A_85, %get3A_545, %get3A_546] : memref<2x128x256xf32, #tpu.memory_space<vmem>> -> memref<1x128x256xf32, #tpu.memory_space<vmem>>
        %get3A_548 = tpu.memref_squeeze %get3A_547 : memref<1x128x256xf32, #tpu.memory_space<vmem>> -> memref<128x256xf32, #tpu.memory_space<vmem>>
        %get3A_549 = arith.index_cast %add3A_544 : i32 to index
        %get3A_550 = arith.constant 96 : index
        %get3A_551 = tpu.vector_load %get3A_548[%get3A_549, %get3A_550] {strides = array<i32>} : memref<128x256xf32, #tpu.memory_space<vmem>>, vector<1x16xf32>,
        %get3A_552 = vector.shape_cast %get3A_551 : vector<1x16xf32> to vector<16xf32>
        %add3A_553 = arith.addf %add3A_540, %get3A_552 : vector<16xf32>
        %swap3A_554 = arith.constant 0 : i32
        %swap3A_555 = arith.constant 0 : i32
        %swap3A_556 = tpu.memref_slice %arg7[%scan3A_86, %swap3A_554, %swap3A_555] : memref<2x32x256xf32, #tpu.memory_space<vmem>> -> memref<1x32x256xf32, #tpu.memory_space<vmem>>
        %swap3A_557 = tpu.memref_squeeze %swap3A_556 : memref<1x32x256xf32, #tpu.memory_space<vmem>> -> memref<32x256xf32, #tpu.memory_space<vmem>>
        %swap3A_558 = arith.index_cast %scan3A_158 : i32 to index
        %swap3A_559 = arith.constant 96 : index
        %swap3A_560 = tpu.vector_load %swap3A_557[%swap3A_558, %swap3A_559] {strides = array<i32>} : memref<32x256xf32, #tpu.memory_space<vmem>>, vector<1x16xf32>,
        %swap3A_561 = vector.shape_cast %swap3A_560 : vector<1x16xf32> to vector<16xf32>
        %swap3A_562 = vector.shape_cast %add3A_553 : vector<16xf32> to vector<1x16xf32>
        tpu.vector_store %swap3A_557[%swap3A_558, %swap3A_559], %swap3A_562 {strides = array<i32>} : memref<32x256xf32, #tpu.memory_space<vmem>>, vector<1x16xf32>,
        %mul3A_563 = arith.constant 4 : i32
        %mul3A_564 = arith.muli %mul3A_563, %scan3A_158 : i32
        %get3A_565 = arith.constant 0 : i32
        %get3A_566 = arith.constant 0 : i32
        %get3A_567 = tpu.memref_slice %arg6[%scan3A_85, %get3A_565, %get3A_566] : memref<2x128x256xf32, #tpu.memory_space<vmem>> -> memref<1x128x256xf32, #tpu.memory_space<vmem>>
        %get3A_568 = tpu.memref_squeeze %get3A_567 : memref<1x128x256xf32, #tpu.memory_space<vmem>> -> memref<128x256xf32, #tpu.memory_space<vmem>>
        %get3A_569 = arith.index_cast %mul3A_564 : i32 to index
        %get3A_570 = arith.constant 112 : index
        %get3A_571 = tpu.vector_load %get3A_568[%get3A_569, %get3A_570] {strides = array<i32>} : memref<128x256xf32, #tpu.memory_space<vmem>>, vector<1x16xf32>,
        %get3A_572 = vector.shape_cast %get3A_571 : vector<1x16xf32> to vector<16xf32>
        %mul3A_573 = arith.constant 4 : i32
        %mul3A_574 = arith.muli %mul3A_573, %scan3A_158 : i32
        %add3A_575 = arith.constant 1 : i32
        %add3A_576 = arith.addi %mul3A_574, %add3A_575 : i32
        %get3A_577 = arith.constant 0 : i32
        %get3A_578 = arith.constant 0 : i32
        %get3A_579 = tpu.memref_slice %arg6[%scan3A_85, %get3A_577, %get3A_578] : memref<2x128x256xf32, #tpu.memory_space<vmem>> -> memref<1x128x256xf32, #tpu.memory_space<vmem>>
        %get3A_580 = tpu.memref_squeeze %get3A_579 : memref<1x128x256xf32, #tpu.memory_space<vmem>> -> memref<128x256xf32, #tpu.memory_space<vmem>>
        %get3A_581 = arith.index_cast %add3A_576 : i32 to index
        %get3A_582 = arith.constant 112 : index
        %get3A_583 = tpu.vector_load %get3A_580[%get3A_581, %get3A_582] {strides = array<i32>} : memref<128x256xf32, #tpu.memory_space<vmem>>, vector<1x16xf32>,
        %get3A_584 = vector.shape_cast %get3A_583 : vector<1x16xf32> to vector<16xf32>
        %add3A_585 = arith.addf %get3A_572, %get3A_584 : vector<16xf32>
        %mul3A_586 = arith.constant 4 : i32
        %mul3A_587 = arith.muli %mul3A_586, %scan3A_158 : i32
        %add3A_588 = arith.constant 2 : i32
        %add3A_589 = arith.addi %mul3A_587, %add3A_588 : i32
        %get3A_590 = arith.constant 0 : i32
        %get3A_591 = arith.constant 0 : i32
        %get3A_592 = tpu.memref_slice %arg6[%scan3A_85, %get3A_590, %get3A_591] : memref<2x128x256xf32, #tpu.memory_space<vmem>> -> memref<1x128x256xf32, #tpu.memory_space<vmem>>
        %get3A_593 = tpu.memref_squeeze %get3A_592 : memref<1x128x256xf32, #tpu.memory_space<vmem>> -> memref<128x256xf32, #tpu.memory_space<vmem>>
        %get3A_594 = arith.index_cast %add3A_589 : i32 to index
        %get3A_595 = arith.constant 112 : index
        %get3A_596 = tpu.vector_load %get3A_593[%get3A_594, %get3A_595] {strides = array<i32>} : memref<128x256xf32, #tpu.memory_space<vmem>>, vector<1x16xf32>,
        %get3A_597 = vector.shape_cast %get3A_596 : vector<1x16xf32> to vector<16xf32>
        %add3A_598 = arith.addf %add3A_585, %get3A_597 : vector<16xf32>
        %mul3A_599 = arith.constant 4 : i32
        %mul3A_600 = arith.muli %mul3A_599, %scan3A_158 : i32
        %add3A_601 = arith.constant 3 : i32
        %add3A_602 = arith.addi %mul3A_600, %add3A_601 : i32
        %get3A_603 = arith.constant 0 : i32
        %get3A_604 = arith.constant 0 : i32
        %get3A_605 = tpu.memref_slice %arg6[%scan3A_85, %get3A_603, %get3A_604] : memref<2x128x256xf32, #tpu.memory_space<vmem>> -> memref<1x128x256xf32, #tpu.memory_space<vmem>>
        %get3A_606 = tpu.memref_squeeze %get3A_605 : memref<1x128x256xf32, #tpu.memory_space<vmem>> -> memref<128x256xf32, #tpu.memory_space<vmem>>
        %get3A_607 = arith.index_cast %add3A_602 : i32 to index
        %get3A_608 = arith.constant 112 : index
        %get3A_609 = tpu.vector_load %get3A_606[%get3A_607, %get3A_608] {strides = array<i32>} : memref<128x256xf32, #tpu.memory_space<vmem>>, vector<1x16xf32>,
        %get3A_610 = vector.shape_cast %get3A_609 : vector<1x16xf32> to vector<16xf32>
        %add3A_611 = arith.addf %add3A_598, %get3A_610 : vector<16xf32>
        %swap3A_612 = arith.constant 0 : i32
        %swap3A_613 = arith.constant 0 : i32
        %swap3A_614 = tpu.memref_slice %arg7[%scan3A_86, %swap3A_612, %swap3A_613] : memref<2x32x256xf32, #tpu.memory_space<vmem>> -> memref<1x32x256xf32, #tpu.memory_space<vmem>>
        %swap3A_615 = tpu.memref_squeeze %swap3A_614 : memref<1x32x256xf32, #tpu.memory_space<vmem>> -> memref<32x256xf32, #tpu.memory_space<vmem>>
        %swap3A_616 = arith.index_cast %scan3A_158 : i32 to index
        %swap3A_617 = arith.constant 112 : index
        %swap3A_618 = tpu.vector_load %swap3A_615[%swap3A_616, %swap3A_617] {strides = array<i32>} : memref<32x256xf32, #tpu.memory_space<vmem>>, vector<1x16xf32>,
        %swap3A_619 = vector.shape_cast %swap3A_618 : vector<1x16xf32> to vector<16xf32>
        %swap3A_620 = vector.shape_cast %add3A_611 : vector<16xf32> to vector<1x16xf32>
        tpu.vector_store %swap3A_615[%swap3A_616, %swap3A_617], %swap3A_620 {strides = array<i32>} : memref<32x256xf32, #tpu.memory_space<vmem>>, vector<1x16xf32>,
        %mul3A_621 = arith.constant 4 : i32
        %mul3A_622 = arith.muli %mul3A_621, %scan3A_158 : i32
        %get3A_623 = arith.constant 0 : i32
        %get3A_624 = arith.constant 0 : i32
        %get3A_625 = tpu.memref_slice %arg6[%scan3A_85, %get3A_623, %get3A_624] : memref<2x128x256xf32, #tpu.memory_space<vmem>> -> memref<1x128x256xf32, #tpu.memory_space<vmem>>
        %get3A_626 = tpu.memref_squeeze %get3A_625 : memref<1x128x256xf32, #tpu.memory_space<vmem>> -> memref<128x256xf32, #tpu.memory_space<vmem>>
        %get3A_627 = arith.index_cast %mul3A_622 : i32 to index
        %get3A_628 = arith.constant 128 : index
        %get3A_629 = tpu.vector_load %get3A_626[%get3A_627, %get3A_628] {strides = array<i32>} : memref<128x256xf32, #tpu.memory_space<vmem>>, vector<1x16xf32>,
        %get3A_630 = vector.shape_cast %get3A_629 : vector<1x16xf32> to vector<16xf32>
        %mul3A_631 = arith.constant 4 : i32
        %mul3A_632 = arith.muli %mul3A_631, %scan3A_158 : i32
        %add3A_633 = arith.constant 1 : i32
        %add3A_634 = arith.addi %mul3A_632, %add3A_633 : i32
        %get3A_635 = arith.constant 0 : i32
        %get3A_636 = arith.constant 0 : i32
        %get3A_637 = tpu.memref_slice %arg6[%scan3A_85, %get3A_635, %get3A_636] : memref<2x128x256xf32, #tpu.memory_space<vmem>> -> memref<1x128x256xf32, #tpu.memory_space<vmem>>
        %get3A_638 = tpu.memref_squeeze %get3A_637 : memref<1x128x256xf32, #tpu.memory_space<vmem>> -> memref<128x256xf32, #tpu.memory_space<vmem>>
        %get3A_639 = arith.index_cast %add3A_634 : i32 to index
        %get3A_640 = arith.constant 128 : index
        %get3A_641 = tpu.vector_load %get3A_638[%get3A_639, %get3A_640] {strides = array<i32>} : memref<128x256xf32, #tpu.memory_space<vmem>>, vector<1x16xf32>,
        %get3A_642 = vector.shape_cast %get3A_641 : vector<1x16xf32> to vector<16xf32>
        %add3A_643 = arith.addf %get3A_630, %get3A_642 : vector<16xf32>
        %mul3A_644 = arith.constant 4 : i32
        %mul3A_645 = arith.muli %mul3A_644, %scan3A_158 : i32
        %add3A_646 = arith.constant 2 : i32
        %add3A_647 = arith.addi %mul3A_645, %add3A_646 : i32
        %get3A_648 = arith.constant 0 : i32
        %get3A_649 = arith.constant 0 : i32
        %get3A_650 = tpu.memref_slice %arg6[%scan3A_85, %get3A_648, %get3A_649] : memref<2x128x256xf32, #tpu.memory_space<vmem>> -> memref<1x128x256xf32, #tpu.memory_space<vmem>>
        %get3A_651 = tpu.memref_squeeze %get3A_650 : memref<1x128x256xf32, #tpu.memory_space<vmem>> -> memref<128x256xf32, #tpu.memory_space<vmem>>
        %get3A_652 = arith.index_cast %add3A_647 : i32 to index
        %get3A_653 = arith.constant 128 : index
        %get3A_654 = tpu.vector_load %get3A_651[%get3A_652, %get3A_653] {strides = array<i32>} : memref<128x256xf32, #tpu.memory_space<vmem>>, vector<1x16xf32>,
        %get3A_655 = vector.shape_cast %get3A_654 : vector<1x16xf32> to vector<16xf32>
        %add3A_656 = arith.addf %add3A_643, %get3A_655 : vector<16xf32>
        %mul3A_657 = arith.constant 4 : i32
        %mul3A_658 = arith.muli %mul3A_657, %scan3A_158 : i32
        %add3A_659 = arith.constant 3 : i32
        %add3A_660 = arith.addi %mul3A_658, %add3A_659 : i32
        %get3A_661 = arith.constant 0 : i32
        %get3A_662 = arith.constant 0 : i32
        %get3A_663 = tpu.memref_slice %arg6[%scan3A_85, %get3A_661, %get3A_662] : memref<2x128x256xf32, #tpu.memory_space<vmem>> -> memref<1x128x256xf32, #tpu.memory_space<vmem>>
        %get3A_664 = tpu.memref_squeeze %get3A_663 : memref<1x128x256xf32, #tpu.memory_space<vmem>> -> memref<128x256xf32, #tpu.memory_space<vmem>>
        %get3A_665 = arith.index_cast %add3A_660 : i32 to index
        %get3A_666 = arith.constant 128 : index
        %get3A_667 = tpu.vector_load %get3A_664[%get3A_665, %get3A_666] {strides = array<i32>} : memref<128x256xf32, #tpu.memory_space<vmem>>, vector<1x16xf32>,
        %get3A_668 = vector.shape_cast %get3A_667 : vector<1x16xf32> to vector<16xf32>
        %add3A_669 = arith.addf %add3A_656, %get3A_668 : vector<16xf32>
        %swap3A_670 = arith.constant 0 : i32
        %swap3A_671 = arith.constant 0 : i32
        %swap3A_672 = tpu.memref_slice %arg7[%scan3A_86, %swap3A_670, %swap3A_671] : memref<2x32x256xf32, #tpu.memory_space<vmem>> -> memref<1x32x256xf32, #tpu.memory_space<vmem>>
        %swap3A_673 = tpu.memref_squeeze %swap3A_672 : memref<1x32x256xf32, #tpu.memory_space<vmem>> -> memref<32x256xf32, #tpu.memory_space<vmem>>
        %swap3A_674 = arith.index_cast %scan3A_158 : i32 to index
        %swap3A_675 = arith.constant 128 : index
        %swap3A_676 = tpu.vector_load %swap3A_673[%swap3A_674, %swap3A_675] {strides = array<i32>} : memref<32x256xf32, #tpu.memory_space<vmem>>, vector<1x16xf32>,
        %swap3A_677 = vector.shape_cast %swap3A_676 : vector<1x16xf32> to vector<16xf32>
        %swap3A_678 = vector.shape_cast %add3A_669 : vector<16xf32> to vector<1x16xf32>
        tpu.vector_store %swap3A_673[%swap3A_674, %swap3A_675], %swap3A_678 {strides = array<i32>} : memref<32x256xf32, #tpu.memory_space<vmem>>, vector<1x16xf32>,
        %mul3A_679 = arith.constant 4 : i32
        %mul3A_680 = arith.muli %mul3A_679, %scan3A_158 : i32
        %get3A_681 = arith.constant 0 : i32
        %get3A_682 = arith.constant 0 : i32
        %get3A_683 = tpu.memref_slice %arg6[%scan3A_85, %get3A_681, %get3A_682] : memref<2x128x256xf32, #tpu.memory_space<vmem>> -> memref<1x128x256xf32, #tpu.memory_space<vmem>>
        %get3A_684 = tpu.memref_squeeze %get3A_683 : memref<1x128x256xf32, #tpu.memory_space<vmem>> -> memref<128x256xf32, #tpu.memory_space<vmem>>
        %get3A_685 = arith.index_cast %mul3A_680 : i32 to index
        %get3A_686 = arith.constant 144 : index
        %get3A_687 = tpu.vector_load %get3A_684[%get3A_685, %get3A_686] {strides = array<i32>} : memref<128x256xf32, #tpu.memory_space<vmem>>, vector<1x16xf32>,
        %get3A_688 = vector.shape_cast %get3A_687 : vector<1x16xf32> to vector<16xf32>
        %mul3A_689 = arith.constant 4 : i32
        %mul3A_690 = arith.muli %mul3A_689, %scan3A_158 : i32
        %add3A_691 = arith.constant 1 : i32
        %add3A_692 = arith.addi %mul3A_690, %add3A_691 : i32
        %get3A_693 = arith.constant 0 : i32
        %get3A_694 = arith.constant 0 : i32
        %get3A_695 = tpu.memref_slice %arg6[%scan3A_85, %get3A_693, %get3A_694] : memref<2x128x256xf32, #tpu.memory_space<vmem>> -> memref<1x128x256xf32, #tpu.memory_space<vmem>>
        %get3A_696 = tpu.memref_squeeze %get3A_695 : memref<1x128x256xf32, #tpu.memory_space<vmem>> -> memref<128x256xf32, #tpu.memory_space<vmem>>
        %get3A_697 = arith.index_cast %add3A_692 : i32 to index
        %get3A_698 = arith.constant 144 : index
        %get3A_699 = tpu.vector_load %get3A_696[%get3A_697, %get3A_698] {strides = array<i32>} : memref<128x256xf32, #tpu.memory_space<vmem>>, vector<1x16xf32>,
        %get3A_700 = vector.shape_cast %get3A_699 : vector<1x16xf32> to vector<16xf32>
        %add3A_701 = arith.addf %get3A_688, %get3A_700 : vector<16xf32>
        %mul3A_702 = arith.constant 4 : i32
        %mul3A_703 = arith.muli %mul3A_702, %scan3A_158 : i32
        %add3A_704 = arith.constant 2 : i32
        %add3A_705 = arith.addi %mul3A_703, %add3A_704 : i32
        %get3A_706 = arith.constant 0 : i32
        %get3A_707 = arith.constant 0 : i32
        %get3A_708 = tpu.memref_slice %arg6[%scan3A_85, %get3A_706, %get3A_707] : memref<2x128x256xf32, #tpu.memory_space<vmem>> -> memref<1x128x256xf32, #tpu.memory_space<vmem>>
        %get3A_709 = tpu.memref_squeeze %get3A_708 : memref<1x128x256xf32, #tpu.memory_space<vmem>> -> memref<128x256xf32, #tpu.memory_space<vmem>>
        %get3A_710 = arith.index_cast %add3A_705 : i32 to index
        %get3A_711 = arith.constant 144 : index
        %get3A_712 = tpu.vector_load %get3A_709[%get3A_710, %get3A_711] {strides = array<i32>} : memref<128x256xf32, #tpu.memory_space<vmem>>, vector<1x16xf32>,
        %get3A_713 = vector.shape_cast %get3A_712 : vector<1x16xf32> to vector<16xf32>
        %add3A_714 = arith.addf %add3A_701, %get3A_713 : vector<16xf32>
        %mul3A_715 = arith.constant 4 : i32
        %mul3A_716 = arith.muli %mul3A_715, %scan3A_158 : i32
        %add3A_717 = arith.constant 3 : i32
        %add3A_718 = arith.addi %mul3A_716, %add3A_717 : i32
        %get3A_719 = arith.constant 0 : i32
        %get3A_720 = arith.constant 0 : i32
        %get3A_721 = tpu.memref_slice %arg6[%scan3A_85, %get3A_719, %get3A_720] : memref<2x128x256xf32, #tpu.memory_space<vmem>> -> memref<1x128x256xf32, #tpu.memory_space<vmem>>
        %get3A_722 = tpu.memref_squeeze %get3A_721 : memref<1x128x256xf32, #tpu.memory_space<vmem>> -> memref<128x256xf32, #tpu.memory_space<vmem>>
        %get3A_723 = arith.index_cast %add3A_718 : i32 to index
        %get3A_724 = arith.constant 144 : index
        %get3A_725 = tpu.vector_load %get3A_722[%get3A_723, %get3A_724] {strides = array<i32>} : memref<128x256xf32, #tpu.memory_space<vmem>>, vector<1x16xf32>,
        %get3A_726 = vector.shape_cast %get3A_725 : vector<1x16xf32> to vector<16xf32>
        %add3A_727 = arith.addf %add3A_714, %get3A_726 : vector<16xf32>
        %swap3A_728 = arith.constant 0 : i32
        %swap3A_729 = arith.constant 0 : i32
        %swap3A_730 = tpu.memref_slice %arg7[%scan3A_86, %swap3A_728, %swap3A_729] : memref<2x32x256xf32, #tpu.memory_space<vmem>> -> memref<1x32x256xf32, #tpu.memory_space<vmem>>
        %swap3A_731 = tpu.memref_squeeze %swap3A_730 : memref<1x32x256xf32, #tpu.memory_space<vmem>> -> memref<32x256xf32, #tpu.memory_space<vmem>>
        %swap3A_732 = arith.index_cast %scan3A_158 : i32 to index
        %swap3A_733 = arith.constant 144 : index
        %swap3A_734 = tpu.vector_load %swap3A_731[%swap3A_732, %swap3A_733] {strides = array<i32>} : memref<32x256xf32, #tpu.memory_space<vmem>>, vector<1x16xf32>,
        %swap3A_735 = vector.shape_cast %swap3A_734 : vector<1x16xf32> to vector<16xf32>
        %swap3A_736 = vector.shape_cast %add3A_727 : vector<16xf32> to vector<1x16xf32>
        tpu.vector_store %swap3A_731[%swap3A_732, %swap3A_733], %swap3A_736 {strides = array<i32>} : memref<32x256xf32, #tpu.memory_space<vmem>>, vector<1x16xf32>,
        %mul3A_737 = arith.constant 4 : i32
        %mul3A_738 = arith.muli %mul3A_737, %scan3A_158 : i32
        %get3A_739 = arith.constant 0 : i32
        %get3A_740 = arith.constant 0 : i32
        %get3A_741 = tpu.memref_slice %arg6[%scan3A_85, %get3A_739, %get3A_740] : memref<2x128x256xf32, #tpu.memory_space<vmem>> -> memref<1x128x256xf32, #tpu.memory_space<vmem>>
        %get3A_742 = tpu.memref_squeeze %get3A_741 : memref<1x128x256xf32, #tpu.memory_space<vmem>> -> memref<128x256xf32, #tpu.memory_space<vmem>>
        %get3A_743 = arith.index_cast %mul3A_738 : i32 to index
        %get3A_744 = arith.constant 160 : index
        %get3A_745 = tpu.vector_load %get3A_742[%get3A_743, %get3A_744] {strides = array<i32>} : memref<128x256xf32, #tpu.memory_space<vmem>>, vector<1x16xf32>,
        %get3A_746 = vector.shape_cast %get3A_745 : vector<1x16xf32> to vector<16xf32>
        %mul3A_747 = arith.constant 4 : i32
        %mul3A_748 = arith.muli %mul3A_747, %scan3A_158 : i32
        %add3A_749 = arith.constant 1 : i32
        %add3A_750 = arith.addi %mul3A_748, %add3A_749 : i32
        %get3A_751 = arith.constant 0 : i32
        %get3A_752 = arith.constant 0 : i32
        %get3A_753 = tpu.memref_slice %arg6[%scan3A_85, %get3A_751, %get3A_752] : memref<2x128x256xf32, #tpu.memory_space<vmem>> -> memref<1x128x256xf32, #tpu.memory_space<vmem>>
        %get3A_754 = tpu.memref_squeeze %get3A_753 : memref<1x128x256xf32, #tpu.memory_space<vmem>> -> memref<128x256xf32, #tpu.memory_space<vmem>>
        %get3A_755 = arith.index_cast %add3A_750 : i32 to index
        %get3A_756 = arith.constant 160 : index
        %get3A_757 = tpu.vector_load %get3A_754[%get3A_755, %get3A_756] {strides = array<i32>} : memref<128x256xf32, #tpu.memory_space<vmem>>, vector<1x16xf32>,
        %get3A_758 = vector.shape_cast %get3A_757 : vector<1x16xf32> to vector<16xf32>
        %add3A_759 = arith.addf %get3A_746, %get3A_758 : vector<16xf32>
        %mul3A_760 = arith.constant 4 : i32
        %mul3A_761 = arith.muli %mul3A_760, %scan3A_158 : i32
        %add3A_762 = arith.constant 2 : i32
        %add3A_763 = arith.addi %mul3A_761, %add3A_762 : i32
        %get3A_764 = arith.constant 0 : i32
        %get3A_765 = arith.constant 0 : i32
        %get3A_766 = tpu.memref_slice %arg6[%scan3A_85, %get3A_764, %get3A_765] : memref<2x128x256xf32, #tpu.memory_space<vmem>> -> memref<1x128x256xf32, #tpu.memory_space<vmem>>
        %get3A_767 = tpu.memref_squeeze %get3A_766 : memref<1x128x256xf32, #tpu.memory_space<vmem>> -> memref<128x256xf32, #tpu.memory_space<vmem>>
        %get3A_768 = arith.index_cast %add3A_763 : i32 to index
        %get3A_769 = arith.constant 160 : index
        %get3A_770 = tpu.vector_load %get3A_767[%get3A_768, %get3A_769] {strides = array<i32>} : memref<128x256xf32, #tpu.memory_space<vmem>>, vector<1x16xf32>,
        %get3A_771 = vector.shape_cast %get3A_770 : vector<1x16xf32> to vector<16xf32>
        %add3A_772 = arith.addf %add3A_759, %get3A_771 : vector<16xf32>
        %mul3A_773 = arith.constant 4 : i32
        %mul3A_774 = arith.muli %mul3A_773, %scan3A_158 : i32
        %add3A_775 = arith.constant 3 : i32
        %add3A_776 = arith.addi %mul3A_774, %add3A_775 : i32
        %get3A_777 = arith.constant 0 : i32
        %get3A_778 = arith.constant 0 : i32
        %get3A_779 = tpu.memref_slice %arg6[%scan3A_85, %get3A_777, %get3A_778] : memref<2x128x256xf32, #tpu.memory_space<vmem>> -> memref<1x128x256xf32, #tpu.memory_space<vmem>>
        %get3A_780 = tpu.memref_squeeze %get3A_779 : memref<1x128x256xf32, #tpu.memory_space<vmem>> -> memref<128x256xf32, #tpu.memory_space<vmem>>
        %get3A_781 = arith.index_cast %add3A_776 : i32 to index
        %get3A_782 = arith.constant 160 : index
        %get3A_783 = tpu.vector_load %get3A_780[%get3A_781, %get3A_782] {strides = array<i32>} : memref<128x256xf32, #tpu.memory_space<vmem>>, vector<1x16xf32>,
        %get3A_784 = vector.shape_cast %get3A_783 : vector<1x16xf32> to vector<16xf32>
        %add3A_785 = arith.addf %add3A_772, %get3A_784 : vector<16xf32>
        %swap3A_786 = arith.constant 0 : i32
        %swap3A_787 = arith.constant 0 : i32
        %swap3A_788 = tpu.memref_slice %arg7[%scan3A_86, %swap3A_786, %swap3A_787] : memref<2x32x256xf32, #tpu.memory_space<vmem>> -> memref<1x32x256xf32, #tpu.memory_space<vmem>>
        %swap3A_789 = tpu.memref_squeeze %swap3A_788 : memref<1x32x256xf32, #tpu.memory_space<vmem>> -> memref<32x256xf32, #tpu.memory_space<vmem>>
        %swap3A_790 = arith.index_cast %scan3A_158 : i32 to index
        %swap3A_791 = arith.constant 160 : index
        %swap3A_792 = tpu.vector_load %swap3A_789[%swap3A_790, %swap3A_791] {strides = array<i32>} : memref<32x256xf32, #tpu.memory_space<vmem>>, vector<1x16xf32>,
        %swap3A_793 = vector.shape_cast %swap3A_792 : vector<1x16xf32> to vector<16xf32>
        %swap3A_794 = vector.shape_cast %add3A_785 : vector<16xf32> to vector<1x16xf32>
        tpu.vector_store %swap3A_789[%swap3A_790, %swap3A_791], %swap3A_794 {strides = array<i32>} : memref<32x256xf32, #tpu.memory_space<vmem>>, vector<1x16xf32>,
        %mul3A_795 = arith.constant 4 : i32
        %mul3A_796 = arith.muli %mul3A_795, %scan3A_158 : i32
        %get3A_797 = arith.constant 0 : i32
        %get3A_798 = arith.constant 0 : i32
        %get3A_799 = tpu.memref_slice %arg6[%scan3A_85, %get3A_797, %get3A_798] : memref<2x128x256xf32, #tpu.memory_space<vmem>> -> memref<1x128x256xf32, #tpu.memory_space<vmem>>
        %get3A_800 = tpu.memref_squeeze %get3A_799 : memref<1x128x256xf32, #tpu.memory_space<vmem>> -> memref<128x256xf32, #tpu.memory_space<vmem>>
        %get3A_801 = arith.index_cast %mul3A_796 : i32 to index
        %get3A_802 = arith.constant 176 : index
        %get3A_803 = tpu.vector_load %get3A_800[%get3A_801, %get3A_802] {strides = array<i32>} : memref<128x256xf32, #tpu.memory_space<vmem>>, vector<1x16xf32>,
        %get3A_804 = vector.shape_cast %get3A_803 : vector<1x16xf32> to vector<16xf32>
        %mul3A_805 = arith.constant 4 : i32
        %mul3A_806 = arith.muli %mul3A_805, %scan3A_158 : i32
        %add3A_807 = arith.constant 1 : i32
        %add3A_808 = arith.addi %mul3A_806, %add3A_807 : i32
        %get3A_809 = arith.constant 0 : i32
        %get3A_810 = arith.constant 0 : i32
        %get3A_811 = tpu.memref_slice %arg6[%scan3A_85, %get3A_809, %get3A_810] : memref<2x128x256xf32, #tpu.memory_space<vmem>> -> memref<1x128x256xf32, #tpu.memory_space<vmem>>
        %get3A_812 = tpu.memref_squeeze %get3A_811 : memref<1x128x256xf32, #tpu.memory_space<vmem>> -> memref<128x256xf32, #tpu.memory_space<vmem>>
        %get3A_813 = arith.index_cast %add3A_808 : i32 to index
        %get3A_814 = arith.constant 176 : index
        %get3A_815 = tpu.vector_load %get3A_812[%get3A_813, %get3A_814] {strides = array<i32>} : memref<128x256xf32, #tpu.memory_space<vmem>>, vector<1x16xf32>,
        %get3A_816 = vector.shape_cast %get3A_815 : vector<1x16xf32> to vector<16xf32>
        %add3A_817 = arith.addf %get3A_804, %get3A_816 : vector<16xf32>
        %mul3A_818 = arith.constant 4 : i32
        %mul3A_819 = arith.muli %mul3A_818, %scan3A_158 : i32
        %add3A_820 = arith.constant 2 : i32
        %add3A_821 = arith.addi %mul3A_819, %add3A_820 : i32
        %get3A_822 = arith.constant 0 : i32
        %get3A_823 = arith.constant 0 : i32
        %get3A_824 = tpu.memref_slice %arg6[%scan3A_85, %get3A_822, %get3A_823] : memref<2x128x256xf32, #tpu.memory_space<vmem>> -> memref<1x128x256xf32, #tpu.memory_space<vmem>>
        %get3A_825 = tpu.memref_squeeze %get3A_824 : memref<1x128x256xf32, #tpu.memory_space<vmem>> -> memref<128x256xf32, #tpu.memory_space<vmem>>
        %get3A_826 = arith.index_cast %add3A_821 : i32 to index
        %get3A_827 = arith.constant 176 : index
        %get3A_828 = tpu.vector_load %get3A_825[%get3A_826, %get3A_827] {strides = array<i32>} : memref<128x256xf32, #tpu.memory_space<vmem>>, vector<1x16xf32>,
        %get3A_829 = vector.shape_cast %get3A_828 : vector<1x16xf32> to vector<16xf32>
        %add3A_830 = arith.addf %add3A_817, %get3A_829 : vector<16xf32>
        %mul3A_831 = arith.constant 4 : i32
        %mul3A_832 = arith.muli %mul3A_831, %scan3A_158 : i32
        %add3A_833 = arith.constant 3 : i32
        %add3A_834 = arith.addi %mul3A_832, %add3A_833 : i32
        %get3A_835 = arith.constant 0 : i32
        %get3A_836 = arith.constant 0 : i32
        %get3A_837 = tpu.memref_slice %arg6[%scan3A_85, %get3A_835, %get3A_836] : memref<2x128x256xf32, #tpu.memory_space<vmem>> -> memref<1x128x256xf32, #tpu.memory_space<vmem>>
        %get3A_838 = tpu.memref_squeeze %get3A_837 : memref<1x128x256xf32, #tpu.memory_space<vmem>> -> memref<128x256xf32, #tpu.memory_space<vmem>>
        %get3A_839 = arith.index_cast %add3A_834 : i32 to index
        %get3A_840 = arith.constant 176 : index
        %get3A_841 = tpu.vector_load %get3A_838[%get3A_839, %get3A_840] {strides = array<i32>} : memref<128x256xf32, #tpu.memory_space<vmem>>, vector<1x16xf32>,
        %get3A_842 = vector.shape_cast %get3A_841 : vector<1x16xf32> to vector<16xf32>
        %add3A_843 = arith.addf %add3A_830, %get3A_842 : vector<16xf32>
        %swap3A_844 = arith.constant 0 : i32
        %swap3A_845 = arith.constant 0 : i32
        %swap3A_846 = tpu.memref_slice %arg7[%scan3A_86, %swap3A_844, %swap3A_845] : memref<2x32x256xf32, #tpu.memory_space<vmem>> -> memref<1x32x256xf32, #tpu.memory_space<vmem>>
        %swap3A_847 = tpu.memref_squeeze %swap3A_846 : memref<1x32x256xf32, #tpu.memory_space<vmem>> -> memref<32x256xf32, #tpu.memory_space<vmem>>
        %swap3A_848 = arith.index_cast %scan3A_158 : i32 to index
        %swap3A_849 = arith.constant 176 : index
        %swap3A_850 = tpu.vector_load %swap3A_847[%swap3A_848, %swap3A_849] {strides = array<i32>} : memref<32x256xf32, #tpu.memory_space<vmem>>, vector<1x16xf32>,
        %swap3A_851 = vector.shape_cast %swap3A_850 : vector<1x16xf32> to vector<16xf32>
        %swap3A_852 = vector.shape_cast %add3A_843 : vector<16xf32> to vector<1x16xf32>
        tpu.vector_store %swap3A_847[%swap3A_848, %swap3A_849], %swap3A_852 {strides = array<i32>} : memref<32x256xf32, #tpu.memory_space<vmem>>, vector<1x16xf32>,
        %mul3A_853 = arith.constant 4 : i32
        %mul3A_854 = arith.muli %mul3A_853, %scan3A_158 : i32
        %get3A_855 = arith.constant 0 : i32
        %get3A_856 = arith.constant 0 : i32
        %get3A_857 = tpu.memref_slice %arg6[%scan3A_85, %get3A_855, %get3A_856] : memref<2x128x256xf32, #tpu.memory_space<vmem>> -> memref<1x128x256xf32, #tpu.memory_space<vmem>>
        %get3A_858 = tpu.memref_squeeze %get3A_857 : memref<1x128x256xf32, #tpu.memory_space<vmem>> -> memref<128x256xf32, #tpu.memory_space<vmem>>
        %get3A_859 = arith.index_cast %mul3A_854 : i32 to index
        %get3A_860 = arith.constant 192 : index
        %get3A_861 = tpu.vector_load %get3A_858[%get3A_859, %get3A_860] {strides = array<i32>} : memref<128x256xf32, #tpu.memory_space<vmem>>, vector<1x16xf32>,
        %get3A_862 = vector.shape_cast %get3A_861 : vector<1x16xf32> to vector<16xf32>
        %mul3A_863 = arith.constant 4 : i32
        %mul3A_864 = arith.muli %mul3A_863, %scan3A_158 : i32
        %add3A_865 = arith.constant 1 : i32
        %add3A_866 = arith.addi %mul3A_864, %add3A_865 : i32
        %get3A_867 = arith.constant 0 : i32
        %get3A_868 = arith.constant 0 : i32
        %get3A_869 = tpu.memref_slice %arg6[%scan3A_85, %get3A_867, %get3A_868] : memref<2x128x256xf32, #tpu.memory_space<vmem>> -> memref<1x128x256xf32, #tpu.memory_space<vmem>>
        %get3A_870 = tpu.memref_squeeze %get3A_869 : memref<1x128x256xf32, #tpu.memory_space<vmem>> -> memref<128x256xf32, #tpu.memory_space<vmem>>
        %get3A_871 = arith.index_cast %add3A_866 : i32 to index
        %get3A_872 = arith.constant 192 : index
        %get3A_873 = tpu.vector_load %get3A_870[%get3A_871, %get3A_872] {strides = array<i32>} : memref<128x256xf32, #tpu.memory_space<vmem>>, vector<1x16xf32>,
        %get3A_874 = vector.shape_cast %get3A_873 : vector<1x16xf32> to vector<16xf32>
        %add3A_875 = arith.addf %get3A_862, %get3A_874 : vector<16xf32>
        %mul3A_876 = arith.constant 4 : i32
        %mul3A_877 = arith.muli %mul3A_876, %scan3A_158 : i32
        %add3A_878 = arith.constant 2 : i32
        %add3A_879 = arith.addi %mul3A_877, %add3A_878 : i32
        %get3A_880 = arith.constant 0 : i32
        %get3A_881 = arith.constant 0 : i32
        %get3A_882 = tpu.memref_slice %arg6[%scan3A_85, %get3A_880, %get3A_881] : memref<2x128x256xf32, #tpu.memory_space<vmem>> -> memref<1x128x256xf32, #tpu.memory_space<vmem>>
        %get3A_883 = tpu.memref_squeeze %get3A_882 : memref<1x128x256xf32, #tpu.memory_space<vmem>> -> memref<128x256xf32, #tpu.memory_space<vmem>>
        %get3A_884 = arith.index_cast %add3A_879 : i32 to index
        %get3A_885 = arith.constant 192 : index
        %get3A_886 = tpu.vector_load %get3A_883[%get3A_884, %get3A_885] {strides = array<i32>} : memref<128x256xf32, #tpu.memory_space<vmem>>, vector<1x16xf32>,
        %get3A_887 = vector.shape_cast %get3A_886 : vector<1x16xf32> to vector<16xf32>
        %add3A_888 = arith.addf %add3A_875, %get3A_887 : vector<16xf32>
        %mul3A_889 = arith.constant 4 : i32
        %mul3A_890 = arith.muli %mul3A_889, %scan3A_158 : i32
        %add3A_891 = arith.constant 3 : i32
        %add3A_892 = arith.addi %mul3A_890, %add3A_891 : i32
        %get3A_893 = arith.constant 0 : i32
        %get3A_894 = arith.constant 0 : i32
        %get3A_895 = tpu.memref_slice %arg6[%scan3A_85, %get3A_893, %get3A_894] : memref<2x128x256xf32, #tpu.memory_space<vmem>> -> memref<1x128x256xf32, #tpu.memory_space<vmem>>
        %get3A_896 = tpu.memref_squeeze %get3A_895 : memref<1x128x256xf32, #tpu.memory_space<vmem>> -> memref<128x256xf32, #tpu.memory_space<vmem>>
        %get3A_897 = arith.index_cast %add3A_892 : i32 to index
        %get3A_898 = arith.constant 192 : index
        %get3A_899 = tpu.vector_load %get3A_896[%get3A_897, %get3A_898] {strides = array<i32>} : memref<128x256xf32, #tpu.memory_space<vmem>>, vector<1x16xf32>,
        %get3A_900 = vector.shape_cast %get3A_899 : vector<1x16xf32> to vector<16xf32>
        %add3A_901 = arith.addf %add3A_888, %get3A_900 : vector<16xf32>
        %swap3A_902 = arith.constant 0 : i32
        %swap3A_903 = arith.constant 0 : i32
        %swap3A_904 = tpu.memref_slice %arg7[%scan3A_86, %swap3A_902, %swap3A_903] : memref<2x32x256xf32, #tpu.memory_space<vmem>> -> memref<1x32x256xf32, #tpu.memory_space<vmem>>
        %swap3A_905 = tpu.memref_squeeze %swap3A_904 : memref<1x32x256xf32, #tpu.memory_space<vmem>> -> memref<32x256xf32, #tpu.memory_space<vmem>>
        %swap3A_906 = arith.index_cast %scan3A_158 : i32 to index
        %swap3A_907 = arith.constant 192 : index
        %swap3A_908 = tpu.vector_load %swap3A_905[%swap3A_906, %swap3A_907] {strides = array<i32>} : memref<32x256xf32, #tpu.memory_space<vmem>>, vector<1x16xf32>,
        %swap3A_909 = vector.shape_cast %swap3A_908 : vector<1x16xf32> to vector<16xf32>
        %swap3A_910 = vector.shape_cast %add3A_901 : vector<16xf32> to vector<1x16xf32>
        tpu.vector_store %swap3A_905[%swap3A_906, %swap3A_907], %swap3A_910 {strides = array<i32>} : memref<32x256xf32, #tpu.memory_space<vmem>>, vector<1x16xf32>,
        %mul3A_911 = arith.constant 4 : i32
        %mul3A_912 = arith.muli %mul3A_911, %scan3A_158 : i32
        %get3A_913 = arith.constant 0 : i32
        %get3A_914 = arith.constant 0 : i32
        %get3A_915 = tpu.memref_slice %arg6[%scan3A_85, %get3A_913, %get3A_914] : memref<2x128x256xf32, #tpu.memory_space<vmem>> -> memref<1x128x256xf32, #tpu.memory_space<vmem>>
        %get3A_916 = tpu.memref_squeeze %get3A_915 : memref<1x128x256xf32, #tpu.memory_space<vmem>> -> memref<128x256xf32, #tpu.memory_space<vmem>>
        %get3A_917 = arith.index_cast %mul3A_912 : i32 to index
        %get3A_918 = arith.constant 208 : index
        %get3A_919 = tpu.vector_load %get3A_916[%get3A_917, %get3A_918] {strides = array<i32>} : memref<128x256xf32, #tpu.memory_space<vmem>>, vector<1x16xf32>,
        %get3A_920 = vector.shape_cast %get3A_919 : vector<1x16xf32> to vector<16xf32>
        %mul3A_921 = arith.constant 4 : i32
        %mul3A_922 = arith.muli %mul3A_921, %scan3A_158 : i32
        %add3A_923 = arith.constant 1 : i32
        %add3A_924 = arith.addi %mul3A_922, %add3A_923 : i32
        %get3A_925 = arith.constant 0 : i32
        %get3A_926 = arith.constant 0 : i32
        %get3A_927 = tpu.memref_slice %arg6[%scan3A_85, %get3A_925, %get3A_926] : memref<2x128x256xf32, #tpu.memory_space<vmem>> -> memref<1x128x256xf32, #tpu.memory_space<vmem>>
        %get3A_928 = tpu.memref_squeeze %get3A_927 : memref<1x128x256xf32, #tpu.memory_space<vmem>> -> memref<128x256xf32, #tpu.memory_space<vmem>>
        %get3A_929 = arith.index_cast %add3A_924 : i32 to index
        %get3A_930 = arith.constant 208 : index
        %get3A_931 = tpu.vector_load %get3A_928[%get3A_929, %get3A_930] {strides = array<i32>} : memref<128x256xf32, #tpu.memory_space<vmem>>, vector<1x16xf32>,
        %get3A_932 = vector.shape_cast %get3A_931 : vector<1x16xf32> to vector<16xf32>
        %add3A_933 = arith.addf %get3A_920, %get3A_932 : vector<16xf32>
        %mul3A_934 = arith.constant 4 : i32
        %mul3A_935 = arith.muli %mul3A_934, %scan3A_158 : i32
        %add3A_936 = arith.constant 2 : i32
        %add3A_937 = arith.addi %mul3A_935, %add3A_936 : i32
        %get3A_938 = arith.constant 0 : i32
        %get3A_939 = arith.constant 0 : i32
        %get3A_940 = tpu.memref_slice %arg6[%scan3A_85, %get3A_938, %get3A_939] : memref<2x128x256xf32, #tpu.memory_space<vmem>> -> memref<1x128x256xf32, #tpu.memory_space<vmem>>
        %get3A_941 = tpu.memref_squeeze %get3A_940 : memref<1x128x256xf32, #tpu.memory_space<vmem>> -> memref<128x256xf32, #tpu.memory_space<vmem>>
        %get3A_942 = arith.index_cast %add3A_937 : i32 to index
        %get3A_943 = arith.constant 208 : index
        %get3A_944 = tpu.vector_load %get3A_941[%get3A_942, %get3A_943] {strides = array<i32>} : memref<128x256xf32, #tpu.memory_space<vmem>>, vector<1x16xf32>,
        %get3A_945 = vector.shape_cast %get3A_944 : vector<1x16xf32> to vector<16xf32>
        %add3A_946 = arith.addf %add3A_933, %get3A_945 : vector<16xf32>
        %mul3A_947 = arith.constant 4 : i32
        %mul3A_948 = arith.muli %mul3A_947, %scan3A_158 : i32
        %add3A_949 = arith.constant 3 : i32
        %add3A_950 = arith.addi %mul3A_948, %add3A_949 : i32
        %get3A_951 = arith.constant 0 : i32
        %get3A_952 = arith.constant 0 : i32
        %get3A_953 = tpu.memref_slice %arg6[%scan3A_85, %get3A_951, %get3A_952] : memref<2x128x256xf32, #tpu.memory_space<vmem>> -> memref<1x128x256xf32, #tpu.memory_space<vmem>>
        %get3A_954 = tpu.memref_squeeze %get3A_953 : memref<1x128x256xf32, #tpu.memory_space<vmem>> -> memref<128x256xf32, #tpu.memory_space<vmem>>
        %get3A_955 = arith.index_cast %add3A_950 : i32 to index
        %get3A_956 = arith.constant 208 : index
        %get3A_957 = tpu.vector_load %get3A_954[%get3A_955, %get3A_956] {strides = array<i32>} : memref<128x256xf32, #tpu.memory_space<vmem>>, vector<1x16xf32>,
        %get3A_958 = vector.shape_cast %get3A_957 : vector<1x16xf32> to vector<16xf32>
        %add3A_959 = arith.addf %add3A_946, %get3A_958 : vector<16xf32>
        %swap3A_960 = arith.constant 0 : i32
        %swap3A_961 = arith.constant 0 : i32
        %swap3A_962 = tpu.memref_slice %arg7[%scan3A_86, %swap3A_960, %swap3A_961] : memref<2x32x256xf32, #tpu.memory_space<vmem>> -> memref<1x32x256xf32, #tpu.memory_space<vmem>>
        %swap3A_963 = tpu.memref_squeeze %swap3A_962 : memref<1x32x256xf32, #tpu.memory_space<vmem>> -> memref<32x256xf32, #tpu.memory_space<vmem>>
        %swap3A_964 = arith.index_cast %scan3A_158 : i32 to index
        %swap3A_965 = arith.constant 208 : index
        %swap3A_966 = tpu.vector_load %swap3A_963[%swap3A_964, %swap3A_965] {strides = array<i32>} : memref<32x256xf32, #tpu.memory_space<vmem>>, vector<1x16xf32>,
        %swap3A_967 = vector.shape_cast %swap3A_966 : vector<1x16xf32> to vector<16xf32>
        %swap3A_968 = vector.shape_cast %add3A_959 : vector<16xf32> to vector<1x16xf32>
        tpu.vector_store %swap3A_963[%swap3A_964, %swap3A_965], %swap3A_968 {strides = array<i32>} : memref<32x256xf32, #tpu.memory_space<vmem>>, vector<1x16xf32>,
        %mul3A_969 = arith.constant 4 : i32
        %mul3A_970 = arith.muli %mul3A_969, %scan3A_158 : i32
        %get3A_971 = arith.constant 0 : i32
        %get3A_972 = arith.constant 0 : i32
        %get3A_973 = tpu.memref_slice %arg6[%scan3A_85, %get3A_971, %get3A_972] : memref<2x128x256xf32, #tpu.memory_space<vmem>> -> memref<1x128x256xf32, #tpu.memory_space<vmem>>
        %get3A_974 = tpu.memref_squeeze %get3A_973 : memref<1x128x256xf32, #tpu.memory_space<vmem>> -> memref<128x256xf32, #tpu.memory_space<vmem>>
        %get3A_975 = arith.index_cast %mul3A_970 : i32 to index
        %get3A_976 = arith.constant 224 : index
        %get3A_977 = tpu.vector_load %get3A_974[%get3A_975, %get3A_976] {strides = array<i32>} : memref<128x256xf32, #tpu.memory_space<vmem>>, vector<1x16xf32>,
        %get3A_978 = vector.shape_cast %get3A_977 : vector<1x16xf32> to vector<16xf32>
        %mul3A_979 = arith.constant 4 : i32
        %mul3A_980 = arith.muli %mul3A_979, %scan3A_158 : i32
        %add3A_981 = arith.constant 1 : i32
        %add3A_982 = arith.addi %mul3A_980, %add3A_981 : i32
        %get3A_983 = arith.constant 0 : i32
        %get3A_984 = arith.constant 0 : i32
        %get3A_985 = tpu.memref_slice %arg6[%scan3A_85, %get3A_983, %get3A_984] : memref<2x128x256xf32, #tpu.memory_space<vmem>> -> memref<1x128x256xf32, #tpu.memory_space<vmem>>
        %get3A_986 = tpu.memref_squeeze %get3A_985 : memref<1x128x256xf32, #tpu.memory_space<vmem>> -> memref<128x256xf32, #tpu.memory_space<vmem>>
        %get3A_987 = arith.index_cast %add3A_982 : i32 to index
        %get3A_988 = arith.constant 224 : index
        %get3A_989 = tpu.vector_load %get3A_986[%get3A_987, %get3A_988] {strides = array<i32>} : memref<128x256xf32, #tpu.memory_space<vmem>>, vector<1x16xf32>,
        %get3A_990 = vector.shape_cast %get3A_989 : vector<1x16xf32> to vector<16xf32>
        %add3A_991 = arith.addf %get3A_978, %get3A_990 : vector<16xf32>
        %mul3A_992 = arith.constant 4 : i32
        %mul3A_993 = arith.muli %mul3A_992, %scan3A_158 : i32
        %add3A_994 = arith.constant 2 : i32
        %add3A_995 = arith.addi %mul3A_993, %add3A_994 : i32
        %get3A_996 = arith.constant 0 : i32
        %get3A_997 = arith.constant 0 : i32
        %get3A_998 = tpu.memref_slice %arg6[%scan3A_85, %get3A_996, %get3A_997] : memref<2x128x256xf32, #tpu.memory_space<vmem>> -> memref<1x128x256xf32, #tpu.memory_space<vmem>>
        %get3A_999 = tpu.memref_squeeze %get3A_998 : memref<1x128x256xf32, #tpu.memory_space<vmem>> -> memref<128x256xf32, #tpu.memory_space<vmem>>
        %get3A_1000 = arith.index_cast %add3A_995 : i32 to index
        %get3A_1001 = arith.constant 224 : index
        %get3A_1002 = tpu.vector_load %get3A_999[%get3A_1000, %get3A_1001] {strides = array<i32>} : memref<128x256xf32, #tpu.memory_space<vmem>>, vector<1x16xf32>,
        %get3A_1003 = vector.shape_cast %get3A_1002 : vector<1x16xf32> to vector<16xf32>
        %add3A_1004 = arith.addf %add3A_991, %get3A_1003 : vector<16xf32>
        %mul3A_1005 = arith.constant 4 : i32
        %mul3A_1006 = arith.muli %mul3A_1005, %scan3A_158 : i32
        %add3A_1007 = arith.constant 3 : i32
        %add3A_1008 = arith.addi %mul3A_1006, %add3A_1007 : i32
        %get3A_1009 = arith.constant 0 : i32
        %get3A_1010 = arith.constant 0 : i32
        %get3A_1011 = tpu.memref_slice %arg6[%scan3A_85, %get3A_1009, %get3A_1010] : memref<2x128x256xf32, #tpu.memory_space<vmem>> -> memref<1x128x256xf32, #tpu.memory_space<vmem>>
        %get3A_1012 = tpu.memref_squeeze %get3A_1011 : memref<1x128x256xf32, #tpu.memory_space<vmem>> -> memref<128x256xf32, #tpu.memory_space<vmem>>
        %get3A_1013 = arith.index_cast %add3A_1008 : i32 to index
        %get3A_1014 = arith.constant 224 : index
        %get3A_1015 = tpu.vector_load %get3A_1012[%get3A_1013, %get3A_1014] {strides = array<i32>} : memref<128x256xf32, #tpu.memory_space<vmem>>, vector<1x16xf32>,
        %get3A_1016 = vector.shape_cast %get3A_1015 : vector<1x16xf32> to vector<16xf32>
        %add3A_1017 = arith.addf %add3A_1004, %get3A_1016 : vector<16xf32>
        %swap3A_1018 = arith.constant 0 : i32
        %swap3A_1019 = arith.constant 0 : i32
        %swap3A_1020 = tpu.memref_slice %arg7[%scan3A_86, %swap3A_1018, %swap3A_1019] : memref<2x32x256xf32, #tpu.memory_space<vmem>> -> memref<1x32x256xf32, #tpu.memory_space<vmem>>
        %swap3A_1021 = tpu.memref_squeeze %swap3A_1020 : memref<1x32x256xf32, #tpu.memory_space<vmem>> -> memref<32x256xf32, #tpu.memory_space<vmem>>
        %swap3A_1022 = arith.index_cast %scan3A_158 : i32 to index
        %swap3A_1023 = arith.constant 224 : index
        %swap3A_1024 = tpu.vector_load %swap3A_1021[%swap3A_1022, %swap3A_1023] {strides = array<i32>} : memref<32x256xf32, #tpu.memory_space<vmem>>, vector<1x16xf32>,
        %swap3A_1025 = vector.shape_cast %swap3A_1024 : vector<1x16xf32> to vector<16xf32>
        %swap3A_1026 = vector.shape_cast %add3A_1017 : vector<16xf32> to vector<1x16xf32>
        tpu.vector_store %swap3A_1021[%swap3A_1022, %swap3A_1023], %swap3A_1026 {strides = array<i32>} : memref<32x256xf32, #tpu.memory_space<vmem>>, vector<1x16xf32>,
        %mul3A_1027 = arith.constant 4 : i32
        %mul3A_1028 = arith.muli %mul3A_1027, %scan3A_158 : i32
        %get3A_1029 = arith.constant 0 : i32
        %get3A_1030 = arith.constant 0 : i32
        %get3A_1031 = tpu.memref_slice %arg6[%scan3A_85, %get3A_1029, %get3A_1030] : memref<2x128x256xf32, #tpu.memory_space<vmem>> -> memref<1x128x256xf32, #tpu.memory_space<vmem>>
        %get3A_1032 = tpu.memref_squeeze %get3A_1031 : memref<1x128x256xf32, #tpu.memory_space<vmem>> -> memref<128x256xf32, #tpu.memory_space<vmem>>
        %get3A_1033 = arith.index_cast %mul3A_1028 : i32 to index
        %get3A_1034 = arith.constant 240 : index
        %get3A_1035 = tpu.vector_load %get3A_1032[%get3A_1033, %get3A_1034] {strides = array<i32>} : memref<128x256xf32, #tpu.memory_space<vmem>>, vector<1x16xf32>,
        %get3A_1036 = vector.shape_cast %get3A_1035 : vector<1x16xf32> to vector<16xf32>
        %mul3A_1037 = arith.constant 4 : i32
        %mul3A_1038 = arith.muli %mul3A_1037, %scan3A_158 : i32
        %add3A_1039 = arith.constant 1 : i32
        %add3A_1040 = arith.addi %mul3A_1038, %add3A_1039 : i32
        %get3A_1041 = arith.constant 0 : i32
        %get3A_1042 = arith.constant 0 : i32
        %get3A_1043 = tpu.memref_slice %arg6[%scan3A_85, %get3A_1041, %get3A_1042] : memref<2x128x256xf32, #tpu.memory_space<vmem>> -> memref<1x128x256xf32, #tpu.memory_space<vmem>>
        %get3A_1044 = tpu.memref_squeeze %get3A_1043 : memref<1x128x256xf32, #tpu.memory_space<vmem>> -> memref<128x256xf32, #tpu.memory_space<vmem>>
        %get3A_1045 = arith.index_cast %add3A_1040 : i32 to index
        %get3A_1046 = arith.constant 240 : index
        %get3A_1047 = tpu.vector_load %get3A_1044[%get3A_1045, %get3A_1046] {strides = array<i32>} : memref<128x256xf32, #tpu.memory_space<vmem>>, vector<1x16xf32>,
        %get3A_1048 = vector.shape_cast %get3A_1047 : vector<1x16xf32> to vector<16xf32>
        %add3A_1049 = arith.addf %get3A_1036, %get3A_1048 : vector<16xf32>
        %mul3A_1050 = arith.constant 4 : i32
        %mul3A_1051 = arith.muli %mul3A_1050, %scan3A_158 : i32
        %add3A_1052 = arith.constant 2 : i32
        %add3A_1053 = arith.addi %mul3A_1051, %add3A_1052 : i32
        %get3A_1054 = arith.constant 0 : i32
        %get3A_1055 = arith.constant 0 : i32
        %get3A_1056 = tpu.memref_slice %arg6[%scan3A_85, %get3A_1054, %get3A_1055] : memref<2x128x256xf32, #tpu.memory_space<vmem>> -> memref<1x128x256xf32, #tpu.memory_space<vmem>>
        %get3A_1057 = tpu.memref_squeeze %get3A_1056 : memref<1x128x256xf32, #tpu.memory_space<vmem>> -> memref<128x256xf32, #tpu.memory_space<vmem>>
        %get3A_1058 = arith.index_cast %add3A_1053 : i32 to index
        %get3A_1059 = arith.constant 240 : index
        %get3A_1060 = tpu.vector_load %get3A_1057[%get3A_1058, %get3A_1059] {strides = array<i32>} : memref<128x256xf32, #tpu.memory_space<vmem>>, vector<1x16xf32>,
        %get3A_1061 = vector.shape_cast %get3A_1060 : vector<1x16xf32> to vector<16xf32>
        %add3A_1062 = arith.addf %add3A_1049, %get3A_1061 : vector<16xf32>
        %mul3A_1063 = arith.constant 4 : i32
        %mul3A_1064 = arith.muli %mul3A_1063, %scan3A_158 : i32
        %add3A_1065 = arith.constant 3 : i32
        %add3A_1066 = arith.addi %mul3A_1064, %add3A_1065 : i32
        %get3A_1067 = arith.constant 0 : i32
        %get3A_1068 = arith.constant 0 : i32
        %get3A_1069 = tpu.memref_slice %arg6[%scan3A_85, %get3A_1067, %get3A_1068] : memref<2x128x256xf32, #tpu.memory_space<vmem>> -> memref<1x128x256xf32, #tpu.memory_space<vmem>>
        %get3A_1070 = tpu.memref_squeeze %get3A_1069 : memref<1x128x256xf32, #tpu.memory_space<vmem>> -> memref<128x256xf32, #tpu.memory_space<vmem>>
        %get3A_1071 = arith.index_cast %add3A_1066 : i32 to index
        %get3A_1072 = arith.constant 240 : index
        %get3A_1073 = tpu.vector_load %get3A_1070[%get3A_1071, %get3A_1072] {strides = array<i32>} : memref<128x256xf32, #tpu.memory_space<vmem>>, vector<1x16xf32>,
        %get3A_1074 = vector.shape_cast %get3A_1073 : vector<1x16xf32> to vector<16xf32>
        %add3A_1075 = arith.addf %add3A_1062, %get3A_1074 : vector<16xf32>
        %swap3A_1076 = arith.constant 0 : i32
        %swap3A_1077 = arith.constant 0 : i32
        %swap3A_1078 = tpu.memref_slice %arg7[%scan3A_86, %swap3A_1076, %swap3A_1077] : memref<2x32x256xf32, #tpu.memory_space<vmem>> -> memref<1x32x256xf32, #tpu.memory_space<vmem>>
        %swap3A_1079 = tpu.memref_squeeze %swap3A_1078 : memref<1x32x256xf32, #tpu.memory_space<vmem>> -> memref<32x256xf32, #tpu.memory_space<vmem>>
        %swap3A_1080 = arith.index_cast %scan3A_158 : i32 to index
        %swap3A_1081 = arith.constant 240 : index
        %swap3A_1082 = tpu.vector_load %swap3A_1079[%swap3A_1080, %swap3A_1081] {strides = array<i32>} : memref<32x256xf32, #tpu.memory_space<vmem>>, vector<1x16xf32>,
        %swap3A_1083 = vector.shape_cast %swap3A_1082 : vector<1x16xf32> to vector<16xf32>
        %swap3A_1084 = vector.shape_cast %add3A_1075 : vector<16xf32> to vector<1x16xf32>
        tpu.vector_store %swap3A_1079[%swap3A_1080, %swap3A_1081], %swap3A_1084 {strides = array<i32>} : memref<32x256xf32, #tpu.memory_space<vmem>>, vector<1x16xf32>,
      }
      %scan3A_91 = arith.constant 32 : i32
      %add3A_92 = arith.addi %mul3A_2, %mul3A_57 : i32
      %mul3A_93 = arith.constant 32 : i32
      %mul3A_94 = arith.muli %add3A_92, %mul3A_93 : i32
      %dma_start3A_95 = arith.constant 0 : i32
      %dma_start3A_96 = arith.constant 0 : i32
      %dma_start3A_97 = arith.constant 0 : i32
      %dma_start3A_98 = tpu.memref_slice %arg7[%dma_start3A_95, %dma_start3A_96, %dma_start3A_97] : memref<2x32x256xf32, #tpu.memory_space<vmem>> -> memref<1x32x256xf32, #tpu.memory_space<vmem>>
      %dma_start3A_99 = tpu.memref_squeeze %dma_start3A_98 : memref<1x32x256xf32, #tpu.memory_space<vmem>> -> memref<32x256xf32, #tpu.memory_space<vmem>>
      %dma_start3A_100 = arith.constant 0 : i32
      %dma_start3A_101 = tpu.memref_slice %arg4[%mul3A_94, %dma_start3A_100] : memref<40960x256xf32, #tpu.memory_space<hbm>> -> memref<32x256xf32, #tpu.memory_space<hbm>>
      %dma_start3A_102 = arith.constant 0 : i32
      %dma_start3A_103 = tpu.memref_slice %arg4[%mul3A_94, %dma_start3A_102] : memref<40960x256xf32, #tpu.memory_space<hbm>> -> memref<32x256xf32, #tpu.memory_space<hbm>>
      %dma_start3A_104 = arith.constant 0 : i32
      %dma_start3A_105 = arith.constant 0 : i32
      %dma_start3A_106 = tpu.memref_slice %arg7[%dma_start3A_95, %dma_start3A_104, %dma_start3A_105] : memref<2x32x256xf32, #tpu.memory_space<vmem>> -> memref<1x32x256xf32, #tpu.memory_space<vmem>>
      %dma_start3A_107 = tpu.memref_squeeze %dma_start3A_106 : memref<1x32x256xf32, #tpu.memory_space<vmem>> -> memref<32x256xf32, #tpu.memory_space<vmem>>
      tpu.enqueue_dma source(%dma_start3A_107 : memref<32x256xf32, #tpu.memory_space<vmem>>) target(%dma_start3A_103 : memref<32x256xf32, #tpu.memory_space<hbm>>) target_semaphore(%arg10 : memref<!tpu.dma_semaphore, #tpu.memory_space<semaphore_mem>>)
      %add3A_108 = arith.constant 2 : i32
      %add3A_109 = arith.addi %mul3A_57, %add3A_108 : i32
      %lt3A = arith.constant 40 : i32
      %lt3A_110 = arith.cmpi slt, %add3A_109, %lt3A : i32
      %convert_element_type3A_111 = arith.extui %lt3A_110 : i1 to i32
      %cond3A_112 = arith.constant 0 : i32
      %cond3A_113 = arith.cmpi ne, %convert_element_type3A_111, %cond3A_112 : i32
      scf.if %cond3A_113 {
        %add3A_158 = arith.constant 2 : i32
        %add3A_159 = arith.addi %mul3A_57, %add3A_158 : i32
        %dma_start3A_160 = arith.constant 0 : i32
        %dma_start3A_161 = arith.constant 0 : i32
        %dma_start3A_162 = arith.constant 0 : i32
        %dma_start3A_163 = tpu.memref_slice %arg6[%dma_start3A_160, %dma_start3A_161, %dma_start3A_162] : memref<2x128x256xf32, #tpu.memory_space<vmem>> -> memref<1x128x256xf32, #tpu.memory_space<vmem>>
        %dma_start3A_164 = tpu.memref_squeeze %dma_start3A_163 : memref<1x128x256xf32, #tpu.memory_space<vmem>> -> memref<128x256xf32, #tpu.memory_space<vmem>>
        %dma_start3A_165 = arith.constant 0 : i32
        %dma_start3A_166 = tpu.memref_slice %arg5[%add3A_159, %dma_start3A_165] : memref<40x128xi32, #tpu.memory_space<vmem>> -> memref<1x128xi32, #tpu.memory_space<vmem>>
        %dma_start3A_167 = tpu.memref_squeeze %dma_start3A_166 : memref<1x128xi32, #tpu.memory_space<vmem>> -> memref<128xi32, #tpu.memory_space<vmem>>
        %dma_start3A_168 = arith.constant 0 : i32
        %dma_start3A_169 = arith.constant 0 : i32
        %dma_start3A_170 = tpu.memref_slice %arg2[%dma_start3A_168, %dma_start3A_169] : memref<20000x256xf32, #tpu.memory_space<hbm>> -> memref<20000x256xf32, #tpu.memory_space<hbm>>
        tpu.enqueue_indirect_dma source(%dma_start3A_170 : memref<20000x256xf32, #tpu.memory_space<hbm>>) target(%dma_start3A_164 : memref<128x256xf32, #tpu.memory_space<vmem>>) offsets(%dma_start3A_167 : memref<128xi32, #tpu.memory_space<vmem>>) semaphore(%arg8 : memref<!tpu.dma_semaphore, #tpu.memory_space<semaphore_mem>>)
      } else {
      }
      %add3A_114 = arith.constant 1 : i32
      %add3A_115 = arith.addi %mul3A_57, %add3A_114 : i32
      %dma_wait3A_116 = arith.constant 1 : i32
      %dma_wait3A_117 = arith.constant 0 : i32
      %dma_wait3A_118 = arith.constant 0 : i32
      %dma_wait3A_119 = tpu.memref_slice %arg6[%dma_wait3A_116, %dma_wait3A_117, %dma_wait3A_118] : memref<2x128x256xf32, #tpu.memory_space<vmem>> -> memref<1x128x256xf32, #tpu.memory_space<vmem>>
      %dma_wait3A_120 = tpu.memref_squeeze %dma_wait3A_119 : memref<1x128x256xf32, #tpu.memory_space<vmem>> -> memref<128x256xf32, #tpu.memory_space<vmem>>
      %dma_wait3A_121 = arith.constant 0 : i32
      %dma_wait3A_122 = tpu.memref_slice %arg5[%add3A_115, %dma_wait3A_121] : memref<40x128xi32, #tpu.memory_space<vmem>> -> memref<1x128xi32, #tpu.memory_space<vmem>>
      %dma_wait3A_123 = tpu.memref_squeeze %dma_wait3A_122 : memref<1x128xi32, #tpu.memory_space<vmem>> -> memref<128xi32, #tpu.memory_space<vmem>>
      %dma_wait3A_124 = arith.constant 0 : i32
      %dma_wait3A_125 = arith.constant 0 : i32
      %dma_wait3A_126 = tpu.memref_slice %arg2[%dma_wait3A_124, %dma_wait3A_125] : memref<20000x256xf32, #tpu.memory_space<hbm>> -> memref<20000x256xf32, #tpu.memory_space<hbm>>
      tpu.wait_indirect_dma semaphore(%arg9 : memref<!tpu.dma_semaphore, #tpu.memory_space<semaphore_mem>>) src(%dma_wait3A_126 : memref<20000x256xf32, #tpu.memory_space<hbm>>) dst(%dma_wait3A_120 : memref<128x256xf32, #tpu.memory_space<vmem>>)
      %gt3A_127 = arith.constant 0 : i32
      %gt3A_128 = arith.cmpi sgt, %scan3A_55, %gt3A_127 : i32
      %convert_element_type3A_129 = arith.extui %gt3A_128 : i1 to i32
      %cond3A_130 = arith.constant 0 : i32
      %cond3A_131 = arith.cmpi ne, %convert_element_type3A_129, %cond3A_130 : i32
      scf.if %cond3A_131 {
        %add3A_158 = arith.addi %mul3A_2, %mul3A_57 : i32
        %sub3A_159 = arith.constant 1 : i32
        %sub3A_160 = arith.subi %add3A_158, %sub3A_159 : i32
        %mul3A_161 = arith.constant 32 : i32
        %mul3A_162 = arith.muli %sub3A_160, %mul3A_161 : i32
        %dma_wait3A_163 = arith.constant 1 : i32
        %dma_wait3A_164 = arith.constant 0 : i32
        %dma_wait3A_165 = arith.constant 0 : i32
        %dma_wait3A_166 = tpu.memref_slice %arg7[%dma_wait3A_163, %dma_wait3A_164, %dma_wait3A_165] : memref<2x32x256xf32, #tpu.memory_space<vmem>> -> memref<1x32x256xf32, #tpu.memory_space<vmem>>
        %dma_wait3A_167 = tpu.memref_squeeze %dma_wait3A_166 : memref<1x32x256xf32, #tpu.memory_space<vmem>> -> memref<32x256xf32, #tpu.memory_space<vmem>>
        %dma_wait3A_168 = arith.constant 0 : i32
        %dma_wait3A_169 = tpu.memref_slice %arg4[%mul3A_162, %dma_wait3A_168] : memref<40960x256xf32, #tpu.memory_space<hbm>> -> memref<32x256xf32, #tpu.memory_space<hbm>>
        %dma_wait3A_170 = arith.constant 0 : i32
        %dma_wait3A_171 = tpu.memref_slice %arg4[%mul3A_162, %dma_wait3A_170] : memref<40960x256xf32, #tpu.memory_space<hbm>> -> memref<32x256xf32, #tpu.memory_space<hbm>>
        %dma_wait3A_172 = arith.constant 0 : i32
        %dma_wait3A_173 = arith.constant 0 : i32
        %dma_wait3A_174 = tpu.memref_slice %arg7[%dma_wait3A_163, %dma_wait3A_172, %dma_wait3A_173] : memref<2x32x256xf32, #tpu.memory_space<vmem>> -> memref<1x32x256xf32, #tpu.memory_space<vmem>>
        %dma_wait3A_175 = tpu.memref_squeeze %dma_wait3A_174 : memref<1x32x256xf32, #tpu.memory_space<vmem>> -> memref<32x256xf32, #tpu.memory_space<vmem>>
        tpu.wait_dma2 semaphore(%arg11 : memref<!tpu.dma_semaphore, #tpu.memory_space<semaphore_mem>>) src(%dma_wait3A_175 : memref<32x256xf32, #tpu.memory_space<vmem>>) dst(%dma_wait3A_171 : memref<32x256xf32, #tpu.memory_space<hbm>>)
      } else {
      }
      %scan3A_132 = arith.constant 0 : i32
      %scan3A_133 = arith.constant 1 : i32
      %scan3A_134 = arith.constant 1 : i32
      %scan3A_135 = arith.constant 0 : i32
      %scan3A_136 = arith.constant 32 : i32
      %scan3A_137 = arith.addi %scan3A_135, %scan3A_136 : i32
      %scan3A_138 = arith.constant 1 : i32
      scf.for %scan3A_158 = %scan3A_135 to %scan3A_137 step %scan3A_138  : i32 {
        %mul3A_159 = arith.constant 4 : i32
        %mul3A_160 = arith.muli %mul3A_159, %scan3A_158 : i32
        %get3A = arith.constant 0 : i32
        %get3A_161 = arith.constant 0 : i32
        %get3A_162 = tpu.memref_slice %arg6[%scan3A_133, %get3A, %get3A_161] : memref<2x128x256xf32, #tpu.memory_space<vmem>> -> memref<1x128x256xf32, #tpu.memory_space<vmem>>
        %get3A_163 = tpu.memref_squeeze %get3A_162 : memref<1x128x256xf32, #tpu.memory_space<vmem>> -> memref<128x256xf32, #tpu.memory_space<vmem>>
        %get3A_164 = arith.index_cast %mul3A_160 : i32 to index
        %get3A_165 = arith.constant 0 : index
        %get3A_166 = tpu.vector_load %get3A_163[%get3A_164, %get3A_165] {strides = array<i32>} : memref<128x256xf32, #tpu.memory_space<vmem>>, vector<1x16xf32>,
        %get3A_167 = vector.shape_cast %get3A_166 : vector<1x16xf32> to vector<16xf32>
        %mul3A_168 = arith.constant 4 : i32
        %mul3A_169 = arith.muli %mul3A_168, %scan3A_158 : i32
        %add3A_170 = arith.constant 1 : i32
        %add3A_171 = arith.addi %mul3A_169, %add3A_170 : i32
        %get3A_172 = arith.constant 0 : i32
        %get3A_173 = arith.constant 0 : i32
        %get3A_174 = tpu.memref_slice %arg6[%scan3A_133, %get3A_172, %get3A_173] : memref<2x128x256xf32, #tpu.memory_space<vmem>> -> memref<1x128x256xf32, #tpu.memory_space<vmem>>
        %get3A_175 = tpu.memref_squeeze %get3A_174 : memref<1x128x256xf32, #tpu.memory_space<vmem>> -> memref<128x256xf32, #tpu.memory_space<vmem>>
        %get3A_176 = arith.index_cast %add3A_171 : i32 to index
        %get3A_177 = arith.constant 0 : index
        %get3A_178 = tpu.vector_load %get3A_175[%get3A_176, %get3A_177] {strides = array<i32>} : memref<128x256xf32, #tpu.memory_space<vmem>>, vector<1x16xf32>,
        %get3A_179 = vector.shape_cast %get3A_178 : vector<1x16xf32> to vector<16xf32>
        %add3A_180 = arith.addf %get3A_167, %get3A_179 : vector<16xf32>
        %mul3A_181 = arith.constant 4 : i32
        %mul3A_182 = arith.muli %mul3A_181, %scan3A_158 : i32
        %add3A_183 = arith.constant 2 : i32
        %add3A_184 = arith.addi %mul3A_182, %add3A_183 : i32
        %get3A_185 = arith.constant 0 : i32
        %get3A_186 = arith.constant 0 : i32
        %get3A_187 = tpu.memref_slice %arg6[%scan3A_133, %get3A_185, %get3A_186] : memref<2x128x256xf32, #tpu.memory_space<vmem>> -> memref<1x128x256xf32, #tpu.memory_space<vmem>>
        %get3A_188 = tpu.memref_squeeze %get3A_187 : memref<1x128x256xf32, #tpu.memory_space<vmem>> -> memref<128x256xf32, #tpu.memory_space<vmem>>
        %get3A_189 = arith.index_cast %add3A_184 : i32 to index
        %get3A_190 = arith.constant 0 : index
        %get3A_191 = tpu.vector_load %get3A_188[%get3A_189, %get3A_190] {strides = array<i32>} : memref<128x256xf32, #tpu.memory_space<vmem>>, vector<1x16xf32>,
        %get3A_192 = vector.shape_cast %get3A_191 : vector<1x16xf32> to vector<16xf32>
        %add3A_193 = arith.addf %add3A_180, %get3A_192 : vector<16xf32>
        %mul3A_194 = arith.constant 4 : i32
        %mul3A_195 = arith.muli %mul3A_194, %scan3A_158 : i32
        %add3A_196 = arith.constant 3 : i32
        %add3A_197 = arith.addi %mul3A_195, %add3A_196 : i32
        %get3A_198 = arith.constant 0 : i32
        %get3A_199 = arith.constant 0 : i32
        %get3A_200 = tpu.memref_slice %arg6[%scan3A_133, %get3A_198, %get3A_199] : memref<2x128x256xf32, #tpu.memory_space<vmem>> -> memref<1x128x256xf32, #tpu.memory_space<vmem>>
        %get3A_201 = tpu.memref_squeeze %get3A_200 : memref<1x128x256xf32, #tpu.memory_space<vmem>> -> memref<128x256xf32, #tpu.memory_space<vmem>>
        %get3A_202 = arith.index_cast %add3A_197 : i32 to index
        %get3A_203 = arith.constant 0 : index
        %get3A_204 = tpu.vector_load %get3A_201[%get3A_202, %get3A_203] {strides = array<i32>} : memref<128x256xf32, #tpu.memory_space<vmem>>, vector<1x16xf32>,
        %get3A_205 = vector.shape_cast %get3A_204 : vector<1x16xf32> to vector<16xf32>
        %add3A_206 = arith.addf %add3A_193, %get3A_205 : vector<16xf32>
        %swap3A = arith.constant 0 : i32
        %swap3A_207 = arith.constant 0 : i32
        %swap3A_208 = tpu.memref_slice %arg7[%scan3A_134, %swap3A, %swap3A_207] : memref<2x32x256xf32, #tpu.memory_space<vmem>> -> memref<1x32x256xf32, #tpu.memory_space<vmem>>
        %swap3A_209 = tpu.memref_squeeze %swap3A_208 : memref<1x32x256xf32, #tpu.memory_space<vmem>> -> memref<32x256xf32, #tpu.memory_space<vmem>>
        %swap3A_210 = arith.index_cast %scan3A_158 : i32 to index
        %swap3A_211 = arith.constant 0 : index
        %swap3A_212 = tpu.vector_load %swap3A_209[%swap3A_210, %swap3A_211] {strides = array<i32>} : memref<32x256xf32, #tpu.memory_space<vmem>>, vector<1x16xf32>,
        %swap3A_213 = vector.shape_cast %swap3A_212 : vector<1x16xf32> to vector<16xf32>
        %swap3A_214 = vector.shape_cast %add3A_206 : vector<16xf32> to vector<1x16xf32>
        tpu.vector_store %swap3A_209[%swap3A_210, %swap3A_211], %swap3A_214 {strides = array<i32>} : memref<32x256xf32, #tpu.memory_space<vmem>>, vector<1x16xf32>,
        %mul3A_215 = arith.constant 4 : i32
        %mul3A_216 = arith.muli %mul3A_215, %scan3A_158 : i32
        %get3A_217 = arith.constant 0 : i32
        %get3A_218 = arith.constant 0 : i32
        %get3A_219 = tpu.memref_slice %arg6[%scan3A_133, %get3A_217, %get3A_218] : memref<2x128x256xf32, #tpu.memory_space<vmem>> -> memref<1x128x256xf32, #tpu.memory_space<vmem>>
        %get3A_220 = tpu.memref_squeeze %get3A_219 : memref<1x128x256xf32, #tpu.memory_space<vmem>> -> memref<128x256xf32, #tpu.memory_space<vmem>>
        %get3A_221 = arith.index_cast %mul3A_216 : i32 to index
        %get3A_222 = arith.constant 16 : index
        %get3A_223 = tpu.vector_load %get3A_220[%get3A_221, %get3A_222] {strides = array<i32>} : memref<128x256xf32, #tpu.memory_space<vmem>>, vector<1x16xf32>,
        %get3A_224 = vector.shape_cast %get3A_223 : vector<1x16xf32> to vector<16xf32>
        %mul3A_225 = arith.constant 4 : i32
        %mul3A_226 = arith.muli %mul3A_225, %scan3A_158 : i32
        %add3A_227 = arith.constant 1 : i32
        %add3A_228 = arith.addi %mul3A_226, %add3A_227 : i32
        %get3A_229 = arith.constant 0 : i32
        %get3A_230 = arith.constant 0 : i32
        %get3A_231 = tpu.memref_slice %arg6[%scan3A_133, %get3A_229, %get3A_230] : memref<2x128x256xf32, #tpu.memory_space<vmem>> -> memref<1x128x256xf32, #tpu.memory_space<vmem>>
        %get3A_232 = tpu.memref_squeeze %get3A_231 : memref<1x128x256xf32, #tpu.memory_space<vmem>> -> memref<128x256xf32, #tpu.memory_space<vmem>>
        %get3A_233 = arith.index_cast %add3A_228 : i32 to index
        %get3A_234 = arith.constant 16 : index
        %get3A_235 = tpu.vector_load %get3A_232[%get3A_233, %get3A_234] {strides = array<i32>} : memref<128x256xf32, #tpu.memory_space<vmem>>, vector<1x16xf32>,
        %get3A_236 = vector.shape_cast %get3A_235 : vector<1x16xf32> to vector<16xf32>
        %add3A_237 = arith.addf %get3A_224, %get3A_236 : vector<16xf32>
        %mul3A_238 = arith.constant 4 : i32
        %mul3A_239 = arith.muli %mul3A_238, %scan3A_158 : i32
        %add3A_240 = arith.constant 2 : i32
        %add3A_241 = arith.addi %mul3A_239, %add3A_240 : i32
        %get3A_242 = arith.constant 0 : i32
        %get3A_243 = arith.constant 0 : i32
        %get3A_244 = tpu.memref_slice %arg6[%scan3A_133, %get3A_242, %get3A_243] : memref<2x128x256xf32, #tpu.memory_space<vmem>> -> memref<1x128x256xf32, #tpu.memory_space<vmem>>
        %get3A_245 = tpu.memref_squeeze %get3A_244 : memref<1x128x256xf32, #tpu.memory_space<vmem>> -> memref<128x256xf32, #tpu.memory_space<vmem>>
        %get3A_246 = arith.index_cast %add3A_241 : i32 to index
        %get3A_247 = arith.constant 16 : index
        %get3A_248 = tpu.vector_load %get3A_245[%get3A_246, %get3A_247] {strides = array<i32>} : memref<128x256xf32, #tpu.memory_space<vmem>>, vector<1x16xf32>,
        %get3A_249 = vector.shape_cast %get3A_248 : vector<1x16xf32> to vector<16xf32>
        %add3A_250 = arith.addf %add3A_237, %get3A_249 : vector<16xf32>
        %mul3A_251 = arith.constant 4 : i32
        %mul3A_252 = arith.muli %mul3A_251, %scan3A_158 : i32
        %add3A_253 = arith.constant 3 : i32
        %add3A_254 = arith.addi %mul3A_252, %add3A_253 : i32
        %get3A_255 = arith.constant 0 : i32
        %get3A_256 = arith.constant 0 : i32
        %get3A_257 = tpu.memref_slice %arg6[%scan3A_133, %get3A_255, %get3A_256] : memref<2x128x256xf32, #tpu.memory_space<vmem>> -> memref<1x128x256xf32, #tpu.memory_space<vmem>>
        %get3A_258 = tpu.memref_squeeze %get3A_257 : memref<1x128x256xf32, #tpu.memory_space<vmem>> -> memref<128x256xf32, #tpu.memory_space<vmem>>
        %get3A_259 = arith.index_cast %add3A_254 : i32 to index
        %get3A_260 = arith.constant 16 : index
        %get3A_261 = tpu.vector_load %get3A_258[%get3A_259, %get3A_260] {strides = array<i32>} : memref<128x256xf32, #tpu.memory_space<vmem>>, vector<1x16xf32>,
        %get3A_262 = vector.shape_cast %get3A_261 : vector<1x16xf32> to vector<16xf32>
        %add3A_263 = arith.addf %add3A_250, %get3A_262 : vector<16xf32>
        %swap3A_264 = arith.constant 0 : i32
        %swap3A_265 = arith.constant 0 : i32
        %swap3A_266 = tpu.memref_slice %arg7[%scan3A_134, %swap3A_264, %swap3A_265] : memref<2x32x256xf32, #tpu.memory_space<vmem>> -> memref<1x32x256xf32, #tpu.memory_space<vmem>>
        %swap3A_267 = tpu.memref_squeeze %swap3A_266 : memref<1x32x256xf32, #tpu.memory_space<vmem>> -> memref<32x256xf32, #tpu.memory_space<vmem>>
        %swap3A_268 = arith.index_cast %scan3A_158 : i32 to index
        %swap3A_269 = arith.constant 16 : index
        %swap3A_270 = tpu.vector_load %swap3A_267[%swap3A_268, %swap3A_269] {strides = array<i32>} : memref<32x256xf32, #tpu.memory_space<vmem>>, vector<1x16xf32>,
        %swap3A_271 = vector.shape_cast %swap3A_270 : vector<1x16xf32> to vector<16xf32>
        %swap3A_272 = vector.shape_cast %add3A_263 : vector<16xf32> to vector<1x16xf32>
        tpu.vector_store %swap3A_267[%swap3A_268, %swap3A_269], %swap3A_272 {strides = array<i32>} : memref<32x256xf32, #tpu.memory_space<vmem>>, vector<1x16xf32>,
        %mul3A_273 = arith.constant 4 : i32
        %mul3A_274 = arith.muli %mul3A_273, %scan3A_158 : i32
        %get3A_275 = arith.constant 0 : i32
        %get3A_276 = arith.constant 0 : i32
        %get3A_277 = tpu.memref_slice %arg6[%scan3A_133, %get3A_275, %get3A_276] : memref<2x128x256xf32, #tpu.memory_space<vmem>> -> memref<1x128x256xf32, #tpu.memory_space<vmem>>
        %get3A_278 = tpu.memref_squeeze %get3A_277 : memref<1x128x256xf32, #tpu.memory_space<vmem>> -> memref<128x256xf32, #tpu.memory_space<vmem>>
        %get3A_279 = arith.index_cast %mul3A_274 : i32 to index
        %get3A_280 = arith.constant 32 : index
        %get3A_281 = tpu.vector_load %get3A_278[%get3A_279, %get3A_280] {strides = array<i32>} : memref<128x256xf32, #tpu.memory_space<vmem>>, vector<1x16xf32>,
        %get3A_282 = vector.shape_cast %get3A_281 : vector<1x16xf32> to vector<16xf32>
        %mul3A_283 = arith.constant 4 : i32
        %mul3A_284 = arith.muli %mul3A_283, %scan3A_158 : i32
        %add3A_285 = arith.constant 1 : i32
        %add3A_286 = arith.addi %mul3A_284, %add3A_285 : i32
        %get3A_287 = arith.constant 0 : i32
        %get3A_288 = arith.constant 0 : i32
        %get3A_289 = tpu.memref_slice %arg6[%scan3A_133, %get3A_287, %get3A_288] : memref<2x128x256xf32, #tpu.memory_space<vmem>> -> memref<1x128x256xf32, #tpu.memory_space<vmem>>
        %get3A_290 = tpu.memref_squeeze %get3A_289 : memref<1x128x256xf32, #tpu.memory_space<vmem>> -> memref<128x256xf32, #tpu.memory_space<vmem>>
        %get3A_291 = arith.index_cast %add3A_286 : i32 to index
        %get3A_292 = arith.constant 32 : index
        %get3A_293 = tpu.vector_load %get3A_290[%get3A_291, %get3A_292] {strides = array<i32>} : memref<128x256xf32, #tpu.memory_space<vmem>>, vector<1x16xf32>,
        %get3A_294 = vector.shape_cast %get3A_293 : vector<1x16xf32> to vector<16xf32>
        %add3A_295 = arith.addf %get3A_282, %get3A_294 : vector<16xf32>
        %mul3A_296 = arith.constant 4 : i32
        %mul3A_297 = arith.muli %mul3A_296, %scan3A_158 : i32
        %add3A_298 = arith.constant 2 : i32
        %add3A_299 = arith.addi %mul3A_297, %add3A_298 : i32
        %get3A_300 = arith.constant 0 : i32
        %get3A_301 = arith.constant 0 : i32
        %get3A_302 = tpu.memref_slice %arg6[%scan3A_133, %get3A_300, %get3A_301] : memref<2x128x256xf32, #tpu.memory_space<vmem>> -> memref<1x128x256xf32, #tpu.memory_space<vmem>>
        %get3A_303 = tpu.memref_squeeze %get3A_302 : memref<1x128x256xf32, #tpu.memory_space<vmem>> -> memref<128x256xf32, #tpu.memory_space<vmem>>
        %get3A_304 = arith.index_cast %add3A_299 : i32 to index
        %get3A_305 = arith.constant 32 : index
        %get3A_306 = tpu.vector_load %get3A_303[%get3A_304, %get3A_305] {strides = array<i32>} : memref<128x256xf32, #tpu.memory_space<vmem>>, vector<1x16xf32>,
        %get3A_307 = vector.shape_cast %get3A_306 : vector<1x16xf32> to vector<16xf32>
        %add3A_308 = arith.addf %add3A_295, %get3A_307 : vector<16xf32>
        %mul3A_309 = arith.constant 4 : i32
        %mul3A_310 = arith.muli %mul3A_309, %scan3A_158 : i32
        %add3A_311 = arith.constant 3 : i32
        %add3A_312 = arith.addi %mul3A_310, %add3A_311 : i32
        %get3A_313 = arith.constant 0 : i32
        %get3A_314 = arith.constant 0 : i32
        %get3A_315 = tpu.memref_slice %arg6[%scan3A_133, %get3A_313, %get3A_314] : memref<2x128x256xf32, #tpu.memory_space<vmem>> -> memref<1x128x256xf32, #tpu.memory_space<vmem>>
        %get3A_316 = tpu.memref_squeeze %get3A_315 : memref<1x128x256xf32, #tpu.memory_space<vmem>> -> memref<128x256xf32, #tpu.memory_space<vmem>>
        %get3A_317 = arith.index_cast %add3A_312 : i32 to index
        %get3A_318 = arith.constant 32 : index
        %get3A_319 = tpu.vector_load %get3A_316[%get3A_317, %get3A_318] {strides = array<i32>} : memref<128x256xf32, #tpu.memory_space<vmem>>, vector<1x16xf32>,
        %get3A_320 = vector.shape_cast %get3A_319 : vector<1x16xf32> to vector<16xf32>
        %add3A_321 = arith.addf %add3A_308, %get3A_320 : vector<16xf32>
        %swap3A_322 = arith.constant 0 : i32
        %swap3A_323 = arith.constant 0 : i32
        %swap3A_324 = tpu.memref_slice %arg7[%scan3A_134, %swap3A_322, %swap3A_323] : memref<2x32x256xf32, #tpu.memory_space<vmem>> -> memref<1x32x256xf32, #tpu.memory_space<vmem>>
        %swap3A_325 = tpu.memref_squeeze %swap3A_324 : memref<1x32x256xf32, #tpu.memory_space<vmem>> -> memref<32x256xf32, #tpu.memory_space<vmem>>
        %swap3A_326 = arith.index_cast %scan3A_158 : i32 to index
        %swap3A_327 = arith.constant 32 : index
        %swap3A_328 = tpu.vector_load %swap3A_325[%swap3A_326, %swap3A_327] {strides = array<i32>} : memref<32x256xf32, #tpu.memory_space<vmem>>, vector<1x16xf32>,
        %swap3A_329 = vector.shape_cast %swap3A_328 : vector<1x16xf32> to vector<16xf32>
        %swap3A_330 = vector.shape_cast %add3A_321 : vector<16xf32> to vector<1x16xf32>
        tpu.vector_store %swap3A_325[%swap3A_326, %swap3A_327], %swap3A_330 {strides = array<i32>} : memref<32x256xf32, #tpu.memory_space<vmem>>, vector<1x16xf32>,
        %mul3A_331 = arith.constant 4 : i32
        %mul3A_332 = arith.muli %mul3A_331, %scan3A_158 : i32
        %get3A_333 = arith.constant 0 : i32
        %get3A_334 = arith.constant 0 : i32
        %get3A_335 = tpu.memref_slice %arg6[%scan3A_133, %get3A_333, %get3A_334] : memref<2x128x256xf32, #tpu.memory_space<vmem>> -> memref<1x128x256xf32, #tpu.memory_space<vmem>>
        %get3A_336 = tpu.memref_squeeze %get3A_335 : memref<1x128x256xf32, #tpu.memory_space<vmem>> -> memref<128x256xf32, #tpu.memory_space<vmem>>
        %get3A_337 = arith.index_cast %mul3A_332 : i32 to index
        %get3A_338 = arith.constant 48 : index
        %get3A_339 = tpu.vector_load %get3A_336[%get3A_337, %get3A_338] {strides = array<i32>} : memref<128x256xf32, #tpu.memory_space<vmem>>, vector<1x16xf32>,
        %get3A_340 = vector.shape_cast %get3A_339 : vector<1x16xf32> to vector<16xf32>
        %mul3A_341 = arith.constant 4 : i32
        %mul3A_342 = arith.muli %mul3A_341, %scan3A_158 : i32
        %add3A_343 = arith.constant 1 : i32
        %add3A_344 = arith.addi %mul3A_342, %add3A_343 : i32
        %get3A_345 = arith.constant 0 : i32
        %get3A_346 = arith.constant 0 : i32
        %get3A_347 = tpu.memref_slice %arg6[%scan3A_133, %get3A_345, %get3A_346] : memref<2x128x256xf32, #tpu.memory_space<vmem>> -> memref<1x128x256xf32, #tpu.memory_space<vmem>>
        %get3A_348 = tpu.memref_squeeze %get3A_347 : memref<1x128x256xf32, #tpu.memory_space<vmem>> -> memref<128x256xf32, #tpu.memory_space<vmem>>
        %get3A_349 = arith.index_cast %add3A_344 : i32 to index
        %get3A_350 = arith.constant 48 : index
        %get3A_351 = tpu.vector_load %get3A_348[%get3A_349, %get3A_350] {strides = array<i32>} : memref<128x256xf32, #tpu.memory_space<vmem>>, vector<1x16xf32>,
        %get3A_352 = vector.shape_cast %get3A_351 : vector<1x16xf32> to vector<16xf32>
        %add3A_353 = arith.addf %get3A_340, %get3A_352 : vector<16xf32>
        %mul3A_354 = arith.constant 4 : i32
        %mul3A_355 = arith.muli %mul3A_354, %scan3A_158 : i32
        %add3A_356 = arith.constant 2 : i32
        %add3A_357 = arith.addi %mul3A_355, %add3A_356 : i32
        %get3A_358 = arith.constant 0 : i32
        %get3A_359 = arith.constant 0 : i32
        %get3A_360 = tpu.memref_slice %arg6[%scan3A_133, %get3A_358, %get3A_359] : memref<2x128x256xf32, #tpu.memory_space<vmem>> -> memref<1x128x256xf32, #tpu.memory_space<vmem>>
        %get3A_361 = tpu.memref_squeeze %get3A_360 : memref<1x128x256xf32, #tpu.memory_space<vmem>> -> memref<128x256xf32, #tpu.memory_space<vmem>>
        %get3A_362 = arith.index_cast %add3A_357 : i32 to index
        %get3A_363 = arith.constant 48 : index
        %get3A_364 = tpu.vector_load %get3A_361[%get3A_362, %get3A_363] {strides = array<i32>} : memref<128x256xf32, #tpu.memory_space<vmem>>, vector<1x16xf32>,
        %get3A_365 = vector.shape_cast %get3A_364 : vector<1x16xf32> to vector<16xf32>
        %add3A_366 = arith.addf %add3A_353, %get3A_365 : vector<16xf32>
        %mul3A_367 = arith.constant 4 : i32
        %mul3A_368 = arith.muli %mul3A_367, %scan3A_158 : i32
        %add3A_369 = arith.constant 3 : i32
        %add3A_370 = arith.addi %mul3A_368, %add3A_369 : i32
        %get3A_371 = arith.constant 0 : i32
        %get3A_372 = arith.constant 0 : i32
        %get3A_373 = tpu.memref_slice %arg6[%scan3A_133, %get3A_371, %get3A_372] : memref<2x128x256xf32, #tpu.memory_space<vmem>> -> memref<1x128x256xf32, #tpu.memory_space<vmem>>
        %get3A_374 = tpu.memref_squeeze %get3A_373 : memref<1x128x256xf32, #tpu.memory_space<vmem>> -> memref<128x256xf32, #tpu.memory_space<vmem>>
        %get3A_375 = arith.index_cast %add3A_370 : i32 to index
        %get3A_376 = arith.constant 48 : index
        %get3A_377 = tpu.vector_load %get3A_374[%get3A_375, %get3A_376] {strides = array<i32>} : memref<128x256xf32, #tpu.memory_space<vmem>>, vector<1x16xf32>,
        %get3A_378 = vector.shape_cast %get3A_377 : vector<1x16xf32> to vector<16xf32>
        %add3A_379 = arith.addf %add3A_366, %get3A_378 : vector<16xf32>
        %swap3A_380 = arith.constant 0 : i32
        %swap3A_381 = arith.constant 0 : i32
        %swap3A_382 = tpu.memref_slice %arg7[%scan3A_134, %swap3A_380, %swap3A_381] : memref<2x32x256xf32, #tpu.memory_space<vmem>> -> memref<1x32x256xf32, #tpu.memory_space<vmem>>
        %swap3A_383 = tpu.memref_squeeze %swap3A_382 : memref<1x32x256xf32, #tpu.memory_space<vmem>> -> memref<32x256xf32, #tpu.memory_space<vmem>>
        %swap3A_384 = arith.index_cast %scan3A_158 : i32 to index
        %swap3A_385 = arith.constant 48 : index
        %swap3A_386 = tpu.vector_load %swap3A_383[%swap3A_384, %swap3A_385] {strides = array<i32>} : memref<32x256xf32, #tpu.memory_space<vmem>>, vector<1x16xf32>,
        %swap3A_387 = vector.shape_cast %swap3A_386 : vector<1x16xf32> to vector<16xf32>
        %swap3A_388 = vector.shape_cast %add3A_379 : vector<16xf32> to vector<1x16xf32>
        tpu.vector_store %swap3A_383[%swap3A_384, %swap3A_385], %swap3A_388 {strides = array<i32>} : memref<32x256xf32, #tpu.memory_space<vmem>>, vector<1x16xf32>,
        %mul3A_389 = arith.constant 4 : i32
        %mul3A_390 = arith.muli %mul3A_389, %scan3A_158 : i32
        %get3A_391 = arith.constant 0 : i32
        %get3A_392 = arith.constant 0 : i32
        %get3A_393 = tpu.memref_slice %arg6[%scan3A_133, %get3A_391, %get3A_392] : memref<2x128x256xf32, #tpu.memory_space<vmem>> -> memref<1x128x256xf32, #tpu.memory_space<vmem>>
        %get3A_394 = tpu.memref_squeeze %get3A_393 : memref<1x128x256xf32, #tpu.memory_space<vmem>> -> memref<128x256xf32, #tpu.memory_space<vmem>>
        %get3A_395 = arith.index_cast %mul3A_390 : i32 to index
        %get3A_396 = arith.constant 64 : index
        %get3A_397 = tpu.vector_load %get3A_394[%get3A_395, %get3A_396] {strides = array<i32>} : memref<128x256xf32, #tpu.memory_space<vmem>>, vector<1x16xf32>,
        %get3A_398 = vector.shape_cast %get3A_397 : vector<1x16xf32> to vector<16xf32>
        %mul3A_399 = arith.constant 4 : i32
        %mul3A_400 = arith.muli %mul3A_399, %scan3A_158 : i32
        %add3A_401 = arith.constant 1 : i32
        %add3A_402 = arith.addi %mul3A_400, %add3A_401 : i32
        %get3A_403 = arith.constant 0 : i32
        %get3A_404 = arith.constant 0 : i32
        %get3A_405 = tpu.memref_slice %arg6[%scan3A_133, %get3A_403, %get3A_404] : memref<2x128x256xf32, #tpu.memory_space<vmem>> -> memref<1x128x256xf32, #tpu.memory_space<vmem>>
        %get3A_406 = tpu.memref_squeeze %get3A_405 : memref<1x128x256xf32, #tpu.memory_space<vmem>> -> memref<128x256xf32, #tpu.memory_space<vmem>>
        %get3A_407 = arith.index_cast %add3A_402 : i32 to index
        %get3A_408 = arith.constant 64 : index
        %get3A_409 = tpu.vector_load %get3A_406[%get3A_407, %get3A_408] {strides = array<i32>} : memref<128x256xf32, #tpu.memory_space<vmem>>, vector<1x16xf32>,
        %get3A_410 = vector.shape_cast %get3A_409 : vector<1x16xf32> to vector<16xf32>
        %add3A_411 = arith.addf %get3A_398, %get3A_410 : vector<16xf32>
        %mul3A_412 = arith.constant 4 : i32
        %mul3A_413 = arith.muli %mul3A_412, %scan3A_158 : i32
        %add3A_414 = arith.constant 2 : i32
        %add3A_415 = arith.addi %mul3A_413, %add3A_414 : i32
        %get3A_416 = arith.constant 0 : i32
        %get3A_417 = arith.constant 0 : i32
        %get3A_418 = tpu.memref_slice %arg6[%scan3A_133, %get3A_416, %get3A_417] : memref<2x128x256xf32, #tpu.memory_space<vmem>> -> memref<1x128x256xf32, #tpu.memory_space<vmem>>
        %get3A_419 = tpu.memref_squeeze %get3A_418 : memref<1x128x256xf32, #tpu.memory_space<vmem>> -> memref<128x256xf32, #tpu.memory_space<vmem>>
        %get3A_420 = arith.index_cast %add3A_415 : i32 to index
        %get3A_421 = arith.constant 64 : index
        %get3A_422 = tpu.vector_load %get3A_419[%get3A_420, %get3A_421] {strides = array<i32>} : memref<128x256xf32, #tpu.memory_space<vmem>>, vector<1x16xf32>,
        %get3A_423 = vector.shape_cast %get3A_422 : vector<1x16xf32> to vector<16xf32>
        %add3A_424 = arith.addf %add3A_411, %get3A_423 : vector<16xf32>
        %mul3A_425 = arith.constant 4 : i32
        %mul3A_426 = arith.muli %mul3A_425, %scan3A_158 : i32
        %add3A_427 = arith.constant 3 : i32
        %add3A_428 = arith.addi %mul3A_426, %add3A_427 : i32
        %get3A_429 = arith.constant 0 : i32
        %get3A_430 = arith.constant 0 : i32
        %get3A_431 = tpu.memref_slice %arg6[%scan3A_133, %get3A_429, %get3A_430] : memref<2x128x256xf32, #tpu.memory_space<vmem>> -> memref<1x128x256xf32, #tpu.memory_space<vmem>>
        %get3A_432 = tpu.memref_squeeze %get3A_431 : memref<1x128x256xf32, #tpu.memory_space<vmem>> -> memref<128x256xf32, #tpu.memory_space<vmem>>
        %get3A_433 = arith.index_cast %add3A_428 : i32 to index
        %get3A_434 = arith.constant 64 : index
        %get3A_435 = tpu.vector_load %get3A_432[%get3A_433, %get3A_434] {strides = array<i32>} : memref<128x256xf32, #tpu.memory_space<vmem>>, vector<1x16xf32>,
        %get3A_436 = vector.shape_cast %get3A_435 : vector<1x16xf32> to vector<16xf32>
        %add3A_437 = arith.addf %add3A_424, %get3A_436 : vector<16xf32>
        %swap3A_438 = arith.constant 0 : i32
        %swap3A_439 = arith.constant 0 : i32
        %swap3A_440 = tpu.memref_slice %arg7[%scan3A_134, %swap3A_438, %swap3A_439] : memref<2x32x256xf32, #tpu.memory_space<vmem>> -> memref<1x32x256xf32, #tpu.memory_space<vmem>>
        %swap3A_441 = tpu.memref_squeeze %swap3A_440 : memref<1x32x256xf32, #tpu.memory_space<vmem>> -> memref<32x256xf32, #tpu.memory_space<vmem>>
        %swap3A_442 = arith.index_cast %scan3A_158 : i32 to index
        %swap3A_443 = arith.constant 64 : index
        %swap3A_444 = tpu.vector_load %swap3A_441[%swap3A_442, %swap3A_443] {strides = array<i32>} : memref<32x256xf32, #tpu.memory_space<vmem>>, vector<1x16xf32>,
        %swap3A_445 = vector.shape_cast %swap3A_444 : vector<1x16xf32> to vector<16xf32>
        %swap3A_446 = vector.shape_cast %add3A_437 : vector<16xf32> to vector<1x16xf32>
        tpu.vector_store %swap3A_441[%swap3A_442, %swap3A_443], %swap3A_446 {strides = array<i32>} : memref<32x256xf32, #tpu.memory_space<vmem>>, vector<1x16xf32>,
        %mul3A_447 = arith.constant 4 : i32
        %mul3A_448 = arith.muli %mul3A_447, %scan3A_158 : i32
        %get3A_449 = arith.constant 0 : i32
        %get3A_450 = arith.constant 0 : i32
        %get3A_451 = tpu.memref_slice %arg6[%scan3A_133, %get3A_449, %get3A_450] : memref<2x128x256xf32, #tpu.memory_space<vmem>> -> memref<1x128x256xf32, #tpu.memory_space<vmem>>
        %get3A_452 = tpu.memref_squeeze %get3A_451 : memref<1x128x256xf32, #tpu.memory_space<vmem>> -> memref<128x256xf32, #tpu.memory_space<vmem>>
        %get3A_453 = arith.index_cast %mul3A_448 : i32 to index
        %get3A_454 = arith.constant 80 : index
        %get3A_455 = tpu.vector_load %get3A_452[%get3A_453, %get3A_454] {strides = array<i32>} : memref<128x256xf32, #tpu.memory_space<vmem>>, vector<1x16xf32>,
        %get3A_456 = vector.shape_cast %get3A_455 : vector<1x16xf32> to vector<16xf32>
        %mul3A_457 = arith.constant 4 : i32
        %mul3A_458 = arith.muli %mul3A_457, %scan3A_158 : i32
        %add3A_459 = arith.constant 1 : i32
        %add3A_460 = arith.addi %mul3A_458, %add3A_459 : i32
        %get3A_461 = arith.constant 0 : i32
        %get3A_462 = arith.constant 0 : i32
        %get3A_463 = tpu.memref_slice %arg6[%scan3A_133, %get3A_461, %get3A_462] : memref<2x128x256xf32, #tpu.memory_space<vmem>> -> memref<1x128x256xf32, #tpu.memory_space<vmem>>
        %get3A_464 = tpu.memref_squeeze %get3A_463 : memref<1x128x256xf32, #tpu.memory_space<vmem>> -> memref<128x256xf32, #tpu.memory_space<vmem>>
        %get3A_465 = arith.index_cast %add3A_460 : i32 to index
        %get3A_466 = arith.constant 80 : index
        %get3A_467 = tpu.vector_load %get3A_464[%get3A_465, %get3A_466] {strides = array<i32>} : memref<128x256xf32, #tpu.memory_space<vmem>>, vector<1x16xf32>,
        %get3A_468 = vector.shape_cast %get3A_467 : vector<1x16xf32> to vector<16xf32>
        %add3A_469 = arith.addf %get3A_456, %get3A_468 : vector<16xf32>
        %mul3A_470 = arith.constant 4 : i32
        %mul3A_471 = arith.muli %mul3A_470, %scan3A_158 : i32
        %add3A_472 = arith.constant 2 : i32
        %add3A_473 = arith.addi %mul3A_471, %add3A_472 : i32
        %get3A_474 = arith.constant 0 : i32
        %get3A_475 = arith.constant 0 : i32
        %get3A_476 = tpu.memref_slice %arg6[%scan3A_133, %get3A_474, %get3A_475] : memref<2x128x256xf32, #tpu.memory_space<vmem>> -> memref<1x128x256xf32, #tpu.memory_space<vmem>>
        %get3A_477 = tpu.memref_squeeze %get3A_476 : memref<1x128x256xf32, #tpu.memory_space<vmem>> -> memref<128x256xf32, #tpu.memory_space<vmem>>
        %get3A_478 = arith.index_cast %add3A_473 : i32 to index
        %get3A_479 = arith.constant 80 : index
        %get3A_480 = tpu.vector_load %get3A_477[%get3A_478, %get3A_479] {strides = array<i32>} : memref<128x256xf32, #tpu.memory_space<vmem>>, vector<1x16xf32>,
        %get3A_481 = vector.shape_cast %get3A_480 : vector<1x16xf32> to vector<16xf32>
        %add3A_482 = arith.addf %add3A_469, %get3A_481 : vector<16xf32>
        %mul3A_483 = arith.constant 4 : i32
        %mul3A_484 = arith.muli %mul3A_483, %scan3A_158 : i32
        %add3A_485 = arith.constant 3 : i32
        %add3A_486 = arith.addi %mul3A_484, %add3A_485 : i32
        %get3A_487 = arith.constant 0 : i32
        %get3A_488 = arith.constant 0 : i32
        %get3A_489 = tpu.memref_slice %arg6[%scan3A_133, %get3A_487, %get3A_488] : memref<2x128x256xf32, #tpu.memory_space<vmem>> -> memref<1x128x256xf32, #tpu.memory_space<vmem>>
        %get3A_490 = tpu.memref_squeeze %get3A_489 : memref<1x128x256xf32, #tpu.memory_space<vmem>> -> memref<128x256xf32, #tpu.memory_space<vmem>>
        %get3A_491 = arith.index_cast %add3A_486 : i32 to index
        %get3A_492 = arith.constant 80 : index
        %get3A_493 = tpu.vector_load %get3A_490[%get3A_491, %get3A_492] {strides = array<i32>} : memref<128x256xf32, #tpu.memory_space<vmem>>, vector<1x16xf32>,
        %get3A_494 = vector.shape_cast %get3A_493 : vector<1x16xf32> to vector<16xf32>
        %add3A_495 = arith.addf %add3A_482, %get3A_494 : vector<16xf32>
        %swap3A_496 = arith.constant 0 : i32
        %swap3A_497 = arith.constant 0 : i32
        %swap3A_498 = tpu.memref_slice %arg7[%scan3A_134, %swap3A_496, %swap3A_497] : memref<2x32x256xf32, #tpu.memory_space<vmem>> -> memref<1x32x256xf32, #tpu.memory_space<vmem>>
        %swap3A_499 = tpu.memref_squeeze %swap3A_498 : memref<1x32x256xf32, #tpu.memory_space<vmem>> -> memref<32x256xf32, #tpu.memory_space<vmem>>
        %swap3A_500 = arith.index_cast %scan3A_158 : i32 to index
        %swap3A_501 = arith.constant 80 : index
        %swap3A_502 = tpu.vector_load %swap3A_499[%swap3A_500, %swap3A_501] {strides = array<i32>} : memref<32x256xf32, #tpu.memory_space<vmem>>, vector<1x16xf32>,
        %swap3A_503 = vector.shape_cast %swap3A_502 : vector<1x16xf32> to vector<16xf32>
        %swap3A_504 = vector.shape_cast %add3A_495 : vector<16xf32> to vector<1x16xf32>
        tpu.vector_store %swap3A_499[%swap3A_500, %swap3A_501], %swap3A_504 {strides = array<i32>} : memref<32x256xf32, #tpu.memory_space<vmem>>, vector<1x16xf32>,
        %mul3A_505 = arith.constant 4 : i32
        %mul3A_506 = arith.muli %mul3A_505, %scan3A_158 : i32
        %get3A_507 = arith.constant 0 : i32
        %get3A_508 = arith.constant 0 : i32
        %get3A_509 = tpu.memref_slice %arg6[%scan3A_133, %get3A_507, %get3A_508] : memref<2x128x256xf32, #tpu.memory_space<vmem>> -> memref<1x128x256xf32, #tpu.memory_space<vmem>>
        %get3A_510 = tpu.memref_squeeze %get3A_509 : memref<1x128x256xf32, #tpu.memory_space<vmem>> -> memref<128x256xf32, #tpu.memory_space<vmem>>
        %get3A_511 = arith.index_cast %mul3A_506 : i32 to index
        %get3A_512 = arith.constant 96 : index
        %get3A_513 = tpu.vector_load %get3A_510[%get3A_511, %get3A_512] {strides = array<i32>} : memref<128x256xf32, #tpu.memory_space<vmem>>, vector<1x16xf32>,
        %get3A_514 = vector.shape_cast %get3A_513 : vector<1x16xf32> to vector<16xf32>
        %mul3A_515 = arith.constant 4 : i32
        %mul3A_516 = arith.muli %mul3A_515, %scan3A_158 : i32
        %add3A_517 = arith.constant 1 : i32
        %add3A_518 = arith.addi %mul3A_516, %add3A_517 : i32
        %get3A_519 = arith.constant 0 : i32
        %get3A_520 = arith.constant 0 : i32
        %get3A_521 = tpu.memref_slice %arg6[%scan3A_133, %get3A_519, %get3A_520] : memref<2x128x256xf32, #tpu.memory_space<vmem>> -> memref<1x128x256xf32, #tpu.memory_space<vmem>>
        %get3A_522 = tpu.memref_squeeze %get3A_521 : memref<1x128x256xf32, #tpu.memory_space<vmem>> -> memref<128x256xf32, #tpu.memory_space<vmem>>
        %get3A_523 = arith.index_cast %add3A_518 : i32 to index
        %get3A_524 = arith.constant 96 : index
        %get3A_525 = tpu.vector_load %get3A_522[%get3A_523, %get3A_524] {strides = array<i32>} : memref<128x256xf32, #tpu.memory_space<vmem>>, vector<1x16xf32>,
        %get3A_526 = vector.shape_cast %get3A_525 : vector<1x16xf32> to vector<16xf32>
        %add3A_527 = arith.addf %get3A_514, %get3A_526 : vector<16xf32>
        %mul3A_528 = arith.constant 4 : i32
        %mul3A_529 = arith.muli %mul3A_528, %scan3A_158 : i32
        %add3A_530 = arith.constant 2 : i32
        %add3A_531 = arith.addi %mul3A_529, %add3A_530 : i32
        %get3A_532 = arith.constant 0 : i32
        %get3A_533 = arith.constant 0 : i32
        %get3A_534 = tpu.memref_slice %arg6[%scan3A_133, %get3A_532, %get3A_533] : memref<2x128x256xf32, #tpu.memory_space<vmem>> -> memref<1x128x256xf32, #tpu.memory_space<vmem>>
        %get3A_535 = tpu.memref_squeeze %get3A_534 : memref<1x128x256xf32, #tpu.memory_space<vmem>> -> memref<128x256xf32, #tpu.memory_space<vmem>>
        %get3A_536 = arith.index_cast %add3A_531 : i32 to index
        %get3A_537 = arith.constant 96 : index
        %get3A_538 = tpu.vector_load %get3A_535[%get3A_536, %get3A_537] {strides = array<i32>} : memref<128x256xf32, #tpu.memory_space<vmem>>, vector<1x16xf32>,
        %get3A_539 = vector.shape_cast %get3A_538 : vector<1x16xf32> to vector<16xf32>
        %add3A_540 = arith.addf %add3A_527, %get3A_539 : vector<16xf32>
        %mul3A_541 = arith.constant 4 : i32
        %mul3A_542 = arith.muli %mul3A_541, %scan3A_158 : i32
        %add3A_543 = arith.constant 3 : i32
        %add3A_544 = arith.addi %mul3A_542, %add3A_543 : i32
        %get3A_545 = arith.constant 0 : i32
        %get3A_546 = arith.constant 0 : i32
        %get3A_547 = tpu.memref_slice %arg6[%scan3A_133, %get3A_545, %get3A_546] : memref<2x128x256xf32, #tpu.memory_space<vmem>> -> memref<1x128x256xf32, #tpu.memory_space<vmem>>
        %get3A_548 = tpu.memref_squeeze %get3A_547 : memref<1x128x256xf32, #tpu.memory_space<vmem>> -> memref<128x256xf32, #tpu.memory_space<vmem>>
        %get3A_549 = arith.index_cast %add3A_544 : i32 to index
        %get3A_550 = arith.constant 96 : index
        %get3A_551 = tpu.vector_load %get3A_548[%get3A_549, %get3A_550] {strides = array<i32>} : memref<128x256xf32, #tpu.memory_space<vmem>>, vector<1x16xf32>,
        %get3A_552 = vector.shape_cast %get3A_551 : vector<1x16xf32> to vector<16xf32>
        %add3A_553 = arith.addf %add3A_540, %get3A_552 : vector<16xf32>
        %swap3A_554 = arith.constant 0 : i32
        %swap3A_555 = arith.constant 0 : i32
        %swap3A_556 = tpu.memref_slice %arg7[%scan3A_134, %swap3A_554, %swap3A_555] : memref<2x32x256xf32, #tpu.memory_space<vmem>> -> memref<1x32x256xf32, #tpu.memory_space<vmem>>
        %swap3A_557 = tpu.memref_squeeze %swap3A_556 : memref<1x32x256xf32, #tpu.memory_space<vmem>> -> memref<32x256xf32, #tpu.memory_space<vmem>>
        %swap3A_558 = arith.index_cast %scan3A_158 : i32 to index
        %swap3A_559 = arith.constant 96 : index
        %swap3A_560 = tpu.vector_load %swap3A_557[%swap3A_558, %swap3A_559] {strides = array<i32>} : memref<32x256xf32, #tpu.memory_space<vmem>>, vector<1x16xf32>,
        %swap3A_561 = vector.shape_cast %swap3A_560 : vector<1x16xf32> to vector<16xf32>
        %swap3A_562 = vector.shape_cast %add3A_553 : vector<16xf32> to vector<1x16xf32>
        tpu.vector_store %swap3A_557[%swap3A_558, %swap3A_559], %swap3A_562 {strides = array<i32>} : memref<32x256xf32, #tpu.memory_space<vmem>>, vector<1x16xf32>,
        %mul3A_563 = arith.constant 4 : i32
        %mul3A_564 = arith.muli %mul3A_563, %scan3A_158 : i32
        %get3A_565 = arith.constant 0 : i32
        %get3A_566 = arith.constant 0 : i32
        %get3A_567 = tpu.memref_slice %arg6[%scan3A_133, %get3A_565, %get3A_566] : memref<2x128x256xf32, #tpu.memory_space<vmem>> -> memref<1x128x256xf32, #tpu.memory_space<vmem>>
        %get3A_568 = tpu.memref_squeeze %get3A_567 : memref<1x128x256xf32, #tpu.memory_space<vmem>> -> memref<128x256xf32, #tpu.memory_space<vmem>>
        %get3A_569 = arith.index_cast %mul3A_564 : i32 to index
        %get3A_570 = arith.constant 112 : index
        %get3A_571 = tpu.vector_load %get3A_568[%get3A_569, %get3A_570] {strides = array<i32>} : memref<128x256xf32, #tpu.memory_space<vmem>>, vector<1x16xf32>,
        %get3A_572 = vector.shape_cast %get3A_571 : vector<1x16xf32> to vector<16xf32>
        %mul3A_573 = arith.constant 4 : i32
        %mul3A_574 = arith.muli %mul3A_573, %scan3A_158 : i32
        %add3A_575 = arith.constant 1 : i32
        %add3A_576 = arith.addi %mul3A_574, %add3A_575 : i32
        %get3A_577 = arith.constant 0 : i32
        %get3A_578 = arith.constant 0 : i32
        %get3A_579 = tpu.memref_slice %arg6[%scan3A_133, %get3A_577, %get3A_578] : memref<2x128x256xf32, #tpu.memory_space<vmem>> -> memref<1x128x256xf32, #tpu.memory_space<vmem>>
        %get3A_580 = tpu.memref_squeeze %get3A_579 : memref<1x128x256xf32, #tpu.memory_space<vmem>> -> memref<128x256xf32, #tpu.memory_space<vmem>>
        %get3A_581 = arith.index_cast %add3A_576 : i32 to index
        %get3A_582 = arith.constant 112 : index
        %get3A_583 = tpu.vector_load %get3A_580[%get3A_581, %get3A_582] {strides = array<i32>} : memref<128x256xf32, #tpu.memory_space<vmem>>, vector<1x16xf32>,
        %get3A_584 = vector.shape_cast %get3A_583 : vector<1x16xf32> to vector<16xf32>
        %add3A_585 = arith.addf %get3A_572, %get3A_584 : vector<16xf32>
        %mul3A_586 = arith.constant 4 : i32
        %mul3A_587 = arith.muli %mul3A_586, %scan3A_158 : i32
        %add3A_588 = arith.constant 2 : i32
        %add3A_589 = arith.addi %mul3A_587, %add3A_588 : i32
        %get3A_590 = arith.constant 0 : i32
        %get3A_591 = arith.constant 0 : i32
        %get3A_592 = tpu.memref_slice %arg6[%scan3A_133, %get3A_590, %get3A_591] : memref<2x128x256xf32, #tpu.memory_space<vmem>> -> memref<1x128x256xf32, #tpu.memory_space<vmem>>
        %get3A_593 = tpu.memref_squeeze %get3A_592 : memref<1x128x256xf32, #tpu.memory_space<vmem>> -> memref<128x256xf32, #tpu.memory_space<vmem>>
        %get3A_594 = arith.index_cast %add3A_589 : i32 to index
        %get3A_595 = arith.constant 112 : index
        %get3A_596 = tpu.vector_load %get3A_593[%get3A_594, %get3A_595] {strides = array<i32>} : memref<128x256xf32, #tpu.memory_space<vmem>>, vector<1x16xf32>,
        %get3A_597 = vector.shape_cast %get3A_596 : vector<1x16xf32> to vector<16xf32>
        %add3A_598 = arith.addf %add3A_585, %get3A_597 : vector<16xf32>
        %mul3A_599 = arith.constant 4 : i32
        %mul3A_600 = arith.muli %mul3A_599, %scan3A_158 : i32
        %add3A_601 = arith.constant 3 : i32
        %add3A_602 = arith.addi %mul3A_600, %add3A_601 : i32
        %get3A_603 = arith.constant 0 : i32
        %get3A_604 = arith.constant 0 : i32
        %get3A_605 = tpu.memref_slice %arg6[%scan3A_133, %get3A_603, %get3A_604] : memref<2x128x256xf32, #tpu.memory_space<vmem>> -> memref<1x128x256xf32, #tpu.memory_space<vmem>>
        %get3A_606 = tpu.memref_squeeze %get3A_605 : memref<1x128x256xf32, #tpu.memory_space<vmem>> -> memref<128x256xf32, #tpu.memory_space<vmem>>
        %get3A_607 = arith.index_cast %add3A_602 : i32 to index
        %get3A_608 = arith.constant 112 : index
        %get3A_609 = tpu.vector_load %get3A_606[%get3A_607, %get3A_608] {strides = array<i32>} : memref<128x256xf32, #tpu.memory_space<vmem>>, vector<1x16xf32>,
        %get3A_610 = vector.shape_cast %get3A_609 : vector<1x16xf32> to vector<16xf32>
        %add3A_611 = arith.addf %add3A_598, %get3A_610 : vector<16xf32>
        %swap3A_612 = arith.constant 0 : i32
        %swap3A_613 = arith.constant 0 : i32
        %swap3A_614 = tpu.memref_slice %arg7[%scan3A_134, %swap3A_612, %swap3A_613] : memref<2x32x256xf32, #tpu.memory_space<vmem>> -> memref<1x32x256xf32, #tpu.memory_space<vmem>>
        %swap3A_615 = tpu.memref_squeeze %swap3A_614 : memref<1x32x256xf32, #tpu.memory_space<vmem>> -> memref<32x256xf32, #tpu.memory_space<vmem>>
        %swap3A_616 = arith.index_cast %scan3A_158 : i32 to index
        %swap3A_617 = arith.constant 112 : index
        %swap3A_618 = tpu.vector_load %swap3A_615[%swap3A_616, %swap3A_617] {strides = array<i32>} : memref<32x256xf32, #tpu.memory_space<vmem>>, vector<1x16xf32>,
        %swap3A_619 = vector.shape_cast %swap3A_618 : vector<1x16xf32> to vector<16xf32>
        %swap3A_620 = vector.shape_cast %add3A_611 : vector<16xf32> to vector<1x16xf32>
        tpu.vector_store %swap3A_615[%swap3A_616, %swap3A_617], %swap3A_620 {strides = array<i32>} : memref<32x256xf32, #tpu.memory_space<vmem>>, vector<1x16xf32>,
        %mul3A_621 = arith.constant 4 : i32
        %mul3A_622 = arith.muli %mul3A_621, %scan3A_158 : i32
        %get3A_623 = arith.constant 0 : i32
        %get3A_624 = arith.constant 0 : i32
        %get3A_625 = tpu.memref_slice %arg6[%scan3A_133, %get3A_623, %get3A_624] : memref<2x128x256xf32, #tpu.memory_space<vmem>> -> memref<1x128x256xf32, #tpu.memory_space<vmem>>
        %get3A_626 = tpu.memref_squeeze %get3A_625 : memref<1x128x256xf32, #tpu.memory_space<vmem>> -> memref<128x256xf32, #tpu.memory_space<vmem>>
        %get3A_627 = arith.index_cast %mul3A_622 : i32 to index
        %get3A_628 = arith.constant 128 : index
        %get3A_629 = tpu.vector_load %get3A_626[%get3A_627, %get3A_628] {strides = array<i32>} : memref<128x256xf32, #tpu.memory_space<vmem>>, vector<1x16xf32>,
        %get3A_630 = vector.shape_cast %get3A_629 : vector<1x16xf32> to vector<16xf32>
        %mul3A_631 = arith.constant 4 : i32
        %mul3A_632 = arith.muli %mul3A_631, %scan3A_158 : i32
        %add3A_633 = arith.constant 1 : i32
        %add3A_634 = arith.addi %mul3A_632, %add3A_633 : i32
        %get3A_635 = arith.constant 0 : i32
        %get3A_636 = arith.constant 0 : i32
        %get3A_637 = tpu.memref_slice %arg6[%scan3A_133, %get3A_635, %get3A_636] : memref<2x128x256xf32, #tpu.memory_space<vmem>> -> memref<1x128x256xf32, #tpu.memory_space<vmem>>
        %get3A_638 = tpu.memref_squeeze %get3A_637 : memref<1x128x256xf32, #tpu.memory_space<vmem>> -> memref<128x256xf32, #tpu.memory_space<vmem>>
        %get3A_639 = arith.index_cast %add3A_634 : i32 to index
        %get3A_640 = arith.constant 128 : index
        %get3A_641 = tpu.vector_load %get3A_638[%get3A_639, %get3A_640] {strides = array<i32>} : memref<128x256xf32, #tpu.memory_space<vmem>>, vector<1x16xf32>,
        %get3A_642 = vector.shape_cast %get3A_641 : vector<1x16xf32> to vector<16xf32>
        %add3A_643 = arith.addf %get3A_630, %get3A_642 : vector<16xf32>
        %mul3A_644 = arith.constant 4 : i32
        %mul3A_645 = arith.muli %mul3A_644, %scan3A_158 : i32
        %add3A_646 = arith.constant 2 : i32
        %add3A_647 = arith.addi %mul3A_645, %add3A_646 : i32
        %get3A_648 = arith.constant 0 : i32
        %get3A_649 = arith.constant 0 : i32
        %get3A_650 = tpu.memref_slice %arg6[%scan3A_133, %get3A_648, %get3A_649] : memref<2x128x256xf32, #tpu.memory_space<vmem>> -> memref<1x128x256xf32, #tpu.memory_space<vmem>>
        %get3A_651 = tpu.memref_squeeze %get3A_650 : memref<1x128x256xf32, #tpu.memory_space<vmem>> -> memref<128x256xf32, #tpu.memory_space<vmem>>
        %get3A_652 = arith.index_cast %add3A_647 : i32 to index
        %get3A_653 = arith.constant 128 : index
        %get3A_654 = tpu.vector_load %get3A_651[%get3A_652, %get3A_653] {strides = array<i32>} : memref<128x256xf32, #tpu.memory_space<vmem>>, vector<1x16xf32>,
        %get3A_655 = vector.shape_cast %get3A_654 : vector<1x16xf32> to vector<16xf32>
        %add3A_656 = arith.addf %add3A_643, %get3A_655 : vector<16xf32>
        %mul3A_657 = arith.constant 4 : i32
        %mul3A_658 = arith.muli %mul3A_657, %scan3A_158 : i32
        %add3A_659 = arith.constant 3 : i32
        %add3A_660 = arith.addi %mul3A_658, %add3A_659 : i32
        %get3A_661 = arith.constant 0 : i32
        %get3A_662 = arith.constant 0 : i32
        %get3A_663 = tpu.memref_slice %arg6[%scan3A_133, %get3A_661, %get3A_662] : memref<2x128x256xf32, #tpu.memory_space<vmem>> -> memref<1x128x256xf32, #tpu.memory_space<vmem>>
        %get3A_664 = tpu.memref_squeeze %get3A_663 : memref<1x128x256xf32, #tpu.memory_space<vmem>> -> memref<128x256xf32, #tpu.memory_space<vmem>>
        %get3A_665 = arith.index_cast %add3A_660 : i32 to index
        %get3A_666 = arith.constant 128 : index
        %get3A_667 = tpu.vector_load %get3A_664[%get3A_665, %get3A_666] {strides = array<i32>} : memref<128x256xf32, #tpu.memory_space<vmem>>, vector<1x16xf32>,
        %get3A_668 = vector.shape_cast %get3A_667 : vector<1x16xf32> to vector<16xf32>
        %add3A_669 = arith.addf %add3A_656, %get3A_668 : vector<16xf32>
        %swap3A_670 = arith.constant 0 : i32
        %swap3A_671 = arith.constant 0 : i32
        %swap3A_672 = tpu.memref_slice %arg7[%scan3A_134, %swap3A_670, %swap3A_671] : memref<2x32x256xf32, #tpu.memory_space<vmem>> -> memref<1x32x256xf32, #tpu.memory_space<vmem>>
        %swap3A_673 = tpu.memref_squeeze %swap3A_672 : memref<1x32x256xf32, #tpu.memory_space<vmem>> -> memref<32x256xf32, #tpu.memory_space<vmem>>
        %swap3A_674 = arith.index_cast %scan3A_158 : i32 to index
        %swap3A_675 = arith.constant 128 : index
        %swap3A_676 = tpu.vector_load %swap3A_673[%swap3A_674, %swap3A_675] {strides = array<i32>} : memref<32x256xf32, #tpu.memory_space<vmem>>, vector<1x16xf32>,
        %swap3A_677 = vector.shape_cast %swap3A_676 : vector<1x16xf32> to vector<16xf32>
        %swap3A_678 = vector.shape_cast %add3A_669 : vector<16xf32> to vector<1x16xf32>
        tpu.vector_store %swap3A_673[%swap3A_674, %swap3A_675], %swap3A_678 {strides = array<i32>} : memref<32x256xf32, #tpu.memory_space<vmem>>, vector<1x16xf32>,
        %mul3A_679 = arith.constant 4 : i32
        %mul3A_680 = arith.muli %mul3A_679, %scan3A_158 : i32
        %get3A_681 = arith.constant 0 : i32
        %get3A_682 = arith.constant 0 : i32
        %get3A_683 = tpu.memref_slice %arg6[%scan3A_133, %get3A_681, %get3A_682] : memref<2x128x256xf32, #tpu.memory_space<vmem>> -> memref<1x128x256xf32, #tpu.memory_space<vmem>>
        %get3A_684 = tpu.memref_squeeze %get3A_683 : memref<1x128x256xf32, #tpu.memory_space<vmem>> -> memref<128x256xf32, #tpu.memory_space<vmem>>
        %get3A_685 = arith.index_cast %mul3A_680 : i32 to index
        %get3A_686 = arith.constant 144 : index
        %get3A_687 = tpu.vector_load %get3A_684[%get3A_685, %get3A_686] {strides = array<i32>} : memref<128x256xf32, #tpu.memory_space<vmem>>, vector<1x16xf32>,
        %get3A_688 = vector.shape_cast %get3A_687 : vector<1x16xf32> to vector<16xf32>
        %mul3A_689 = arith.constant 4 : i32
        %mul3A_690 = arith.muli %mul3A_689, %scan3A_158 : i32
        %add3A_691 = arith.constant 1 : i32
        %add3A_692 = arith.addi %mul3A_690, %add3A_691 : i32
        %get3A_693 = arith.constant 0 : i32
        %get3A_694 = arith.constant 0 : i32
        %get3A_695 = tpu.memref_slice %arg6[%scan3A_133, %get3A_693, %get3A_694] : memref<2x128x256xf32, #tpu.memory_space<vmem>> -> memref<1x128x256xf32, #tpu.memory_space<vmem>>
        %get3A_696 = tpu.memref_squeeze %get3A_695 : memref<1x128x256xf32, #tpu.memory_space<vmem>> -> memref<128x256xf32, #tpu.memory_space<vmem>>
        %get3A_697 = arith.index_cast %add3A_692 : i32 to index
        %get3A_698 = arith.constant 144 : index
        %get3A_699 = tpu.vector_load %get3A_696[%get3A_697, %get3A_698] {strides = array<i32>} : memref<128x256xf32, #tpu.memory_space<vmem>>, vector<1x16xf32>,
        %get3A_700 = vector.shape_cast %get3A_699 : vector<1x16xf32> to vector<16xf32>
        %add3A_701 = arith.addf %get3A_688, %get3A_700 : vector<16xf32>
        %mul3A_702 = arith.constant 4 : i32
        %mul3A_703 = arith.muli %mul3A_702, %scan3A_158 : i32
        %add3A_704 = arith.constant 2 : i32
        %add3A_705 = arith.addi %mul3A_703, %add3A_704 : i32
        %get3A_706 = arith.constant 0 : i32
        %get3A_707 = arith.constant 0 : i32
        %get3A_708 = tpu.memref_slice %arg6[%scan3A_133, %get3A_706, %get3A_707] : memref<2x128x256xf32, #tpu.memory_space<vmem>> -> memref<1x128x256xf32, #tpu.memory_space<vmem>>
        %get3A_709 = tpu.memref_squeeze %get3A_708 : memref<1x128x256xf32, #tpu.memory_space<vmem>> -> memref<128x256xf32, #tpu.memory_space<vmem>>
        %get3A_710 = arith.index_cast %add3A_705 : i32 to index
        %get3A_711 = arith.constant 144 : index
        %get3A_712 = tpu.vector_load %get3A_709[%get3A_710, %get3A_711] {strides = array<i32>} : memref<128x256xf32, #tpu.memory_space<vmem>>, vector<1x16xf32>,
        %get3A_713 = vector.shape_cast %get3A_712 : vector<1x16xf32> to vector<16xf32>
        %add3A_714 = arith.addf %add3A_701, %get3A_713 : vector<16xf32>
        %mul3A_715 = arith.constant 4 : i32
        %mul3A_716 = arith.muli %mul3A_715, %scan3A_158 : i32
        %add3A_717 = arith.constant 3 : i32
        %add3A_718 = arith.addi %mul3A_716, %add3A_717 : i32
        %get3A_719 = arith.constant 0 : i32
        %get3A_720 = arith.constant 0 : i32
        %get3A_721 = tpu.memref_slice %arg6[%scan3A_133, %get3A_719, %get3A_720] : memref<2x128x256xf32, #tpu.memory_space<vmem>> -> memref<1x128x256xf32, #tpu.memory_space<vmem>>
        %get3A_722 = tpu.memref_squeeze %get3A_721 : memref<1x128x256xf32, #tpu.memory_space<vmem>> -> memref<128x256xf32, #tpu.memory_space<vmem>>
        %get3A_723 = arith.index_cast %add3A_718 : i32 to index
        %get3A_724 = arith.constant 144 : index
        %get3A_725 = tpu.vector_load %get3A_722[%get3A_723, %get3A_724] {strides = array<i32>} : memref<128x256xf32, #tpu.memory_space<vmem>>, vector<1x16xf32>,
        %get3A_726 = vector.shape_cast %get3A_725 : vector<1x16xf32> to vector<16xf32>
        %add3A_727 = arith.addf %add3A_714, %get3A_726 : vector<16xf32>
        %swap3A_728 = arith.constant 0 : i32
        %swap3A_729 = arith.constant 0 : i32
        %swap3A_730 = tpu.memref_slice %arg7[%scan3A_134, %swap3A_728, %swap3A_729] : memref<2x32x256xf32, #tpu.memory_space<vmem>> -> memref<1x32x256xf32, #tpu.memory_space<vmem>>
        %swap3A_731 = tpu.memref_squeeze %swap3A_730 : memref<1x32x256xf32, #tpu.memory_space<vmem>> -> memref<32x256xf32, #tpu.memory_space<vmem>>
        %swap3A_732 = arith.index_cast %scan3A_158 : i32 to index
        %swap3A_733 = arith.constant 144 : index
        %swap3A_734 = tpu.vector_load %swap3A_731[%swap3A_732, %swap3A_733] {strides = array<i32>} : memref<32x256xf32, #tpu.memory_space<vmem>>, vector<1x16xf32>,
        %swap3A_735 = vector.shape_cast %swap3A_734 : vector<1x16xf32> to vector<16xf32>
        %swap3A_736 = vector.shape_cast %add3A_727 : vector<16xf32> to vector<1x16xf32>
        tpu.vector_store %swap3A_731[%swap3A_732, %swap3A_733], %swap3A_736 {strides = array<i32>} : memref<32x256xf32, #tpu.memory_space<vmem>>, vector<1x16xf32>,
        %mul3A_737 = arith.constant 4 : i32
        %mul3A_738 = arith.muli %mul3A_737, %scan3A_158 : i32
        %get3A_739 = arith.constant 0 : i32
        %get3A_740 = arith.constant 0 : i32
        %get3A_741 = tpu.memref_slice %arg6[%scan3A_133, %get3A_739, %get3A_740] : memref<2x128x256xf32, #tpu.memory_space<vmem>> -> memref<1x128x256xf32, #tpu.memory_space<vmem>>
        %get3A_742 = tpu.memref_squeeze %get3A_741 : memref<1x128x256xf32, #tpu.memory_space<vmem>> -> memref<128x256xf32, #tpu.memory_space<vmem>>
        %get3A_743 = arith.index_cast %mul3A_738 : i32 to index
        %get3A_744 = arith.constant 160 : index
        %get3A_745 = tpu.vector_load %get3A_742[%get3A_743, %get3A_744] {strides = array<i32>} : memref<128x256xf32, #tpu.memory_space<vmem>>, vector<1x16xf32>,
        %get3A_746 = vector.shape_cast %get3A_745 : vector<1x16xf32> to vector<16xf32>
        %mul3A_747 = arith.constant 4 : i32
        %mul3A_748 = arith.muli %mul3A_747, %scan3A_158 : i32
        %add3A_749 = arith.constant 1 : i32
        %add3A_750 = arith.addi %mul3A_748, %add3A_749 : i32
        %get3A_751 = arith.constant 0 : i32
        %get3A_752 = arith.constant 0 : i32
        %get3A_753 = tpu.memref_slice %arg6[%scan3A_133, %get3A_751, %get3A_752] : memref<2x128x256xf32, #tpu.memory_space<vmem>> -> memref<1x128x256xf32, #tpu.memory_space<vmem>>
        %get3A_754 = tpu.memref_squeeze %get3A_753 : memref<1x128x256xf32, #tpu.memory_space<vmem>> -> memref<128x256xf32, #tpu.memory_space<vmem>>
        %get3A_755 = arith.index_cast %add3A_750 : i32 to index
        %get3A_756 = arith.constant 160 : index
        %get3A_757 = tpu.vector_load %get3A_754[%get3A_755, %get3A_756] {strides = array<i32>} : memref<128x256xf32, #tpu.memory_space<vmem>>, vector<1x16xf32>,
        %get3A_758 = vector.shape_cast %get3A_757 : vector<1x16xf32> to vector<16xf32>
        %add3A_759 = arith.addf %get3A_746, %get3A_758 : vector<16xf32>
        %mul3A_760 = arith.constant 4 : i32
        %mul3A_761 = arith.muli %mul3A_760, %scan3A_158 : i32
        %add3A_762 = arith.constant 2 : i32
        %add3A_763 = arith.addi %mul3A_761, %add3A_762 : i32
        %get3A_764 = arith.constant 0 : i32
        %get3A_765 = arith.constant 0 : i32
        %get3A_766 = tpu.memref_slice %arg6[%scan3A_133, %get3A_764, %get3A_765] : memref<2x128x256xf32, #tpu.memory_space<vmem>> -> memref<1x128x256xf32, #tpu.memory_space<vmem>>
        %get3A_767 = tpu.memref_squeeze %get3A_766 : memref<1x128x256xf32, #tpu.memory_space<vmem>> -> memref<128x256xf32, #tpu.memory_space<vmem>>
        %get3A_768 = arith.index_cast %add3A_763 : i32 to index
        %get3A_769 = arith.constant 160 : index
        %get3A_770 = tpu.vector_load %get3A_767[%get3A_768, %get3A_769] {strides = array<i32>} : memref<128x256xf32, #tpu.memory_space<vmem>>, vector<1x16xf32>,
        %get3A_771 = vector.shape_cast %get3A_770 : vector<1x16xf32> to vector<16xf32>
        %add3A_772 = arith.addf %add3A_759, %get3A_771 : vector<16xf32>
        %mul3A_773 = arith.constant 4 : i32
        %mul3A_774 = arith.muli %mul3A_773, %scan3A_158 : i32
        %add3A_775 = arith.constant 3 : i32
        %add3A_776 = arith.addi %mul3A_774, %add3A_775 : i32
        %get3A_777 = arith.constant 0 : i32
        %get3A_778 = arith.constant 0 : i32
        %get3A_779 = tpu.memref_slice %arg6[%scan3A_133, %get3A_777, %get3A_778] : memref<2x128x256xf32, #tpu.memory_space<vmem>> -> memref<1x128x256xf32, #tpu.memory_space<vmem>>
        %get3A_780 = tpu.memref_squeeze %get3A_779 : memref<1x128x256xf32, #tpu.memory_space<vmem>> -> memref<128x256xf32, #tpu.memory_space<vmem>>
        %get3A_781 = arith.index_cast %add3A_776 : i32 to index
        %get3A_782 = arith.constant 160 : index
        %get3A_783 = tpu.vector_load %get3A_780[%get3A_781, %get3A_782] {strides = array<i32>} : memref<128x256xf32, #tpu.memory_space<vmem>>, vector<1x16xf32>,
        %get3A_784 = vector.shape_cast %get3A_783 : vector<1x16xf32> to vector<16xf32>
        %add3A_785 = arith.addf %add3A_772, %get3A_784 : vector<16xf32>
        %swap3A_786 = arith.constant 0 : i32
        %swap3A_787 = arith.constant 0 : i32
        %swap3A_788 = tpu.memref_slice %arg7[%scan3A_134, %swap3A_786, %swap3A_787] : memref<2x32x256xf32, #tpu.memory_space<vmem>> -> memref<1x32x256xf32, #tpu.memory_space<vmem>>
        %swap3A_789 = tpu.memref_squeeze %swap3A_788 : memref<1x32x256xf32, #tpu.memory_space<vmem>> -> memref<32x256xf32, #tpu.memory_space<vmem>>
        %swap3A_790 = arith.index_cast %scan3A_158 : i32 to index
        %swap3A_791 = arith.constant 160 : index
        %swap3A_792 = tpu.vector_load %swap3A_789[%swap3A_790, %swap3A_791] {strides = array<i32>} : memref<32x256xf32, #tpu.memory_space<vmem>>, vector<1x16xf32>,
        %swap3A_793 = vector.shape_cast %swap3A_792 : vector<1x16xf32> to vector<16xf32>
        %swap3A_794 = vector.shape_cast %add3A_785 : vector<16xf32> to vector<1x16xf32>
        tpu.vector_store %swap3A_789[%swap3A_790, %swap3A_791], %swap3A_794 {strides = array<i32>} : memref<32x256xf32, #tpu.memory_space<vmem>>, vector<1x16xf32>,
        %mul3A_795 = arith.constant 4 : i32
        %mul3A_796 = arith.muli %mul3A_795, %scan3A_158 : i32
        %get3A_797 = arith.constant 0 : i32
        %get3A_798 = arith.constant 0 : i32
        %get3A_799 = tpu.memref_slice %arg6[%scan3A_133, %get3A_797, %get3A_798] : memref<2x128x256xf32, #tpu.memory_space<vmem>> -> memref<1x128x256xf32, #tpu.memory_space<vmem>>
        %get3A_800 = tpu.memref_squeeze %get3A_799 : memref<1x128x256xf32, #tpu.memory_space<vmem>> -> memref<128x256xf32, #tpu.memory_space<vmem>>
        %get3A_801 = arith.index_cast %mul3A_796 : i32 to index
        %get3A_802 = arith.constant 176 : index
        %get3A_803 = tpu.vector_load %get3A_800[%get3A_801, %get3A_802] {strides = array<i32>} : memref<128x256xf32, #tpu.memory_space<vmem>>, vector<1x16xf32>,
        %get3A_804 = vector.shape_cast %get3A_803 : vector<1x16xf32> to vector<16xf32>
        %mul3A_805 = arith.constant 4 : i32
        %mul3A_806 = arith.muli %mul3A_805, %scan3A_158 : i32
        %add3A_807 = arith.constant 1 : i32
        %add3A_808 = arith.addi %mul3A_806, %add3A_807 : i32
        %get3A_809 = arith.constant 0 : i32
        %get3A_810 = arith.constant 0 : i32
        %get3A_811 = tpu.memref_slice %arg6[%scan3A_133, %get3A_809, %get3A_810] : memref<2x128x256xf32, #tpu.memory_space<vmem>> -> memref<1x128x256xf32, #tpu.memory_space<vmem>>
        %get3A_812 = tpu.memref_squeeze %get3A_811 : memref<1x128x256xf32, #tpu.memory_space<vmem>> -> memref<128x256xf32, #tpu.memory_space<vmem>>
        %get3A_813 = arith.index_cast %add3A_808 : i32 to index
        %get3A_814 = arith.constant 176 : index
        %get3A_815 = tpu.vector_load %get3A_812[%get3A_813, %get3A_814] {strides = array<i32>} : memref<128x256xf32, #tpu.memory_space<vmem>>, vector<1x16xf32>,
        %get3A_816 = vector.shape_cast %get3A_815 : vector<1x16xf32> to vector<16xf32>
        %add3A_817 = arith.addf %get3A_804, %get3A_816 : vector<16xf32>
        %mul3A_818 = arith.constant 4 : i32
        %mul3A_819 = arith.muli %mul3A_818, %scan3A_158 : i32
        %add3A_820 = arith.constant 2 : i32
        %add3A_821 = arith.addi %mul3A_819, %add3A_820 : i32
        %get3A_822 = arith.constant 0 : i32
        %get3A_823 = arith.constant 0 : i32
        %get3A_824 = tpu.memref_slice %arg6[%scan3A_133, %get3A_822, %get3A_823] : memref<2x128x256xf32, #tpu.memory_space<vmem>> -> memref<1x128x256xf32, #tpu.memory_space<vmem>>
        %get3A_825 = tpu.memref_squeeze %get3A_824 : memref<1x128x256xf32, #tpu.memory_space<vmem>> -> memref<128x256xf32, #tpu.memory_space<vmem>>
        %get3A_826 = arith.index_cast %add3A_821 : i32 to index
        %get3A_827 = arith.constant 176 : index
        %get3A_828 = tpu.vector_load %get3A_825[%get3A_826, %get3A_827] {strides = array<i32>} : memref<128x256xf32, #tpu.memory_space<vmem>>, vector<1x16xf32>,
        %get3A_829 = vector.shape_cast %get3A_828 : vector<1x16xf32> to vector<16xf32>
        %add3A_830 = arith.addf %add3A_817, %get3A_829 : vector<16xf32>
        %mul3A_831 = arith.constant 4 : i32
        %mul3A_832 = arith.muli %mul3A_831, %scan3A_158 : i32
        %add3A_833 = arith.constant 3 : i32
        %add3A_834 = arith.addi %mul3A_832, %add3A_833 : i32
        %get3A_835 = arith.constant 0 : i32
        %get3A_836 = arith.constant 0 : i32
        %get3A_837 = tpu.memref_slice %arg6[%scan3A_133, %get3A_835, %get3A_836] : memref<2x128x256xf32, #tpu.memory_space<vmem>> -> memref<1x128x256xf32, #tpu.memory_space<vmem>>
        %get3A_838 = tpu.memref_squeeze %get3A_837 : memref<1x128x256xf32, #tpu.memory_space<vmem>> -> memref<128x256xf32, #tpu.memory_space<vmem>>
        %get3A_839 = arith.index_cast %add3A_834 : i32 to index
        %get3A_840 = arith.constant 176 : index
        %get3A_841 = tpu.vector_load %get3A_838[%get3A_839, %get3A_840] {strides = array<i32>} : memref<128x256xf32, #tpu.memory_space<vmem>>, vector<1x16xf32>,
        %get3A_842 = vector.shape_cast %get3A_841 : vector<1x16xf32> to vector<16xf32>
        %add3A_843 = arith.addf %add3A_830, %get3A_842 : vector<16xf32>
        %swap3A_844 = arith.constant 0 : i32
        %swap3A_845 = arith.constant 0 : i32
        %swap3A_846 = tpu.memref_slice %arg7[%scan3A_134, %swap3A_844, %swap3A_845] : memref<2x32x256xf32, #tpu.memory_space<vmem>> -> memref<1x32x256xf32, #tpu.memory_space<vmem>>
        %swap3A_847 = tpu.memref_squeeze %swap3A_846 : memref<1x32x256xf32, #tpu.memory_space<vmem>> -> memref<32x256xf32, #tpu.memory_space<vmem>>
        %swap3A_848 = arith.index_cast %scan3A_158 : i32 to index
        %swap3A_849 = arith.constant 176 : index
        %swap3A_850 = tpu.vector_load %swap3A_847[%swap3A_848, %swap3A_849] {strides = array<i32>} : memref<32x256xf32, #tpu.memory_space<vmem>>, vector<1x16xf32>,
        %swap3A_851 = vector.shape_cast %swap3A_850 : vector<1x16xf32> to vector<16xf32>
        %swap3A_852 = vector.shape_cast %add3A_843 : vector<16xf32> to vector<1x16xf32>
        tpu.vector_store %swap3A_847[%swap3A_848, %swap3A_849], %swap3A_852 {strides = array<i32>} : memref<32x256xf32, #tpu.memory_space<vmem>>, vector<1x16xf32>,
        %mul3A_853 = arith.constant 4 : i32
        %mul3A_854 = arith.muli %mul3A_853, %scan3A_158 : i32
        %get3A_855 = arith.constant 0 : i32
        %get3A_856 = arith.constant 0 : i32
        %get3A_857 = tpu.memref_slice %arg6[%scan3A_133, %get3A_855, %get3A_856] : memref<2x128x256xf32, #tpu.memory_space<vmem>> -> memref<1x128x256xf32, #tpu.memory_space<vmem>>
        %get3A_858 = tpu.memref_squeeze %get3A_857 : memref<1x128x256xf32, #tpu.memory_space<vmem>> -> memref<128x256xf32, #tpu.memory_space<vmem>>
        %get3A_859 = arith.index_cast %mul3A_854 : i32 to index
        %get3A_860 = arith.constant 192 : index
        %get3A_861 = tpu.vector_load %get3A_858[%get3A_859, %get3A_860] {strides = array<i32>} : memref<128x256xf32, #tpu.memory_space<vmem>>, vector<1x16xf32>,
        %get3A_862 = vector.shape_cast %get3A_861 : vector<1x16xf32> to vector<16xf32>
        %mul3A_863 = arith.constant 4 : i32
        %mul3A_864 = arith.muli %mul3A_863, %scan3A_158 : i32
        %add3A_865 = arith.constant 1 : i32
        %add3A_866 = arith.addi %mul3A_864, %add3A_865 : i32
        %get3A_867 = arith.constant 0 : i32
        %get3A_868 = arith.constant 0 : i32
        %get3A_869 = tpu.memref_slice %arg6[%scan3A_133, %get3A_867, %get3A_868] : memref<2x128x256xf32, #tpu.memory_space<vmem>> -> memref<1x128x256xf32, #tpu.memory_space<vmem>>
        %get3A_870 = tpu.memref_squeeze %get3A_869 : memref<1x128x256xf32, #tpu.memory_space<vmem>> -> memref<128x256xf32, #tpu.memory_space<vmem>>
        %get3A_871 = arith.index_cast %add3A_866 : i32 to index
        %get3A_872 = arith.constant 192 : index
        %get3A_873 = tpu.vector_load %get3A_870[%get3A_871, %get3A_872] {strides = array<i32>} : memref<128x256xf32, #tpu.memory_space<vmem>>, vector<1x16xf32>,
        %get3A_874 = vector.shape_cast %get3A_873 : vector<1x16xf32> to vector<16xf32>
        %add3A_875 = arith.addf %get3A_862, %get3A_874 : vector<16xf32>
        %mul3A_876 = arith.constant 4 : i32
        %mul3A_877 = arith.muli %mul3A_876, %scan3A_158 : i32
        %add3A_878 = arith.constant 2 : i32
        %add3A_879 = arith.addi %mul3A_877, %add3A_878 : i32
        %get3A_880 = arith.constant 0 : i32
        %get3A_881 = arith.constant 0 : i32
        %get3A_882 = tpu.memref_slice %arg6[%scan3A_133, %get3A_880, %get3A_881] : memref<2x128x256xf32, #tpu.memory_space<vmem>> -> memref<1x128x256xf32, #tpu.memory_space<vmem>>
        %get3A_883 = tpu.memref_squeeze %get3A_882 : memref<1x128x256xf32, #tpu.memory_space<vmem>> -> memref<128x256xf32, #tpu.memory_space<vmem>>
        %get3A_884 = arith.index_cast %add3A_879 : i32 to index
        %get3A_885 = arith.constant 192 : index
        %get3A_886 = tpu.vector_load %get3A_883[%get3A_884, %get3A_885] {strides = array<i32>} : memref<128x256xf32, #tpu.memory_space<vmem>>, vector<1x16xf32>,
        %get3A_887 = vector.shape_cast %get3A_886 : vector<1x16xf32> to vector<16xf32>
        %add3A_888 = arith.addf %add3A_875, %get3A_887 : vector<16xf32>
        %mul3A_889 = arith.constant 4 : i32
        %mul3A_890 = arith.muli %mul3A_889, %scan3A_158 : i32
        %add3A_891 = arith.constant 3 : i32
        %add3A_892 = arith.addi %mul3A_890, %add3A_891 : i32
        %get3A_893 = arith.constant 0 : i32
        %get3A_894 = arith.constant 0 : i32
        %get3A_895 = tpu.memref_slice %arg6[%scan3A_133, %get3A_893, %get3A_894] : memref<2x128x256xf32, #tpu.memory_space<vmem>> -> memref<1x128x256xf32, #tpu.memory_space<vmem>>
        %get3A_896 = tpu.memref_squeeze %get3A_895 : memref<1x128x256xf32, #tpu.memory_space<vmem>> -> memref<128x256xf32, #tpu.memory_space<vmem>>
        %get3A_897 = arith.index_cast %add3A_892 : i32 to index
        %get3A_898 = arith.constant 192 : index
        %get3A_899 = tpu.vector_load %get3A_896[%get3A_897, %get3A_898] {strides = array<i32>} : memref<128x256xf32, #tpu.memory_space<vmem>>, vector<1x16xf32>,
        %get3A_900 = vector.shape_cast %get3A_899 : vector<1x16xf32> to vector<16xf32>
        %add3A_901 = arith.addf %add3A_888, %get3A_900 : vector<16xf32>
        %swap3A_902 = arith.constant 0 : i32
        %swap3A_903 = arith.constant 0 : i32
        %swap3A_904 = tpu.memref_slice %arg7[%scan3A_134, %swap3A_902, %swap3A_903] : memref<2x32x256xf32, #tpu.memory_space<vmem>> -> memref<1x32x256xf32, #tpu.memory_space<vmem>>
        %swap3A_905 = tpu.memref_squeeze %swap3A_904 : memref<1x32x256xf32, #tpu.memory_space<vmem>> -> memref<32x256xf32, #tpu.memory_space<vmem>>
        %swap3A_906 = arith.index_cast %scan3A_158 : i32 to index
        %swap3A_907 = arith.constant 192 : index
        %swap3A_908 = tpu.vector_load %swap3A_905[%swap3A_906, %swap3A_907] {strides = array<i32>} : memref<32x256xf32, #tpu.memory_space<vmem>>, vector<1x16xf32>,
        %swap3A_909 = vector.shape_cast %swap3A_908 : vector<1x16xf32> to vector<16xf32>
        %swap3A_910 = vector.shape_cast %add3A_901 : vector<16xf32> to vector<1x16xf32>
        tpu.vector_store %swap3A_905[%swap3A_906, %swap3A_907], %swap3A_910 {strides = array<i32>} : memref<32x256xf32, #tpu.memory_space<vmem>>, vector<1x16xf32>,
        %mul3A_911 = arith.constant 4 : i32
        %mul3A_912 = arith.muli %mul3A_911, %scan3A_158 : i32
        %get3A_913 = arith.constant 0 : i32
        %get3A_914 = arith.constant 0 : i32
        %get3A_915 = tpu.memref_slice %arg6[%scan3A_133, %get3A_913, %get3A_914] : memref<2x128x256xf32, #tpu.memory_space<vmem>> -> memref<1x128x256xf32, #tpu.memory_space<vmem>>
        %get3A_916 = tpu.memref_squeeze %get3A_915 : memref<1x128x256xf32, #tpu.memory_space<vmem>> -> memref<128x256xf32, #tpu.memory_space<vmem>>
        %get3A_917 = arith.index_cast %mul3A_912 : i32 to index
        %get3A_918 = arith.constant 208 : index
        %get3A_919 = tpu.vector_load %get3A_916[%get3A_917, %get3A_918] {strides = array<i32>} : memref<128x256xf32, #tpu.memory_space<vmem>>, vector<1x16xf32>,
        %get3A_920 = vector.shape_cast %get3A_919 : vector<1x16xf32> to vector<16xf32>
        %mul3A_921 = arith.constant 4 : i32
        %mul3A_922 = arith.muli %mul3A_921, %scan3A_158 : i32
        %add3A_923 = arith.constant 1 : i32
        %add3A_924 = arith.addi %mul3A_922, %add3A_923 : i32
        %get3A_925 = arith.constant 0 : i32
        %get3A_926 = arith.constant 0 : i32
        %get3A_927 = tpu.memref_slice %arg6[%scan3A_133, %get3A_925, %get3A_926] : memref<2x128x256xf32, #tpu.memory_space<vmem>> -> memref<1x128x256xf32, #tpu.memory_space<vmem>>
        %get3A_928 = tpu.memref_squeeze %get3A_927 : memref<1x128x256xf32, #tpu.memory_space<vmem>> -> memref<128x256xf32, #tpu.memory_space<vmem>>
        %get3A_929 = arith.index_cast %add3A_924 : i32 to index
        %get3A_930 = arith.constant 208 : index
        %get3A_931 = tpu.vector_load %get3A_928[%get3A_929, %get3A_930] {strides = array<i32>} : memref<128x256xf32, #tpu.memory_space<vmem>>, vector<1x16xf32>,
        %get3A_932 = vector.shape_cast %get3A_931 : vector<1x16xf32> to vector<16xf32>
        %add3A_933 = arith.addf %get3A_920, %get3A_932 : vector<16xf32>
        %mul3A_934 = arith.constant 4 : i32
        %mul3A_935 = arith.muli %mul3A_934, %scan3A_158 : i32
        %add3A_936 = arith.constant 2 : i32
        %add3A_937 = arith.addi %mul3A_935, %add3A_936 : i32
        %get3A_938 = arith.constant 0 : i32
        %get3A_939 = arith.constant 0 : i32
        %get3A_940 = tpu.memref_slice %arg6[%scan3A_133, %get3A_938, %get3A_939] : memref<2x128x256xf32, #tpu.memory_space<vmem>> -> memref<1x128x256xf32, #tpu.memory_space<vmem>>
        %get3A_941 = tpu.memref_squeeze %get3A_940 : memref<1x128x256xf32, #tpu.memory_space<vmem>> -> memref<128x256xf32, #tpu.memory_space<vmem>>
        %get3A_942 = arith.index_cast %add3A_937 : i32 to index
        %get3A_943 = arith.constant 208 : index
        %get3A_944 = tpu.vector_load %get3A_941[%get3A_942, %get3A_943] {strides = array<i32>} : memref<128x256xf32, #tpu.memory_space<vmem>>, vector<1x16xf32>,
        %get3A_945 = vector.shape_cast %get3A_944 : vector<1x16xf32> to vector<16xf32>
        %add3A_946 = arith.addf %add3A_933, %get3A_945 : vector<16xf32>
        %mul3A_947 = arith.constant 4 : i32
        %mul3A_948 = arith.muli %mul3A_947, %scan3A_158 : i32
        %add3A_949 = arith.constant 3 : i32
        %add3A_950 = arith.addi %mul3A_948, %add3A_949 : i32
        %get3A_951 = arith.constant 0 : i32
        %get3A_952 = arith.constant 0 : i32
        %get3A_953 = tpu.memref_slice %arg6[%scan3A_133, %get3A_951, %get3A_952] : memref<2x128x256xf32, #tpu.memory_space<vmem>> -> memref<1x128x256xf32, #tpu.memory_space<vmem>>
        %get3A_954 = tpu.memref_squeeze %get3A_953 : memref<1x128x256xf32, #tpu.memory_space<vmem>> -> memref<128x256xf32, #tpu.memory_space<vmem>>
        %get3A_955 = arith.index_cast %add3A_950 : i32 to index
        %get3A_956 = arith.constant 208 : index
        %get3A_957 = tpu.vector_load %get3A_954[%get3A_955, %get3A_956] {strides = array<i32>} : memref<128x256xf32, #tpu.memory_space<vmem>>, vector<1x16xf32>,
        %get3A_958 = vector.shape_cast %get3A_957 : vector<1x16xf32> to vector<16xf32>
        %add3A_959 = arith.addf %add3A_946, %get3A_958 : vector<16xf32>
        %swap3A_960 = arith.constant 0 : i32
        %swap3A_961 = arith.constant 0 : i32
        %swap3A_962 = tpu.memref_slice %arg7[%scan3A_134, %swap3A_960, %swap3A_961] : memref<2x32x256xf32, #tpu.memory_space<vmem>> -> memref<1x32x256xf32, #tpu.memory_space<vmem>>
        %swap3A_963 = tpu.memref_squeeze %swap3A_962 : memref<1x32x256xf32, #tpu.memory_space<vmem>> -> memref<32x256xf32, #tpu.memory_space<vmem>>
        %swap3A_964 = arith.index_cast %scan3A_158 : i32 to index
        %swap3A_965 = arith.constant 208 : index
        %swap3A_966 = tpu.vector_load %swap3A_963[%swap3A_964, %swap3A_965] {strides = array<i32>} : memref<32x256xf32, #tpu.memory_space<vmem>>, vector<1x16xf32>,
        %swap3A_967 = vector.shape_cast %swap3A_966 : vector<1x16xf32> to vector<16xf32>
        %swap3A_968 = vector.shape_cast %add3A_959 : vector<16xf32> to vector<1x16xf32>
        tpu.vector_store %swap3A_963[%swap3A_964, %swap3A_965], %swap3A_968 {strides = array<i32>} : memref<32x256xf32, #tpu.memory_space<vmem>>, vector<1x16xf32>,
        %mul3A_969 = arith.constant 4 : i32
        %mul3A_970 = arith.muli %mul3A_969, %scan3A_158 : i32
        %get3A_971 = arith.constant 0 : i32
        %get3A_972 = arith.constant 0 : i32
        %get3A_973 = tpu.memref_slice %arg6[%scan3A_133, %get3A_971, %get3A_972] : memref<2x128x256xf32, #tpu.memory_space<vmem>> -> memref<1x128x256xf32, #tpu.memory_space<vmem>>
        %get3A_974 = tpu.memref_squeeze %get3A_973 : memref<1x128x256xf32, #tpu.memory_space<vmem>> -> memref<128x256xf32, #tpu.memory_space<vmem>>
        %get3A_975 = arith.index_cast %mul3A_970 : i32 to index
        %get3A_976 = arith.constant 224 : index
        %get3A_977 = tpu.vector_load %get3A_974[%get3A_975, %get3A_976] {strides = array<i32>} : memref<128x256xf32, #tpu.memory_space<vmem>>, vector<1x16xf32>,
        %get3A_978 = vector.shape_cast %get3A_977 : vector<1x16xf32> to vector<16xf32>
        %mul3A_979 = arith.constant 4 : i32
        %mul3A_980 = arith.muli %mul3A_979, %scan3A_158 : i32
        %add3A_981 = arith.constant 1 : i32
        %add3A_982 = arith.addi %mul3A_980, %add3A_981 : i32
        %get3A_983 = arith.constant 0 : i32
        %get3A_984 = arith.constant 0 : i32
        %get3A_985 = tpu.memref_slice %arg6[%scan3A_133, %get3A_983, %get3A_984] : memref<2x128x256xf32, #tpu.memory_space<vmem>> -> memref<1x128x256xf32, #tpu.memory_space<vmem>>
        %get3A_986 = tpu.memref_squeeze %get3A_985 : memref<1x128x256xf32, #tpu.memory_space<vmem>> -> memref<128x256xf32, #tpu.memory_space<vmem>>
        %get3A_987 = arith.index_cast %add3A_982 : i32 to index
        %get3A_988 = arith.constant 224 : index
        %get3A_989 = tpu.vector_load %get3A_986[%get3A_987, %get3A_988] {strides = array<i32>} : memref<128x256xf32, #tpu.memory_space<vmem>>, vector<1x16xf32>,
        %get3A_990 = vector.shape_cast %get3A_989 : vector<1x16xf32> to vector<16xf32>
        %add3A_991 = arith.addf %get3A_978, %get3A_990 : vector<16xf32>
        %mul3A_992 = arith.constant 4 : i32
        %mul3A_993 = arith.muli %mul3A_992, %scan3A_158 : i32
        %add3A_994 = arith.constant 2 : i32
        %add3A_995 = arith.addi %mul3A_993, %add3A_994 : i32
        %get3A_996 = arith.constant 0 : i32
        %get3A_997 = arith.constant 0 : i32
        %get3A_998 = tpu.memref_slice %arg6[%scan3A_133, %get3A_996, %get3A_997] : memref<2x128x256xf32, #tpu.memory_space<vmem>> -> memref<1x128x256xf32, #tpu.memory_space<vmem>>
        %get3A_999 = tpu.memref_squeeze %get3A_998 : memref<1x128x256xf32, #tpu.memory_space<vmem>> -> memref<128x256xf32, #tpu.memory_space<vmem>>
        %get3A_1000 = arith.index_cast %add3A_995 : i32 to index
        %get3A_1001 = arith.constant 224 : index
        %get3A_1002 = tpu.vector_load %get3A_999[%get3A_1000, %get3A_1001] {strides = array<i32>} : memref<128x256xf32, #tpu.memory_space<vmem>>, vector<1x16xf32>,
        %get3A_1003 = vector.shape_cast %get3A_1002 : vector<1x16xf32> to vector<16xf32>
        %add3A_1004 = arith.addf %add3A_991, %get3A_1003 : vector<16xf32>
        %mul3A_1005 = arith.constant 4 : i32
        %mul3A_1006 = arith.muli %mul3A_1005, %scan3A_158 : i32
        %add3A_1007 = arith.constant 3 : i32
        %add3A_1008 = arith.addi %mul3A_1006, %add3A_1007 : i32
        %get3A_1009 = arith.constant 0 : i32
        %get3A_1010 = arith.constant 0 : i32
        %get3A_1011 = tpu.memref_slice %arg6[%scan3A_133, %get3A_1009, %get3A_1010] : memref<2x128x256xf32, #tpu.memory_space<vmem>> -> memref<1x128x256xf32, #tpu.memory_space<vmem>>
        %get3A_1012 = tpu.memref_squeeze %get3A_1011 : memref<1x128x256xf32, #tpu.memory_space<vmem>> -> memref<128x256xf32, #tpu.memory_space<vmem>>
        %get3A_1013 = arith.index_cast %add3A_1008 : i32 to index
        %get3A_1014 = arith.constant 224 : index
        %get3A_1015 = tpu.vector_load %get3A_1012[%get3A_1013, %get3A_1014] {strides = array<i32>} : memref<128x256xf32, #tpu.memory_space<vmem>>, vector<1x16xf32>,
        %get3A_1016 = vector.shape_cast %get3A_1015 : vector<1x16xf32> to vector<16xf32>
        %add3A_1017 = arith.addf %add3A_1004, %get3A_1016 : vector<16xf32>
        %swap3A_1018 = arith.constant 0 : i32
        %swap3A_1019 = arith.constant 0 : i32
        %swap3A_1020 = tpu.memref_slice %arg7[%scan3A_134, %swap3A_1018, %swap3A_1019] : memref<2x32x256xf32, #tpu.memory_space<vmem>> -> memref<1x32x256xf32, #tpu.memory_space<vmem>>
        %swap3A_1021 = tpu.memref_squeeze %swap3A_1020 : memref<1x32x256xf32, #tpu.memory_space<vmem>> -> memref<32x256xf32, #tpu.memory_space<vmem>>
        %swap3A_1022 = arith.index_cast %scan3A_158 : i32 to index
        %swap3A_1023 = arith.constant 224 : index
        %swap3A_1024 = tpu.vector_load %swap3A_1021[%swap3A_1022, %swap3A_1023] {strides = array<i32>} : memref<32x256xf32, #tpu.memory_space<vmem>>, vector<1x16xf32>,
        %swap3A_1025 = vector.shape_cast %swap3A_1024 : vector<1x16xf32> to vector<16xf32>
        %swap3A_1026 = vector.shape_cast %add3A_1017 : vector<16xf32> to vector<1x16xf32>
        tpu.vector_store %swap3A_1021[%swap3A_1022, %swap3A_1023], %swap3A_1026 {strides = array<i32>} : memref<32x256xf32, #tpu.memory_space<vmem>>, vector<1x16xf32>,
        %mul3A_1027 = arith.constant 4 : i32
        %mul3A_1028 = arith.muli %mul3A_1027, %scan3A_158 : i32
        %get3A_1029 = arith.constant 0 : i32
        %get3A_1030 = arith.constant 0 : i32
        %get3A_1031 = tpu.memref_slice %arg6[%scan3A_133, %get3A_1029, %get3A_1030] : memref<2x128x256xf32, #tpu.memory_space<vmem>> -> memref<1x128x256xf32, #tpu.memory_space<vmem>>
        %get3A_1032 = tpu.memref_squeeze %get3A_1031 : memref<1x128x256xf32, #tpu.memory_space<vmem>> -> memref<128x256xf32, #tpu.memory_space<vmem>>
        %get3A_1033 = arith.index_cast %mul3A_1028 : i32 to index
        %get3A_1034 = arith.constant 240 : index
        %get3A_1035 = tpu.vector_load %get3A_1032[%get3A_1033, %get3A_1034] {strides = array<i32>} : memref<128x256xf32, #tpu.memory_space<vmem>>, vector<1x16xf32>,
        %get3A_1036 = vector.shape_cast %get3A_1035 : vector<1x16xf32> to vector<16xf32>
        %mul3A_1037 = arith.constant 4 : i32
        %mul3A_1038 = arith.muli %mul3A_1037, %scan3A_158 : i32
        %add3A_1039 = arith.constant 1 : i32
        %add3A_1040 = arith.addi %mul3A_1038, %add3A_1039 : i32
        %get3A_1041 = arith.constant 0 : i32
        %get3A_1042 = arith.constant 0 : i32
        %get3A_1043 = tpu.memref_slice %arg6[%scan3A_133, %get3A_1041, %get3A_1042] : memref<2x128x256xf32, #tpu.memory_space<vmem>> -> memref<1x128x256xf32, #tpu.memory_space<vmem>>
        %get3A_1044 = tpu.memref_squeeze %get3A_1043 : memref<1x128x256xf32, #tpu.memory_space<vmem>> -> memref<128x256xf32, #tpu.memory_space<vmem>>
        %get3A_1045 = arith.index_cast %add3A_1040 : i32 to index
        %get3A_1046 = arith.constant 240 : index
        %get3A_1047 = tpu.vector_load %get3A_1044[%get3A_1045, %get3A_1046] {strides = array<i32>} : memref<128x256xf32, #tpu.memory_space<vmem>>, vector<1x16xf32>,
        %get3A_1048 = vector.shape_cast %get3A_1047 : vector<1x16xf32> to vector<16xf32>
        %add3A_1049 = arith.addf %get3A_1036, %get3A_1048 : vector<16xf32>
        %mul3A_1050 = arith.constant 4 : i32
        %mul3A_1051 = arith.muli %mul3A_1050, %scan3A_158 : i32
        %add3A_1052 = arith.constant 2 : i32
        %add3A_1053 = arith.addi %mul3A_1051, %add3A_1052 : i32
        %get3A_1054 = arith.constant 0 : i32
        %get3A_1055 = arith.constant 0 : i32
        %get3A_1056 = tpu.memref_slice %arg6[%scan3A_133, %get3A_1054, %get3A_1055] : memref<2x128x256xf32, #tpu.memory_space<vmem>> -> memref<1x128x256xf32, #tpu.memory_space<vmem>>
        %get3A_1057 = tpu.memref_squeeze %get3A_1056 : memref<1x128x256xf32, #tpu.memory_space<vmem>> -> memref<128x256xf32, #tpu.memory_space<vmem>>
        %get3A_1058 = arith.index_cast %add3A_1053 : i32 to index
        %get3A_1059 = arith.constant 240 : index
        %get3A_1060 = tpu.vector_load %get3A_1057[%get3A_1058, %get3A_1059] {strides = array<i32>} : memref<128x256xf32, #tpu.memory_space<vmem>>, vector<1x16xf32>,
        %get3A_1061 = vector.shape_cast %get3A_1060 : vector<1x16xf32> to vector<16xf32>
        %add3A_1062 = arith.addf %add3A_1049, %get3A_1061 : vector<16xf32>
        %mul3A_1063 = arith.constant 4 : i32
        %mul3A_1064 = arith.muli %mul3A_1063, %scan3A_158 : i32
        %add3A_1065 = arith.constant 3 : i32
        %add3A_1066 = arith.addi %mul3A_1064, %add3A_1065 : i32
        %get3A_1067 = arith.constant 0 : i32
        %get3A_1068 = arith.constant 0 : i32
        %get3A_1069 = tpu.memref_slice %arg6[%scan3A_133, %get3A_1067, %get3A_1068] : memref<2x128x256xf32, #tpu.memory_space<vmem>> -> memref<1x128x256xf32, #tpu.memory_space<vmem>>
        %get3A_1070 = tpu.memref_squeeze %get3A_1069 : memref<1x128x256xf32, #tpu.memory_space<vmem>> -> memref<128x256xf32, #tpu.memory_space<vmem>>
        %get3A_1071 = arith.index_cast %add3A_1066 : i32 to index
        %get3A_1072 = arith.constant 240 : index
        %get3A_1073 = tpu.vector_load %get3A_1070[%get3A_1071, %get3A_1072] {strides = array<i32>} : memref<128x256xf32, #tpu.memory_space<vmem>>, vector<1x16xf32>,
        %get3A_1074 = vector.shape_cast %get3A_1073 : vector<1x16xf32> to vector<16xf32>
        %add3A_1075 = arith.addf %add3A_1062, %get3A_1074 : vector<16xf32>
        %swap3A_1076 = arith.constant 0 : i32
        %swap3A_1077 = arith.constant 0 : i32
        %swap3A_1078 = tpu.memref_slice %arg7[%scan3A_134, %swap3A_1076, %swap3A_1077] : memref<2x32x256xf32, #tpu.memory_space<vmem>> -> memref<1x32x256xf32, #tpu.memory_space<vmem>>
        %swap3A_1079 = tpu.memref_squeeze %swap3A_1078 : memref<1x32x256xf32, #tpu.memory_space<vmem>> -> memref<32x256xf32, #tpu.memory_space<vmem>>
        %swap3A_1080 = arith.index_cast %scan3A_158 : i32 to index
        %swap3A_1081 = arith.constant 240 : index
        %swap3A_1082 = tpu.vector_load %swap3A_1079[%swap3A_1080, %swap3A_1081] {strides = array<i32>} : memref<32x256xf32, #tpu.memory_space<vmem>>, vector<1x16xf32>,
        %swap3A_1083 = vector.shape_cast %swap3A_1082 : vector<1x16xf32> to vector<16xf32>
        %swap3A_1084 = vector.shape_cast %add3A_1075 : vector<16xf32> to vector<1x16xf32>
        tpu.vector_store %swap3A_1079[%swap3A_1080, %swap3A_1081], %swap3A_1084 {strides = array<i32>} : memref<32x256xf32, #tpu.memory_space<vmem>>, vector<1x16xf32>,
      }
      %scan3A_139 = arith.constant 32 : i32
      %add3A_140 = arith.addi %mul3A_2, %mul3A_57 : i32
      %add3A_141 = arith.constant 1 : i32
      %add3A_142 = arith.addi %add3A_140, %add3A_141 : i32
      %mul3A_143 = arith.constant 32 : i32
      %mul3A_144 = arith.muli %add3A_142, %mul3A_143 : i32
      %dma_start3A_145 = arith.constant 1 : i32
      %dma_start3A_146 = arith.constant 0 : i32
      %dma_start3A_147 = arith.constant 0 : i32
      %dma_start3A_148 = tpu.memref_slice %arg7[%dma_start3A_145, %dma_start3A_146, %dma_start3A_147] : memref<2x32x256xf32, #tpu.memory_space<vmem>> -> memref<1x32x256xf32, #tpu.memory_space<vmem>>
      %dma_start3A_149 = tpu.memref_squeeze %dma_start3A_148 : memref<1x32x256xf32, #tpu.memory_space<vmem>> -> memref<32x256xf32, #tpu.memory_space<vmem>>
      %dma_start3A_150 = arith.constant 0 : i32
      %dma_start3A_151 = tpu.memref_slice %arg4[%mul3A_144, %dma_start3A_150] : memref<40960x256xf32, #tpu.memory_space<hbm>> -> memref<32x256xf32, #tpu.memory_space<hbm>>
      %dma_start3A_152 = arith.constant 0 : i32
      %dma_start3A_153 = tpu.memref_slice %arg4[%mul3A_144, %dma_start3A_152] : memref<40960x256xf32, #tpu.memory_space<hbm>> -> memref<32x256xf32, #tpu.memory_space<hbm>>
      %dma_start3A_154 = arith.constant 0 : i32
      %dma_start3A_155 = arith.constant 0 : i32
      %dma_start3A_156 = tpu.memref_slice %arg7[%dma_start3A_145, %dma_start3A_154, %dma_start3A_155] : memref<2x32x256xf32, #tpu.memory_space<vmem>> -> memref<1x32x256xf32, #tpu.memory_space<vmem>>
      %dma_start3A_157 = tpu.memref_squeeze %dma_start3A_156 : memref<1x32x256xf32, #tpu.memory_space<vmem>> -> memref<32x256xf32, #tpu.memory_space<vmem>>
      tpu.enqueue_dma source(%dma_start3A_157 : memref<32x256xf32, #tpu.memory_space<vmem>>) target(%dma_start3A_153 : memref<32x256xf32, #tpu.memory_space<hbm>>) target_semaphore(%arg11 : memref<!tpu.dma_semaphore, #tpu.memory_space<semaphore_mem>>)
    }
    %scan3A_18 = arith.constant 20 : i32
    %add3A_19 = arith.constant 40 : i32
    %add3A_20 = arith.addi %mul3A_2, %add3A_19 : i32
    %sub3A = arith.constant 2 : i32
    %sub3A_21 = arith.subi %add3A_20, %sub3A : i32
    %mul3A_22 = arith.constant 32 : i32
    %mul3A_23 = arith.muli %sub3A_21, %mul3A_22 : i32
    %dma_wait3A = arith.constant 0 : i32
    %dma_wait3A_24 = arith.constant 0 : i32
    %dma_wait3A_25 = arith.constant 0 : i32
    %dma_wait3A_26 = tpu.memref_slice %arg7[%dma_wait3A, %dma_wait3A_24, %dma_wait3A_25] : memref<2x32x256xf32, #tpu.memory_space<vmem>> -> memref<1x32x256xf32, #tpu.memory_space<vmem>>
    %dma_wait3A_27 = tpu.memref_squeeze %dma_wait3A_26 : memref<1x32x256xf32, #tpu.memory_space<vmem>> -> memref<32x256xf32, #tpu.memory_space<vmem>>
    %dma_wait3A_28 = arith.constant 0 : i32
    %dma_wait3A_29 = tpu.memref_slice %arg4[%mul3A_23, %dma_wait3A_28] : memref<40960x256xf32, #tpu.memory_space<hbm>> -> memref<32x256xf32, #tpu.memory_space<hbm>>
    %dma_wait3A_30 = arith.constant 0 : i32
    %dma_wait3A_31 = tpu.memref_slice %arg4[%mul3A_23, %dma_wait3A_30] : memref<40960x256xf32, #tpu.memory_space<hbm>> -> memref<32x256xf32, #tpu.memory_space<hbm>>
    %dma_wait3A_32 = arith.constant 0 : i32
    %dma_wait3A_33 = arith.constant 0 : i32
    %dma_wait3A_34 = tpu.memref_slice %arg7[%dma_wait3A, %dma_wait3A_32, %dma_wait3A_33] : memref<2x32x256xf32, #tpu.memory_space<vmem>> -> memref<1x32x256xf32, #tpu.memory_space<vmem>>
    %dma_wait3A_35 = tpu.memref_squeeze %dma_wait3A_34 : memref<1x32x256xf32, #tpu.memory_space<vmem>> -> memref<32x256xf32, #tpu.memory_space<vmem>>
    tpu.wait_dma2 semaphore(%arg10 : memref<!tpu.dma_semaphore, #tpu.memory_space<semaphore_mem>>) src(%dma_wait3A_35 : memref<32x256xf32, #tpu.memory_space<vmem>>) dst(%dma_wait3A_31 : memref<32x256xf32, #tpu.memory_space<hbm>>)
    %add3A_36 = arith.constant 40 : i32
    %add3A_37 = arith.addi %mul3A_2, %add3A_36 : i32
    %sub3A_38 = arith.constant 1 : i32
    %sub3A_39 = arith.subi %add3A_37, %sub3A_38 : i32
    %mul3A_40 = arith.constant 32 : i32
    %mul3A_41 = arith.muli %sub3A_39, %mul3A_40 : i32
    %dma_wait3A_42 = arith.constant 1 : i32
    %dma_wait3A_43 = arith.constant 0 : i32
    %dma_wait3A_44 = arith.constant 0 : i32
    %dma_wait3A_45 = tpu.memref_slice %arg7[%dma_wait3A_42, %dma_wait3A_43, %dma_wait3A_44] : memref<2x32x256xf32, #tpu.memory_space<vmem>> -> memref<1x32x256xf32, #tpu.memory_space<vmem>>
    %dma_wait3A_46 = tpu.memref_squeeze %dma_wait3A_45 : memref<1x32x256xf32, #tpu.memory_space<vmem>> -> memref<32x256xf32, #tpu.memory_space<vmem>>
    %dma_wait3A_47 = arith.constant 0 : i32
    %dma_wait3A_48 = tpu.memref_slice %arg4[%mul3A_41, %dma_wait3A_47] : memref<40960x256xf32, #tpu.memory_space<hbm>> -> memref<32x256xf32, #tpu.memory_space<hbm>>
    %dma_wait3A_49 = arith.constant 0 : i32
    %dma_wait3A_50 = tpu.memref_slice %arg4[%mul3A_41, %dma_wait3A_49] : memref<40960x256xf32, #tpu.memory_space<hbm>> -> memref<32x256xf32, #tpu.memory_space<hbm>>
    %dma_wait3A_51 = arith.constant 0 : i32
    %dma_wait3A_52 = arith.constant 0 : i32
    %dma_wait3A_53 = tpu.memref_slice %arg7[%dma_wait3A_42, %dma_wait3A_51, %dma_wait3A_52] : memref<2x32x256xf32, #tpu.memory_space<vmem>> -> memref<1x32x256xf32, #tpu.memory_space<vmem>>
    %dma_wait3A_54 = tpu.memref_squeeze %dma_wait3A_53 : memref<1x32x256xf32, #tpu.memory_space<vmem>> -> memref<32x256xf32, #tpu.memory_space<vmem>>
    tpu.wait_dma2 semaphore(%arg11 : memref<!tpu.dma_semaphore, #tpu.memory_space<semaphore_mem>>) src(%dma_wait3A_54 : memref<32x256xf32, #tpu.memory_space<vmem>>) dst(%dma_wait3A_50 : memref<32x256xf32, #tpu.memory_space<hbm>>)
    return
  }
}

module attributes {stable_mosaic.version = 14 : i64} {
  func.func @_table_body(%arg0: i32, %arg1: memref<2000x256xf32, #tpu.memory_space<vmem>>, %arg2: memref<256x256xf32, #tpu.memory_space<vmem>>, %arg3: memref<1x256xf32, #tpu.memory_space<vmem>>, %arg4: memref<256x256xf32, #tpu.memory_space<vmem>>, %arg5: memref<1x256xf32, #tpu.memory_space<vmem>>, %arg6: memref<256x256xf32, #tpu.memory_space<vmem>>, %arg7: memref<1x256xf32, #tpu.memory_space<vmem>>, %arg8: memref<2x2000x256xf32, #tpu.memory_space<vmem>>) attributes {dimension_semantics = [#tpu.dimension_semantics<arbitrary>], iteration_bounds = array<i64: 5>, scalar_prefetch = 0 : i64, scratch_operands = 0 : i64, tpu.core_type = #tpu.core_type<tc>, window_params = [{transform_indices = @transform_0, window_bounds = array<i64: 2000, 256>}, {pipeline_mode = #tpu.pipeline_mode<synchronous>, transform_indices = @transform_1, window_bounds = array<i64: 256, 256>}, {pipeline_mode = #tpu.pipeline_mode<synchronous>, transform_indices = @transform_2, window_bounds = array<i64: 1, 256>}, {pipeline_mode = #tpu.pipeline_mode<synchronous>, transform_indices = @transform_3, window_bounds = array<i64: 256, 256>}, {pipeline_mode = #tpu.pipeline_mode<synchronous>, transform_indices = @transform_4, window_bounds = array<i64: 1, 256>}, {pipeline_mode = #tpu.pipeline_mode<synchronous>, transform_indices = @transform_5, window_bounds = array<i64: 256, 256>}, {pipeline_mode = #tpu.pipeline_mode<synchronous>, transform_indices = @transform_6, window_bounds = array<i64: 1, 256>}, {transform_indices = @transform_7, window_bounds = array<i64: 2, 2000, 256>}]} {
    %get3A = arith.constant 0 : index
    %get3A_0 = arith.constant 0 : index
    %get3A_1 = vector.load %arg1[%get3A, %get3A_0] : memref<2000x256xf32, #tpu.memory_space<vmem>>, vector<2000x256xf32>
    %get3A_2 = arith.constant 0 : index
    %get3A_3 = arith.constant 0 : index
    %get3A_4 = vector.load %arg2[%get3A_2, %get3A_3] : memref<256x256xf32, #tpu.memory_space<vmem>>, vector<256x256xf32>
    %dot_general3A = arith.constant dense<0.000000e+00> : vector<2000x256xf32>
    %dot_general3A_5 = tpu.matmul %get3A_1, %get3A_4, %dot_general3A {dimension_numbers = #tpu.dot_dimension_numbers<[1], [1], [0], [0], [0, 0, 1, 0], [], []>, transpose_lhs_hint = false} : vector<2000x256xf32>, vector<256x256xf32>, vector<2000x256xf32> -> vector<2000x256xf32>
    %get3A_6 = arith.constant 0 : index
    %get3A_7 = arith.constant 0 : index
    %get3A_8 = vector.load %arg3[%get3A_6, %get3A_7] : memref<1x256xf32, #tpu.memory_space<vmem>>, vector<1x256xf32>
    %add3A = vector.broadcast %get3A_8 : vector<1x256xf32> to vector<2000x256xf32>
    %add3A_9 = arith.addf %dot_general3A_5, %add3A : vector<2000x256xf32>
    %get3A_10 = arith.constant 0 : index
    %get3A_11 = arith.constant 0 : index
    %get3A_12 = vector.load %arg4[%get3A_10, %get3A_11] : memref<256x256xf32, #tpu.memory_space<vmem>>, vector<256x256xf32>
    %get3A_13 = arith.constant 0 : index
    %get3A_14 = arith.constant 0 : index
    %get3A_15 = vector.load %arg5[%get3A_13, %get3A_14] : memref<1x256xf32, #tpu.memory_space<vmem>>, vector<1x256xf32>
    %get3A_16 = arith.constant 0 : index
    %get3A_17 = arith.constant 0 : index
    %get3A_18 = vector.load %arg6[%get3A_16, %get3A_17] : memref<256x256xf32, #tpu.memory_space<vmem>>, vector<256x256xf32>
    %get3A_19 = arith.constant 0 : index
    %get3A_20 = arith.constant 0 : index
    %get3A_21 = vector.load %arg7[%get3A_19, %get3A_20] : memref<1x256xf32, #tpu.memory_space<vmem>>, vector<1x256xf32>
    %dot_general3A_22 = arith.constant dense<0.000000e+00> : vector<2000x256xf32>
    %dot_general3A_23 = tpu.matmul %get3A_1, %get3A_12, %dot_general3A_22 {dimension_numbers = #tpu.dot_dimension_numbers<[1], [1], [0], [0], [0, 0, 1, 0], [], []>, transpose_lhs_hint = false} : vector<2000x256xf32>, vector<256x256xf32>, vector<2000x256xf32> -> vector<2000x256xf32>
    %add3A_24 = vector.broadcast %get3A_15 : vector<1x256xf32> to vector<2000x256xf32>
    %add3A_25 = arith.addf %dot_general3A_23, %add3A_24 : vector<2000x256xf32>
    %logistic3A = arith.negf %add3A_25 : vector<2000x256xf32>
    %logistic3A_26 = math.exp %logistic3A : vector<2000x256xf32>
    %logistic3A_27 = arith.constant 1.000000e+00 : f32
    %logistic3A_28 = vector.broadcast %logistic3A_27 : f32 to vector<2000x256xf32>
    %logistic3A_29 = arith.addf %logistic3A_28, %logistic3A_26 : vector<2000x256xf32>
    %logistic3A_30 = arith.divf %logistic3A_28, %logistic3A_29 : vector<2000x256xf32>
    %dot_general3A_31 = arith.constant dense<0.000000e+00> : vector<2000x256xf32>
    %dot_general3A_32 = tpu.matmul %get3A_1, %get3A_18, %dot_general3A_31 {dimension_numbers = #tpu.dot_dimension_numbers<[1], [1], [0], [0], [0, 0, 1, 0], [], []>, transpose_lhs_hint = false} : vector<2000x256xf32>, vector<256x256xf32>, vector<2000x256xf32> -> vector<2000x256xf32>
    %add3A_33 = vector.broadcast %get3A_21 : vector<1x256xf32> to vector<2000x256xf32>
    %add3A_34 = arith.addf %dot_general3A_32, %add3A_33 : vector<2000x256xf32>
    %add3A_35 = arith.addf %logistic3A_30, %add3A_34 : vector<2000x256xf32>
    %mul3A = arith.mulf %add3A_35, %add3A_35 : vector<2000x256xf32>
    %reduce_sum3A = arith.constant dense<0.000000e+00> : vector<2000xf32>
    %reduce_sum3A_36 = vector.multi_reduction <add>, %mul3A, %reduce_sum3A [1] : vector<2000x256xf32> to vector<2000xf32>
    %broadcast_in_dim3A = vector.shape_cast %reduce_sum3A_36 : vector<2000xf32> to vector<2000x1xf32>
    %sqrt3A = math.sqrt %broadcast_in_dim3A : vector<2000x1xf32>
    %add3A_37 = arith.constant 9.99999993E-9 : f32
    %add3A_38 = vector.broadcast %add3A_37 : f32 to vector<2000x1xf32>
    %add3A_39 = arith.addf %sqrt3A, %add3A_38 : vector<2000x1xf32>
    %div3A = vector.broadcast %add3A_39 : vector<2000x1xf32> to vector<2000x256xf32>
    %div3A_40 = arith.divf %add3A_35, %div3A : vector<2000x256xf32>
    %swap3A = arith.constant 0 : index
    %swap3A_41 = arith.constant 0 : index
    %swap3A_42 = arith.constant 0 : index
    %swap3A_43 = vector.load %arg8[%swap3A, %swap3A_41, %swap3A_42] : memref<2x2000x256xf32, #tpu.memory_space<vmem>>, vector<1x2000x256xf32>
    %swap3A_44 = vector.shape_cast %swap3A_43 : vector<1x2000x256xf32> to vector<2000x256xf32>
    %swap3A_45 = vector.shape_cast %div3A_40 : vector<2000x256xf32> to vector<1x2000x256xf32>
    tpu.vector_store %arg8[%swap3A, %swap3A_41, %swap3A_42], %swap3A_45 {strides = array<i32>} : memref<2x2000x256xf32, #tpu.memory_space<vmem>>, vector<1x2000x256xf32>,
    %dot_general3A_46 = arith.constant dense<0.000000e+00> : vector<2000x256xf32>
    %dot_general3A_47 = tpu.matmul %add3A_9, %get3A_12, %dot_general3A_46 {dimension_numbers = #tpu.dot_dimension_numbers<[1], [1], [0], [0], [0, 0, 1, 0], [], []>, transpose_lhs_hint = false} : vector<2000x256xf32>, vector<256x256xf32>, vector<2000x256xf32> -> vector<2000x256xf32>
    %add3A_48 = vector.broadcast %get3A_15 : vector<1x256xf32> to vector<2000x256xf32>
    %add3A_49 = arith.addf %dot_general3A_47, %add3A_48 : vector<2000x256xf32>
    %logistic3A_50 = arith.negf %add3A_49 : vector<2000x256xf32>
    %logistic3A_51 = math.exp %logistic3A_50 : vector<2000x256xf32>
    %logistic3A_52 = arith.constant 1.000000e+00 : f32
    %logistic3A_53 = vector.broadcast %logistic3A_52 : f32 to vector<2000x256xf32>
    %logistic3A_54 = arith.addf %logistic3A_53, %logistic3A_51 : vector<2000x256xf32>
    %logistic3A_55 = arith.divf %logistic3A_53, %logistic3A_54 : vector<2000x256xf32>
    %dot_general3A_56 = arith.constant dense<0.000000e+00> : vector<2000x256xf32>
    %dot_general3A_57 = tpu.matmul %add3A_9, %get3A_18, %dot_general3A_56 {dimension_numbers = #tpu.dot_dimension_numbers<[1], [1], [0], [0], [0, 0, 1, 0], [], []>, transpose_lhs_hint = false} : vector<2000x256xf32>, vector<256x256xf32>, vector<2000x256xf32> -> vector<2000x256xf32>
    %add3A_58 = vector.broadcast %get3A_21 : vector<1x256xf32> to vector<2000x256xf32>
    %add3A_59 = arith.addf %dot_general3A_57, %add3A_58 : vector<2000x256xf32>
    %add3A_60 = arith.addf %logistic3A_55, %add3A_59 : vector<2000x256xf32>
    %mul3A_61 = arith.mulf %add3A_60, %add3A_60 : vector<2000x256xf32>
    %reduce_sum3A_62 = arith.constant dense<0.000000e+00> : vector<2000xf32>
    %reduce_sum3A_63 = vector.multi_reduction <add>, %mul3A_61, %reduce_sum3A_62 [1] : vector<2000x256xf32> to vector<2000xf32>
    %broadcast_in_dim3A_64 = vector.shape_cast %reduce_sum3A_63 : vector<2000xf32> to vector<2000x1xf32>
    %sqrt3A_65 = math.sqrt %broadcast_in_dim3A_64 : vector<2000x1xf32>
    %add3A_66 = arith.constant 9.99999993E-9 : f32
    %add3A_67 = vector.broadcast %add3A_66 : f32 to vector<2000x1xf32>
    %add3A_68 = arith.addf %sqrt3A_65, %add3A_67 : vector<2000x1xf32>
    %div3A_69 = vector.broadcast %add3A_68 : vector<2000x1xf32> to vector<2000x256xf32>
    %div3A_70 = arith.divf %add3A_60, %div3A_69 : vector<2000x256xf32>
    %swap3A_71 = arith.constant 1 : index
    %swap3A_72 = arith.constant 0 : index
    %swap3A_73 = arith.constant 0 : index
    %swap3A_74 = vector.load %arg8[%swap3A_71, %swap3A_72, %swap3A_73] : memref<2x2000x256xf32, #tpu.memory_space<vmem>>, vector<1x2000x256xf32>
    %swap3A_75 = vector.shape_cast %swap3A_74 : vector<1x2000x256xf32> to vector<2000x256xf32>
    %swap3A_76 = vector.shape_cast %div3A_70 : vector<2000x256xf32> to vector<1x2000x256xf32>
    tpu.vector_store %arg8[%swap3A_71, %swap3A_72, %swap3A_73], %swap3A_76 {strides = array<i32>} : memref<2x2000x256xf32, #tpu.memory_space<vmem>>, vector<1x2000x256xf32>,
    return
  }
  func.func @transform_0(%arg0: i32) -> (i32, i32) {
    %c0_i32 = arith.constant 0 : i32
    %c0_i32_0 = arith.constant 0 : i32
    return %arg0, %c0_i32 : i32, i32
  }
  func.func @transform_1(%arg0: i32) -> (i32, i32) {
    %c0_i32 = arith.constant 0 : i32
    %c0_i32_0 = arith.constant 0 : i32
    %c0_i32_1 = arith.constant 0 : i32
    return %c0_i32, %c0_i32_0 : i32, i32
  }
  func.func @transform_2(%arg0: i32) -> (i32, i32) {
    %c0_i32 = arith.constant 0 : i32
    %c0_i32_0 = arith.constant 0 : i32
    %c0_i32_1 = arith.constant 0 : i32
    return %c0_i32, %c0_i32_0 : i32, i32
  }
  func.func @transform_3(%arg0: i32) -> (i32, i32) {
    %c0_i32 = arith.constant 0 : i32
    %c0_i32_0 = arith.constant 0 : i32
    %c0_i32_1 = arith.constant 0 : i32
    return %c0_i32, %c0_i32_0 : i32, i32
  }
  func.func @transform_4(%arg0: i32) -> (i32, i32) {
    %c0_i32 = arith.constant 0 : i32
    %c0_i32_0 = arith.constant 0 : i32
    %c0_i32_1 = arith.constant 0 : i32
    return %c0_i32, %c0_i32_0 : i32, i32
  }
  func.func @transform_5(%arg0: i32) -> (i32, i32) {
    %c0_i32 = arith.constant 0 : i32
    %c0_i32_0 = arith.constant 0 : i32
    %c0_i32_1 = arith.constant 0 : i32
    return %c0_i32, %c0_i32_0 : i32, i32
  }
  func.func @transform_6(%arg0: i32) -> (i32, i32) {
    %c0_i32 = arith.constant 0 : i32
    %c0_i32_0 = arith.constant 0 : i32
    %c0_i32_1 = arith.constant 0 : i32
    return %c0_i32, %c0_i32_0 : i32, i32
  }
  func.func @transform_7(%arg0: i32) -> (i32, i32, i32) {
    %c0_i32 = arith.constant 0 : i32
    %c0_i32_0 = arith.constant 0 : i32
    %c0_i32_1 = arith.constant 0 : i32
    return %c0_i32, %arg0, %c0_i32_0 : i32, i32, i32
  }
}

module attributes {stable_mosaic.version = 14 : i64} {
  func.func @_update_body(%arg0: i32, %arg1: memref<2000x256xf32, #tpu.memory_space<vmem>>, %arg2: memref<2000x256xf32, #tpu.memory_space<vmem>>, %arg3: memref<2000x256xf32, #tpu.memory_space<vmem>>, %arg4: memref<2000x256xf32, #tpu.memory_space<vmem>>, %arg5: memref<2000x256xf32, #tpu.memory_space<vmem>>, %arg6: memref<256x256xf32, #tpu.memory_space<vmem>>, %arg7: memref<1x256xf32, #tpu.memory_space<vmem>>, %arg8: memref<256x256xf32, #tpu.memory_space<vmem>>, %arg9: memref<1x256xf32, #tpu.memory_space<vmem>>, %arg10: memref<256x256xf32, #tpu.memory_space<vmem>>, %arg11: memref<256x256xf32, #tpu.memory_space<vmem>>, %arg12: memref<256x256xf32, #tpu.memory_space<vmem>>, %arg13: memref<256x256xf32, #tpu.memory_space<vmem>>, %arg14: memref<256x256xf32, #tpu.memory_space<vmem>>, %arg15: memref<256x256xf32, #tpu.memory_space<vmem>>, %arg16: memref<2000x256xf32, #tpu.memory_space<vmem>>) attributes {dimension_semantics = [#tpu.dimension_semantics<arbitrary>], iteration_bounds = array<i64: 5>, scalar_prefetch = 0 : i64, scratch_operands = 0 : i64, tpu.core_type = #tpu.core_type<tc>, window_params = [{transform_indices = @transform_0, window_bounds = array<i64: 2000, 256>}, {transform_indices = @transform_1, window_bounds = array<i64: 2000, 256>}, {transform_indices = @transform_2, window_bounds = array<i64: 2000, 256>}, {transform_indices = @transform_3, window_bounds = array<i64: 2000, 256>}, {transform_indices = @transform_4, window_bounds = array<i64: 2000, 256>}, {pipeline_mode = #tpu.pipeline_mode<synchronous>, transform_indices = @transform_5, window_bounds = array<i64: 256, 256>}, {pipeline_mode = #tpu.pipeline_mode<synchronous>, transform_indices = @transform_6, window_bounds = array<i64: 1, 256>}, {pipeline_mode = #tpu.pipeline_mode<synchronous>, transform_indices = @transform_7, window_bounds = array<i64: 256, 256>}, {pipeline_mode = #tpu.pipeline_mode<synchronous>, transform_indices = @transform_8, window_bounds = array<i64: 1, 256>}, {pipeline_mode = #tpu.pipeline_mode<synchronous>, transform_indices = @transform_9, window_bounds = array<i64: 256, 256>}, {pipeline_mode = #tpu.pipeline_mode<synchronous>, transform_indices = @transform_10, window_bounds = array<i64: 256, 256>}, {pipeline_mode = #tpu.pipeline_mode<synchronous>, transform_indices = @transform_11, window_bounds = array<i64: 256, 256>}, {pipeline_mode = #tpu.pipeline_mode<synchronous>, transform_indices = @transform_12, window_bounds = array<i64: 256, 256>}, {pipeline_mode = #tpu.pipeline_mode<synchronous>, transform_indices = @transform_13, window_bounds = array<i64: 256, 256>}, {pipeline_mode = #tpu.pipeline_mode<synchronous>, transform_indices = @transform_14, window_bounds = array<i64: 256, 256>}, {transform_indices = @transform_15, window_bounds = array<i64: 2000, 256>}]} {
    %get3A = arith.constant 0 : index
    %get3A_0 = arith.constant 0 : index
    %get3A_1 = vector.load %arg6[%get3A, %get3A_0] : memref<256x256xf32, #tpu.memory_space<vmem>>, vector<256x256xf32>
    %get3A_2 = arith.constant 0 : index
    %get3A_3 = arith.constant 0 : index
    %get3A_4 = vector.load %arg7[%get3A_2, %get3A_3] : memref<1x256xf32, #tpu.memory_space<vmem>>, vector<1x256xf32>
    %get3A_5 = arith.constant 0 : index
    %get3A_6 = arith.constant 0 : index
    %get3A_7 = vector.load %arg8[%get3A_5, %get3A_6] : memref<256x256xf32, #tpu.memory_space<vmem>>, vector<256x256xf32>
    %get3A_8 = arith.constant 0 : index
    %get3A_9 = arith.constant 0 : index
    %get3A_10 = vector.load %arg9[%get3A_8, %get3A_9] : memref<1x256xf32, #tpu.memory_space<vmem>>, vector<1x256xf32>
    %get3A_11 = arith.constant 0 : index
    %get3A_12 = arith.constant 0 : index
    %get3A_13 = vector.load %arg1[%get3A_11, %get3A_12] : memref<2000x256xf32, #tpu.memory_space<vmem>>, vector<2000x256xf32>
    %dot_general3A = arith.constant dense<0.000000e+00> : vector<2000x256xf32>
    %dot_general3A_14 = tpu.matmul %get3A_13, %get3A_1, %dot_general3A {dimension_numbers = #tpu.dot_dimension_numbers<[1], [1], [0], [0], [0, 0, 1, 0], [], []>, transpose_lhs_hint = false} : vector<2000x256xf32>, vector<256x256xf32>, vector<2000x256xf32> -> vector<2000x256xf32>
    %add3A = vector.broadcast %get3A_4 : vector<1x256xf32> to vector<2000x256xf32>
    %add3A_15 = arith.addf %dot_general3A_14, %add3A : vector<2000x256xf32>
    %logistic3A = arith.negf %add3A_15 : vector<2000x256xf32>
    %logistic3A_16 = math.exp %logistic3A : vector<2000x256xf32>
    %logistic3A_17 = arith.constant 1.000000e+00 : f32
    %logistic3A_18 = vector.broadcast %logistic3A_17 : f32 to vector<2000x256xf32>
    %logistic3A_19 = arith.addf %logistic3A_18, %logistic3A_16 : vector<2000x256xf32>
    %logistic3A_20 = arith.divf %logistic3A_18, %logistic3A_19 : vector<2000x256xf32>
    %dot_general3A_21 = arith.constant dense<0.000000e+00> : vector<2000x256xf32>
    %dot_general3A_22 = tpu.matmul %get3A_13, %get3A_7, %dot_general3A_21 {dimension_numbers = #tpu.dot_dimension_numbers<[1], [1], [0], [0], [0, 0, 1, 0], [], []>, transpose_lhs_hint = false} : vector<2000x256xf32>, vector<256x256xf32>, vector<2000x256xf32> -> vector<2000x256xf32>
    %add3A_23 = vector.broadcast %get3A_10 : vector<1x256xf32> to vector<2000x256xf32>
    %add3A_24 = arith.addf %dot_general3A_22, %add3A_23 : vector<2000x256xf32>
    %add3A_25 = arith.addf %logistic3A_20, %add3A_24 : vector<2000x256xf32>
    %mul3A = arith.mulf %add3A_25, %add3A_25 : vector<2000x256xf32>
    %reduce_sum3A = arith.constant dense<0.000000e+00> : vector<2000xf32>
    %reduce_sum3A_26 = vector.multi_reduction <add>, %mul3A, %reduce_sum3A [1] : vector<2000x256xf32> to vector<2000xf32>
    %broadcast_in_dim3A = vector.shape_cast %reduce_sum3A_26 : vector<2000xf32> to vector<2000x1xf32>
    %sqrt3A = math.sqrt %broadcast_in_dim3A : vector<2000x1xf32>
    %add3A_27 = arith.constant 9.99999993E-9 : f32
    %add3A_28 = vector.broadcast %add3A_27 : f32 to vector<2000x1xf32>
    %add3A_29 = arith.addf %sqrt3A, %add3A_28 : vector<2000x1xf32>
    %div3A = vector.broadcast %add3A_29 : vector<2000x1xf32> to vector<2000x256xf32>
    %div3A_30 = arith.divf %add3A_25, %div3A : vector<2000x256xf32>
    %get3A_31 = arith.constant 0 : index
    %get3A_32 = arith.constant 0 : index
    %get3A_33 = vector.load %arg2[%get3A_31, %get3A_32] : memref<2000x256xf32, #tpu.memory_space<vmem>>, vector<2000x256xf32>
    %dot_general3A_34 = arith.constant dense<0.000000e+00> : vector<2000x256xf32>
    %dot_general3A_35 = tpu.matmul %get3A_33, %get3A_1, %dot_general3A_34 {dimension_numbers = #tpu.dot_dimension_numbers<[1], [1], [0], [0], [0, 0, 1, 0], [], []>, transpose_lhs_hint = false} : vector<2000x256xf32>, vector<256x256xf32>, vector<2000x256xf32> -> vector<2000x256xf32>
    %add3A_36 = vector.broadcast %get3A_4 : vector<1x256xf32> to vector<2000x256xf32>
    %add3A_37 = arith.addf %dot_general3A_35, %add3A_36 : vector<2000x256xf32>
    %logistic3A_38 = arith.negf %add3A_37 : vector<2000x256xf32>
    %logistic3A_39 = math.exp %logistic3A_38 : vector<2000x256xf32>
    %logistic3A_40 = arith.constant 1.000000e+00 : f32
    %logistic3A_41 = vector.broadcast %logistic3A_40 : f32 to vector<2000x256xf32>
    %logistic3A_42 = arith.addf %logistic3A_41, %logistic3A_39 : vector<2000x256xf32>
    %logistic3A_43 = arith.divf %logistic3A_41, %logistic3A_42 : vector<2000x256xf32>
    %dot_general3A_44 = arith.constant dense<0.000000e+00> : vector<2000x256xf32>
    %dot_general3A_45 = tpu.matmul %get3A_33, %get3A_7, %dot_general3A_44 {dimension_numbers = #tpu.dot_dimension_numbers<[1], [1], [0], [0], [0, 0, 1, 0], [], []>, transpose_lhs_hint = false} : vector<2000x256xf32>, vector<256x256xf32>, vector<2000x256xf32> -> vector<2000x256xf32>
    %add3A_46 = vector.broadcast %get3A_10 : vector<1x256xf32> to vector<2000x256xf32>
    %add3A_47 = arith.addf %dot_general3A_45, %add3A_46 : vector<2000x256xf32>
    %add3A_48 = arith.addf %logistic3A_43, %add3A_47 : vector<2000x256xf32>
    %mul3A_49 = arith.mulf %add3A_48, %add3A_48 : vector<2000x256xf32>
    %reduce_sum3A_50 = arith.constant dense<0.000000e+00> : vector<2000xf32>
    %reduce_sum3A_51 = vector.multi_reduction <add>, %mul3A_49, %reduce_sum3A_50 [1] : vector<2000x256xf32> to vector<2000xf32>
    %broadcast_in_dim3A_52 = vector.shape_cast %reduce_sum3A_51 : vector<2000xf32> to vector<2000x1xf32>
    %sqrt3A_53 = math.sqrt %broadcast_in_dim3A_52 : vector<2000x1xf32>
    %add3A_54 = arith.constant 9.99999993E-9 : f32
    %add3A_55 = vector.broadcast %add3A_54 : f32 to vector<2000x1xf32>
    %add3A_56 = arith.addf %sqrt3A_53, %add3A_55 : vector<2000x1xf32>
    %div3A_57 = vector.broadcast %add3A_56 : vector<2000x1xf32> to vector<2000x256xf32>
    %div3A_58 = arith.divf %add3A_48, %div3A_57 : vector<2000x256xf32>
    %add3A_59 = arith.addf %div3A_30, %div3A_58 : vector<2000x256xf32>
    %get3A_60 = arith.constant 0 : index
    %get3A_61 = arith.constant 0 : index
    %get3A_62 = vector.load %arg3[%get3A_60, %get3A_61] : memref<2000x256xf32, #tpu.memory_space<vmem>>, vector<2000x256xf32>
    %dot_general3A_63 = arith.constant dense<0.000000e+00> : vector<2000x256xf32>
    %dot_general3A_64 = tpu.matmul %get3A_62, %get3A_1, %dot_general3A_63 {dimension_numbers = #tpu.dot_dimension_numbers<[1], [1], [0], [0], [0, 0, 1, 0], [], []>, transpose_lhs_hint = false} : vector<2000x256xf32>, vector<256x256xf32>, vector<2000x256xf32> -> vector<2000x256xf32>
    %add3A_65 = vector.broadcast %get3A_4 : vector<1x256xf32> to vector<2000x256xf32>
    %add3A_66 = arith.addf %dot_general3A_64, %add3A_65 : vector<2000x256xf32>
    %logistic3A_67 = arith.negf %add3A_66 : vector<2000x256xf32>
    %logistic3A_68 = math.exp %logistic3A_67 : vector<2000x256xf32>
    %logistic3A_69 = arith.constant 1.000000e+00 : f32
    %logistic3A_70 = vector.broadcast %logistic3A_69 : f32 to vector<2000x256xf32>
    %logistic3A_71 = arith.addf %logistic3A_70, %logistic3A_68 : vector<2000x256xf32>
    %logistic3A_72 = arith.divf %logistic3A_70, %logistic3A_71 : vector<2000x256xf32>
    %dot_general3A_73 = arith.constant dense<0.000000e+00> : vector<2000x256xf32>
    %dot_general3A_74 = tpu.matmul %get3A_62, %get3A_7, %dot_general3A_73 {dimension_numbers = #tpu.dot_dimension_numbers<[1], [1], [0], [0], [0, 0, 1, 0], [], []>, transpose_lhs_hint = false} : vector<2000x256xf32>, vector<256x256xf32>, vector<2000x256xf32> -> vector<2000x256xf32>
    %add3A_75 = vector.broadcast %get3A_10 : vector<1x256xf32> to vector<2000x256xf32>
    %add3A_76 = arith.addf %dot_general3A_74, %add3A_75 : vector<2000x256xf32>
    %add3A_77 = arith.addf %logistic3A_72, %add3A_76 : vector<2000x256xf32>
    %mul3A_78 = arith.mulf %add3A_77, %add3A_77 : vector<2000x256xf32>
    %reduce_sum3A_79 = arith.constant dense<0.000000e+00> : vector<2000xf32>
    %reduce_sum3A_80 = vector.multi_reduction <add>, %mul3A_78, %reduce_sum3A_79 [1] : vector<2000x256xf32> to vector<2000xf32>
    %broadcast_in_dim3A_81 = vector.shape_cast %reduce_sum3A_80 : vector<2000xf32> to vector<2000x1xf32>
    %sqrt3A_82 = math.sqrt %broadcast_in_dim3A_81 : vector<2000x1xf32>
    %add3A_83 = arith.constant 9.99999993E-9 : f32
    %add3A_84 = vector.broadcast %add3A_83 : f32 to vector<2000x1xf32>
    %add3A_85 = arith.addf %sqrt3A_82, %add3A_84 : vector<2000x1xf32>
    %div3A_86 = vector.broadcast %add3A_85 : vector<2000x1xf32> to vector<2000x256xf32>
    %div3A_87 = arith.divf %add3A_77, %div3A_86 : vector<2000x256xf32>
    %add3A_88 = arith.addf %add3A_59, %div3A_87 : vector<2000x256xf32>
    %get3A_89 = arith.constant 0 : index
    %get3A_90 = arith.constant 0 : index
    %get3A_91 = vector.load %arg4[%get3A_89, %get3A_90] : memref<2000x256xf32, #tpu.memory_space<vmem>>, vector<2000x256xf32>
    %dot_general3A_92 = arith.constant dense<0.000000e+00> : vector<2000x256xf32>
    %dot_general3A_93 = tpu.matmul %get3A_91, %get3A_1, %dot_general3A_92 {dimension_numbers = #tpu.dot_dimension_numbers<[1], [1], [0], [0], [0, 0, 1, 0], [], []>, transpose_lhs_hint = false} : vector<2000x256xf32>, vector<256x256xf32>, vector<2000x256xf32> -> vector<2000x256xf32>
    %add3A_94 = vector.broadcast %get3A_4 : vector<1x256xf32> to vector<2000x256xf32>
    %add3A_95 = arith.addf %dot_general3A_93, %add3A_94 : vector<2000x256xf32>
    %logistic3A_96 = arith.negf %add3A_95 : vector<2000x256xf32>
    %logistic3A_97 = math.exp %logistic3A_96 : vector<2000x256xf32>
    %logistic3A_98 = arith.constant 1.000000e+00 : f32
    %logistic3A_99 = vector.broadcast %logistic3A_98 : f32 to vector<2000x256xf32>
    %logistic3A_100 = arith.addf %logistic3A_99, %logistic3A_97 : vector<2000x256xf32>
    %logistic3A_101 = arith.divf %logistic3A_99, %logistic3A_100 : vector<2000x256xf32>
    %dot_general3A_102 = arith.constant dense<0.000000e+00> : vector<2000x256xf32>
    %dot_general3A_103 = tpu.matmul %get3A_91, %get3A_7, %dot_general3A_102 {dimension_numbers = #tpu.dot_dimension_numbers<[1], [1], [0], [0], [0, 0, 1, 0], [], []>, transpose_lhs_hint = false} : vector<2000x256xf32>, vector<256x256xf32>, vector<2000x256xf32> -> vector<2000x256xf32>
    %add3A_104 = vector.broadcast %get3A_10 : vector<1x256xf32> to vector<2000x256xf32>
    %add3A_105 = arith.addf %dot_general3A_103, %add3A_104 : vector<2000x256xf32>
    %add3A_106 = arith.addf %logistic3A_101, %add3A_105 : vector<2000x256xf32>
    %mul3A_107 = arith.mulf %add3A_106, %add3A_106 : vector<2000x256xf32>
    %reduce_sum3A_108 = arith.constant dense<0.000000e+00> : vector<2000xf32>
    %reduce_sum3A_109 = vector.multi_reduction <add>, %mul3A_107, %reduce_sum3A_108 [1] : vector<2000x256xf32> to vector<2000xf32>
    %broadcast_in_dim3A_110 = vector.shape_cast %reduce_sum3A_109 : vector<2000xf32> to vector<2000x1xf32>
    %sqrt3A_111 = math.sqrt %broadcast_in_dim3A_110 : vector<2000x1xf32>
    %add3A_112 = arith.constant 9.99999993E-9 : f32
    %add3A_113 = vector.broadcast %add3A_112 : f32 to vector<2000x1xf32>
    %add3A_114 = arith.addf %sqrt3A_111, %add3A_113 : vector<2000x1xf32>
    %div3A_115 = vector.broadcast %add3A_114 : vector<2000x1xf32> to vector<2000x256xf32>
    %div3A_116 = arith.divf %add3A_106, %div3A_115 : vector<2000x256xf32>
    %add3A_117 = arith.addf %add3A_88, %div3A_116 : vector<2000x256xf32>
    %get3A_118 = arith.constant 0 : index
    %get3A_119 = arith.constant 0 : index
    %get3A_120 = vector.load %arg5[%get3A_118, %get3A_119] : memref<2000x256xf32, #tpu.memory_space<vmem>>, vector<2000x256xf32>
    %get3A_121 = arith.constant 0 : index
    %get3A_122 = arith.constant 0 : index
    %get3A_123 = vector.load %arg10[%get3A_121, %get3A_122] : memref<256x256xf32, #tpu.memory_space<vmem>>, vector<256x256xf32>
    %dot_general3A_124 = arith.constant dense<0.000000e+00> : vector<2000x256xf32>
    %dot_general3A_125 = tpu.matmul %add3A_117, %get3A_123, %dot_general3A_124 {dimension_numbers = #tpu.dot_dimension_numbers<[1], [1], [0], [0], [0, 0, 1, 0], [], []>, transpose_lhs_hint = false} : vector<2000x256xf32>, vector<256x256xf32>, vector<2000x256xf32> -> vector<2000x256xf32>
    %get3A_126 = arith.constant 0 : index
    %get3A_127 = arith.constant 0 : index
    %get3A_128 = vector.load %arg11[%get3A_126, %get3A_127] : memref<256x256xf32, #tpu.memory_space<vmem>>, vector<256x256xf32>
    %dot_general3A_129 = arith.constant dense<0.000000e+00> : vector<2000x256xf32>
    %dot_general3A_130 = tpu.matmul %get3A_120, %get3A_128, %dot_general3A_129 {dimension_numbers = #tpu.dot_dimension_numbers<[1], [1], [0], [0], [0, 0, 1, 0], [], []>, transpose_lhs_hint = false} : vector<2000x256xf32>, vector<256x256xf32>, vector<2000x256xf32> -> vector<2000x256xf32>
    %add3A_131 = arith.addf %dot_general3A_125, %dot_general3A_130 : vector<2000x256xf32>
    %logistic3A_132 = arith.negf %add3A_131 : vector<2000x256xf32>
    %logistic3A_133 = math.exp %logistic3A_132 : vector<2000x256xf32>
    %logistic3A_134 = arith.constant 1.000000e+00 : f32
    %logistic3A_135 = vector.broadcast %logistic3A_134 : f32 to vector<2000x256xf32>
    %logistic3A_136 = arith.addf %logistic3A_135, %logistic3A_133 : vector<2000x256xf32>
    %logistic3A_137 = arith.divf %logistic3A_135, %logistic3A_136 : vector<2000x256xf32>
    %get3A_138 = arith.constant 0 : index
    %get3A_139 = arith.constant 0 : index
    %get3A_140 = vector.load %arg12[%get3A_138, %get3A_139] : memref<256x256xf32, #tpu.memory_space<vmem>>, vector<256x256xf32>
    %dot_general3A_141 = arith.constant dense<0.000000e+00> : vector<2000x256xf32>
    %dot_general3A_142 = tpu.matmul %add3A_117, %get3A_140, %dot_general3A_141 {dimension_numbers = #tpu.dot_dimension_numbers<[1], [1], [0], [0], [0, 0, 1, 0], [], []>, transpose_lhs_hint = false} : vector<2000x256xf32>, vector<256x256xf32>, vector<2000x256xf32> -> vector<2000x256xf32>
    %get3A_143 = arith.constant 0 : index
    %get3A_144 = arith.constant 0 : index
    %get3A_145 = vector.load %arg13[%get3A_143, %get3A_144] : memref<256x256xf32, #tpu.memory_space<vmem>>, vector<256x256xf32>
    %dot_general3A_146 = arith.constant dense<0.000000e+00> : vector<2000x256xf32>
    %dot_general3A_147 = tpu.matmul %get3A_120, %get3A_145, %dot_general3A_146 {dimension_numbers = #tpu.dot_dimension_numbers<[1], [1], [0], [0], [0, 0, 1, 0], [], []>, transpose_lhs_hint = false} : vector<2000x256xf32>, vector<256x256xf32>, vector<2000x256xf32> -> vector<2000x256xf32>
    %add3A_148 = arith.addf %dot_general3A_142, %dot_general3A_147 : vector<2000x256xf32>
    %logistic3A_149 = arith.negf %add3A_148 : vector<2000x256xf32>
    %logistic3A_150 = math.exp %logistic3A_149 : vector<2000x256xf32>
    %logistic3A_151 = arith.constant 1.000000e+00 : f32
    %logistic3A_152 = vector.broadcast %logistic3A_151 : f32 to vector<2000x256xf32>
    %logistic3A_153 = arith.addf %logistic3A_152, %logistic3A_150 : vector<2000x256xf32>
    %logistic3A_154 = arith.divf %logistic3A_152, %logistic3A_153 : vector<2000x256xf32>
    %get3A_155 = arith.constant 0 : index
    %get3A_156 = arith.constant 0 : index
    %get3A_157 = vector.load %arg14[%get3A_155, %get3A_156] : memref<256x256xf32, #tpu.memory_space<vmem>>, vector<256x256xf32>
    %dot_general3A_158 = arith.constant dense<0.000000e+00> : vector<2000x256xf32>
    %dot_general3A_159 = tpu.matmul %add3A_117, %get3A_157, %dot_general3A_158 {dimension_numbers = #tpu.dot_dimension_numbers<[1], [1], [0], [0], [0, 0, 1, 0], [], []>, transpose_lhs_hint = false} : vector<2000x256xf32>, vector<256x256xf32>, vector<2000x256xf32> -> vector<2000x256xf32>
    %mul3A_160 = arith.mulf %logistic3A_154, %get3A_120 : vector<2000x256xf32>
    %get3A_161 = arith.constant 0 : index
    %get3A_162 = arith.constant 0 : index
    %get3A_163 = vector.load %arg15[%get3A_161, %get3A_162] : memref<256x256xf32, #tpu.memory_space<vmem>>, vector<256x256xf32>
    %dot_general3A_164 = arith.constant dense<0.000000e+00> : vector<2000x256xf32>
    %dot_general3A_165 = tpu.matmul %mul3A_160, %get3A_163, %dot_general3A_164 {dimension_numbers = #tpu.dot_dimension_numbers<[1], [1], [0], [0], [0, 0, 1, 0], [], []>, transpose_lhs_hint = false} : vector<2000x256xf32>, vector<256x256xf32>, vector<2000x256xf32> -> vector<2000x256xf32>
    %add3A_166 = arith.addf %dot_general3A_159, %dot_general3A_165 : vector<2000x256xf32>
    %tanh3A = math.tanh %add3A_166 : vector<2000x256xf32>
    %sub3A = arith.constant 1.000000e+00 : f32
    %sub3A_167 = vector.broadcast %sub3A : f32 to vector<2000x256xf32>
    %sub3A_168 = arith.subf %sub3A_167, %logistic3A_137 : vector<2000x256xf32>
    %mul3A_169 = arith.mulf %sub3A_168, %get3A_120 : vector<2000x256xf32>
    %mul3A_170 = arith.mulf %logistic3A_137, %tanh3A : vector<2000x256xf32>
    %add3A_171 = arith.addf %mul3A_169, %mul3A_170 : vector<2000x256xf32>
    %swap3A = arith.constant 0 : index
    %swap3A_172 = arith.constant 0 : index
    %swap3A_173 = vector.load %arg16[%swap3A, %swap3A_172] : memref<2000x256xf32, #tpu.memory_space<vmem>>, vector<2000x256xf32>
    tpu.vector_store %arg16[%swap3A, %swap3A_172], %add3A_171 {strides = array<i32>} : memref<2000x256xf32, #tpu.memory_space<vmem>>, vector<2000x256xf32>,
    return
  }
  func.func @transform_0(%arg0: i32) -> (i32, i32) {
    %add3A = arith.constant 0 : i32
    %add3A_0 = arith.addi %add3A, %arg0 : i32
    %c0_i32 = arith.constant 0 : i32
    %c0_i32_1 = arith.constant 0 : i32
    return %add3A_0, %c0_i32 : i32, i32
  }
  func.func @transform_1(%arg0: i32) -> (i32, i32) {
    %add3A = arith.constant 5 : i32
    %add3A_0 = arith.addi %add3A, %arg0 : i32
    %c0_i32 = arith.constant 0 : i32
    %c0_i32_1 = arith.constant 0 : i32
    return %add3A_0, %c0_i32 : i32, i32
  }
  func.func @transform_2(%arg0: i32) -> (i32, i32) {
    %add3A = arith.constant 10 : i32
    %add3A_0 = arith.addi %add3A, %arg0 : i32
    %c0_i32 = arith.constant 0 : i32
    %c0_i32_1 = arith.constant 0 : i32
    return %add3A_0, %c0_i32 : i32, i32
  }
  func.func @transform_3(%arg0: i32) -> (i32, i32) {
    %add3A = arith.constant 15 : i32
    %add3A_0 = arith.addi %add3A, %arg0 : i32
    %c0_i32 = arith.constant 0 : i32
    %c0_i32_1 = arith.constant 0 : i32
    return %add3A_0, %c0_i32 : i32, i32
  }
  func.func @transform_4(%arg0: i32) -> (i32, i32) {
    %c0_i32 = arith.constant 0 : i32
    %c0_i32_0 = arith.constant 0 : i32
    return %arg0, %c0_i32 : i32, i32
  }
  func.func @transform_5(%arg0: i32) -> (i32, i32) {
    %c0_i32 = arith.constant 0 : i32
    %c0_i32_0 = arith.constant 0 : i32
    %c0_i32_1 = arith.constant 0 : i32
    return %c0_i32, %c0_i32_0 : i32, i32
  }
  func.func @transform_6(%arg0: i32) -> (i32, i32) {
    %c0_i32 = arith.constant 0 : i32
    %c0_i32_0 = arith.constant 0 : i32
    %c0_i32_1 = arith.constant 0 : i32
    return %c0_i32, %c0_i32_0 : i32, i32
  }
  func.func @transform_7(%arg0: i32) -> (i32, i32) {
    %c0_i32 = arith.constant 0 : i32
    %c0_i32_0 = arith.constant 0 : i32
    %c0_i32_1 = arith.constant 0 : i32
    return %c0_i32, %c0_i32_0 : i32, i32
  }
  func.func @transform_8(%arg0: i32) -> (i32, i32) {
    %c0_i32 = arith.constant 0 : i32
    %c0_i32_0 = arith.constant 0 : i32
    %c0_i32_1 = arith.constant 0 : i32
    return %c0_i32, %c0_i32_0 : i32, i32
  }
  func.func @transform_9(%arg0: i32) -> (i32, i32) {
    %c0_i32 = arith.constant 0 : i32
    %c0_i32_0 = arith.constant 0 : i32
    %c0_i32_1 = arith.constant 0 : i32
    return %c0_i32, %c0_i32_0 : i32, i32
  }
  func.func @transform_10(%arg0: i32) -> (i32, i32) {
    %c0_i32 = arith.constant 0 : i32
    %c0_i32_0 = arith.constant 0 : i32
    %c0_i32_1 = arith.constant 0 : i32
    return %c0_i32, %c0_i32_0 : i32, i32
  }
  func.func @transform_11(%arg0: i32) -> (i32, i32) {
    %c0_i32 = arith.constant 0 : i32
    %c0_i32_0 = arith.constant 0 : i32
    %c0_i32_1 = arith.constant 0 : i32
    return %c0_i32, %c0_i32_0 : i32, i32
  }
  func.func @transform_12(%arg0: i32) -> (i32, i32) {
    %c0_i32 = arith.constant 0 : i32
    %c0_i32_0 = arith.constant 0 : i32
    %c0_i32_1 = arith.constant 0 : i32
    return %c0_i32, %c0_i32_0 : i32, i32
  }
  func.func @transform_13(%arg0: i32) -> (i32, i32) {
    %c0_i32 = arith.constant 0 : i32
    %c0_i32_0 = arith.constant 0 : i32
    %c0_i32_1 = arith.constant 0 : i32
    return %c0_i32, %c0_i32_0 : i32, i32
  }
  func.func @transform_14(%arg0: i32) -> (i32, i32) {
    %c0_i32 = arith.constant 0 : i32
    %c0_i32_0 = arith.constant 0 : i32
    %c0_i32_1 = arith.constant 0 : i32
    return %c0_i32, %c0_i32_0 : i32, i32
  }
  func.func @transform_15(%arg0: i32) -> (i32, i32) {
    %c0_i32 = arith.constant 0 : i32
    %c0_i32_0 = arith.constant 0 : i32
    return %arg0, %c0_i32 : i32, i32
  }
}

</mosaic_0001>

<sc_bundles>
// kernel: kernel.5.cloned.1.call-start
scs
__scs_entry_jumppad:
0x0: {  	(pc) =	sbr.rel $0x88, $3  }
0x1: {  	(tag) =	ssettag $0x0;
	lr =	simm.s32 $0x1  }
0x2: {  	[smem:$0x3F8F] =	sst lr;
	_ =	strace $0xD0000000  }
0x3: {  	_ = 	snop  }
0x4: {  	_ = 	snop  }
0x5: {  	_ = 	snop  }
0x6: {  	_ = 	snop  }
0x7: {  	_ = 	snop  }
__scs_overlays_trampoline_lowered:
0x8: {  	[smem:$0x3F9E] =	sst s0  }
0x9: {  	[smem:$0x3F9F] =	sst s1  }
0xa: {  	[smem:$0x3FA0] =	sst s2  }
0xb: {  	[smem:$0x3FA1] =	sst s3  }
0xc: {  	[smem:$0x3FA2] =	sst s4  }
0xd: {  	[smem:$0x3FA3] =	sst s5  }
0xe: {  	[smem:$0x3FA4] =	sst s6  }
0xf: {  	[smem:$0x3FA5] =	sst s7  }
0x10: {  	[smem:$0x3FA6] =	sst s8  }
0x11: {  	[smem:$0x3FA7] =	sst s9;
	s0 =	simm.s32 @!p0 $0x0  }
0x12: {  	s1 =	sld [smem:$0x3F8D];
	s0 =	simm.s32 @p0 $0x1  }
0x13: {  	[smem:$0x3FA8] =	sst s0;
	s0 =	simm.s32 @!p1 $0x0  }
0x14: {  	s2 =	sld [smem:$0x3F8C];
	s0 =	simm.s32 @p1 $0x1  }
0x15: {  	[smem:$0x3FA9] =	sst s0;
	s0 =	simm.s32 @!p2 $0x0  }
0x16: {  	s3 =	sld [smem:$0x3FDB];
	s0 =	simm.s32 @p2 $0x1  }
0x17: {  	s4 =	simm.s32 $0x1BF5;
	[smem:$0x3FAB] =	sst s0  }
0x18: {  	s0 =	sld [smem:$0x3F8E];
	_ =	swait.ge [sflag:s4], $0x0  }
0x19: {  	s7 =	sld [smem:$0x3F8F]  }
0x1a: {  	s8 =	sadd.s32 $0xFFFFE003, lr  }
0x1b: {  	s9 =	sadd.s32 $0xFFFFFEF7, lr;
	s5 =	simm.s32 $0xFFFFFFFF;
	p2 =	slt.u32 s8, $0xFFFFF086  }
0x1c: {  	p1 =	slt.u32 s9, $0xF7A;
	s5 =	simm.s32 @!p2 $0x0  }
0x1d: {  	s5 =	simm.s32 @p1 $0x1;
	p0 =	seq.s32 s7, s2  }
0x1e: {  	s7 =	smul.u32 @!p0 $0xF7A, s2;
	p2 =	seq.s32 @!p0 s5, $0x0  }
0x1f: {  	s9 =	smul.u32 $0xF7A, s1;
	s8 =	simm.s32 @!p0 $0x1BF5;
	p2 =	por !p2, p0  }
0x20: {  	[sflag:s8] =	ssyncset.s32 @!p0 $0xFFFFF086;
	s6 =	sadd.s32 @!p0 s3, s7;
	s7 =	simm.s32 @!p0 $0x108  }
0x21: {  	s3 =	sadd.s32 s3, s9;
	s6 =	sadd.s32 @!p0 $0x88, s6;
	s7 =	simm.s32 @p2 $0x1082  }
0x22: {  	[simem:s7], [sflag:s8] =	dma.local @!p0 [hbm:s6], $0xF7A  }
0x23: {  	s9 =	sor.u32 $0xD0000000, s2;
	s6 =	simm.s32 $0x108;
	_ =	swait.ge @!p0 [sflag:s8], $0x0  }
0x24: {  	s3 =	sadd.s32 $0x88, s3;
	s6 =	simm.s32 @!p1 $0x1082;
	[sflag:s4] =	ssyncset.s32 $0xFFFFF086  }
0x25: {  	[simem:s6], [sflag:s4] =	dma.local [hbm:s3], $0xF7A  }
0x26: {  	[smem:$0x3F8F] =	sst s1;
	(tag) =	ssettag s2;
	_ =	strace s9  }
0x27: {  	s1 =	sld [smem:$0x3F9F]  }
0x28: {  	s2 =	sld [smem:$0x3FA0]  }
0x29: {  	s4 =	sld [smem:$0x3FA2]  }
0x2a: {  	p0 =	seq.s32 s5, $0x0;
	s5 =	sld [smem:$0x3FA3]  }
0x2b: {  	s6 =	sld [smem:$0x3FA4]  }
0x2c: {  	s7 =	sld [smem:$0x3FA5]  }
0x2d: {  	s3 =	simm.s32 $0x108;
	s8 =	sld [smem:$0x3FA6]  }
0x2e: {  	s3 =	simm.s32 @!p0 $0x1082;
	s9 =	sld [smem:$0x3FA7]  }
0x2f: {  	lr =	sadd.s32 s0, s3;
	s0 =	sld [smem:$0x3F9E]  }
0x30: {  	s3 =	sld [smem:$0x3FA1]  }
0x31: {  	[smem:$0x3FAA] =	sst s10  }
0x32: {  	s10 =	sld [smem:$0x3FA8];
	_ =	sdelay $0x3  }
0x33: {  	p0 =	seq.s32 s10, $0x1;
	s10 =	sld [smem:$0x3FAA];
	_ =	sdelay $0x3  }
0x34: {  	[smem:$0x3FAA] =	sst s10  }
0x35: {  	s10 =	sld [smem:$0x3FA9];
	_ =	sdelay $0x3  }
0x36: {  	p1 =	seq.s32 s10, $0x1;
	s10 =	sld [smem:$0x3FAA];
	_ =	sdelay $0x3  }
0x37: {  	[smem:$0x3FAA] =	sst s10  }
0x38: {  	s10 =	sld [smem:$0x3FAB]  }
0x39: {  	_ = 	snop;
	(pc) =	sbr.ind lr, $3  }
0x3a: {  	_ = 	snop  }
0x3b: {  	_ = 	snop  }
0x3c: {  	p2 =	seq.s32 s10, $0x1;
	s10 =	sld [smem:$0x3FAA]  }
0x3d: {  	_ =	shalt  }
0x3e: {  	_ =	shalt  }
0x3f: {  	_ =	shalt  }
0x40: {  	_ =	shalt  }
0x41: {  	_ =	shalt  }
0x42: {  	_ =	shalt  }
0x43: {  	_ =	shalt  }
0x44: {  	_ =	shalt  }
0x45: {  	_ =	shalt  }
0x46: {  	_ =	shalt  }
0x47: {  	_ =	shalt  }
0x48: {  	_ =	shalt  }
0x49: {  	_ =	shalt  }
0x4a: {  	_ =	shalt  }
0x4b: {  	_ =	shalt  }
0x4c: {  	_ =	shalt  }
0x4d: {  	_ =	shalt  }
0x4e: {  	_ =	shalt  }
0x4f: {  	_ =	shalt  }
0x50: {  	_ =	shalt  }
0x51: {  	_ =	shalt  }
0x52: {  	_ =	shalt  }
0x53: {  	_ =	shalt  }
0x54: {  	_ =	shalt  }
0x55: {  	_ =	shalt  }
0x56: {  	_ =	shalt  }
0x57: {  	_ =	shalt  }
0x58: {  	_ =	shalt  }
0x59: {  	_ =	shalt  }
0x5a: {  	_ =	shalt  }
0x5b: {  	_ =	shalt  }
0x5c: {  	_ =	shalt  }
0x5d: {  	_ =	shalt  }
0x5e: {  	_ =	shalt  }
0x5f: {  	_ =	shalt  }
0x60: {  	_ =	shalt  }
0x61: {  	_ =	shalt  }
0x62: {  	_ =	shalt  }
0x63: {  	_ =	shalt  }
0x64: {  	_ =	shalt  }
0x65: {  	_ =	shalt  }
0x66: {  	_ =	shalt  }
0x67: {  	_ =	shalt  }
0x68: {  	_ =	shalt  }
0x69: {  	_ =	shalt  }
0x6a: {  	_ =	shalt  }
0x6b: {  	_ =	shalt  }
0x6c: {  	_ =	shalt  }
0x6d: {  	_ =	shalt  }
0x6e: {  	_ =	shalt  }
0x6f: {  	_ =	shalt  }
0x70: {  	_ =	shalt  }
0x71: {  	_ =	shalt  }
0x72: {  	_ =	shalt  }
0x73: {  	_ =	shalt  }
0x74: {  	_ =	shalt  }
0x75: {  	_ =	shalt  }
0x76: {  	_ =	shalt  }
0x77: {  	_ =	shalt  }
0x78: {  	_ =	shalt  }
0x79: {  	_ =	shalt  }
0x7a: {  	_ =	shalt  }
0x7b: {  	_ =	shalt  }
0x7c: {  	_ =	shalt  }
0x7d: {  	_ =	shalt  }
0x7e: {  	_ =	shalt  }
0x7f: {  	_ =	shalt  }
0x80: {  	_ =	shalt  }
0x81: {  	_ =	shalt  }
0x82: {  	_ =	shalt  }
0x83: {  	_ =	shalt  }
0x84: {  	_ =	shalt  }
0x85: {  	_ =	shalt  }
0x86: {  	_ =	shalt  }
0x87: {  	_ =	shalt  }
.Lfunc_end0:
.L_simem_size_0:
called_computation_lowered:
.L_overlay_start_0:
0x88: {  	s2 =	sld [smem:$0x3FD9]  }
0x89: {  	s3 =	sld [smem:$0x3FFE];
	_ =	sdelay $0x1  }
0x8a: {  	s1 =	srdreg.scid  }
0x8b: {  	s0 =	sand.u32 $0x1, s1  }
0x8c: {  	s17 =	sshll.u32 s0, $0xA;
	s2 =	sadd.s32 s3, s2  }
0x8d: {  	s2 =	sadd.s32 s2, s17  }
0x8e: {  	[smem:$0x3FB6] =	sst s2  }
0x8f: {  	_ = 	snop  }
0x90: {  	s2 =	sld [smem:$0x3FD0];
	(tm) =	ssettm $0x1  }
0x91: {  	s18 =	sld [smem:$0x3FFB];
	_ =	sdelay $0x3  }
0x92: {  	_ =	strace s18  }
0x93: {  	s3 =	sld [smem:$0x3FFC];
	_ =	sdelay $0x3  }
0x94: {  	_ =	strace s3  }
0x95: {  	s3 =	sld [smem:$0x3FFD];
	_ =	sdelay $0x3  }
0x96: {  	_ =	strace s3  }
0x97: {  	_ =	strace $0x8FFFFFFF  }
0x98: {  	s19 =	sld [smem:$0x3FDB];
	_ =	sdelay $0x1  }
0x99: {  	s4 =	simm.s32 $_scs_section_size  }
0x9a: {  	s5 =	simm.s32 $_size__tile_overlayer_lowered;
	s6 =	simm.s32 $_tile_overlayer_lowered  }
0x9b: {  	s22 =	simm.s32 $0x1BFF;
	s21 =	sshll.u32 s6, $0x1;
	s3 =	sadd.s32 s4, s19  }
0x9c: {  	s7 =	simm.s32 $0x0;
	s20 =	sshll.u32 s5, $0x1;
	s5 =	sadd.s32 s21, s3  }
0x9d: {  	[timem:s7], [sflag:s22] =	dma.local [hbm:s5], s20  }
0x9e: {  	_ =	swait.ge [sflag:s22], s20  }
0x9f: {  	s4 =	ssub.s32 $0x0, s20;
	[sflag:s22] =	ssyncset.done $0x0  }
0xa0: {  	[sflag:s22] =	ssyncadd.s32 s4;
	_ =	sdelay $0x1  }
0xa1: {  	s23 =	simm.s32 $0x1B8B  }
0xa2: {  	_ =	swait.ge [sflag:s23], $0x1  }
0xa3: {  	[sflag:s23] =	ssyncset.done $0x0  }
0xa4: {  	s25 =	simm.s32 $0x1B8E;
	s24 =	sld [smem:$0x3FFE];
	[sflag:s23] =	ssyncadd.s32 $0xFFFFFFFF  }
0xa5: {  	s26 =	simm.s32 $execute0_lowered;
	[smem:$0x3FD2] =	sst s25  }
0xa6: {  	s5 =	sshll.u32 s26, $0x1;
	_ =	strace $0x80000046;
	[dreg:$0x1] =	wrdreg $0xFFFFFFFF  }
0xa7: {  	s28 =	simm.s32 $_size_execute0_lowered;
	s3 =	sadd.s32 s3, s5;
	[dreg:$0x0] =	wrdreg $0x0  }
0xa8: {  	s5 =	sshll.u32 s28, $0x1;
	[dreg:$0x2] =	wrdreg s3  }
0xa9: {  	[dreg:$0x3] =	wrdreg s5  }
0xaa: {  	[dreg:$0x4] =	wrdreg $0xC0  }
0xab: {  	_ =	task [dreg:s7], $0x5FFFF  }
0xac: {  	[dreg:$0x1] =	wrdreg $0xFFFFFFFF  }
0xad: {  	[dreg:$0x0] =	wrdreg $0x60  }
0xae: {  	[dreg:$0x2] =	wrdreg s24  }
0xaf: {  	[dreg:$0x3] =	wrdreg s2  }
0xb0: {  	[dreg:$0x4] =	wrdreg $0x9  }
0xb1: {  	_ =	task.clear_ibuf [dreg:s7], $0x5FFFF;
	_ =	strace $0x90000046  }
0xb2: {  	s29 =	simm.s32 $0x9;
	_ =	strace $0x80000048  }
0xb3: {  	_ =	swait.ge [sflag:s29], $0x1  }
0xb4: {  	[sflag:s29] =	ssyncadd.s32 $0xFFFFFFFF  }
0xb5: {  	_ =	strace $0x90000048  }
0xb6: {  	_ =	sfence  }
0xb7: {  	s30 =	sld [smem:$0x0];
	_ =	sdelay $0x2  }
0xb8: {  	s31 =	sshll.u32 s1, $0xD;
	s1 =	sshrl.u32 s1, $0x2  }
0xb9: {  	s3 =	sand.u32 $0x4000, s31;
	s1 =	sadd.s32 s1, s30  }
0xba: {  	s0 =	sor.u32 s3, s0;
	s1 =	sshll.u32 s1, $0x11  }
0xbb: {  	s0 =	sor.u32 s1, s0  }
0xbc: {  	s0 =	sadd.s32 $0x8F2B, s0  }
0xbd: {  	[sflag:s0] =	ssyncadd.remote.s32 $0x1  }
0xbe: {  	_ =	sfence.sel $0xFFFF  }
0xbf: {  	[dreg:$0x0] =	wrdreg $0xFFFFFFFF;
	(pc) =	sbr.abs _section_cstart, $3  }
0xc0: {  	[dreg:$0x1] =	wrdreg $0xFFFFFFFF  }
0xc1: {  	_ =	task.clear_ibuf [dreg:s7], $0x2FFFF;
	_ =	strace $0x9FFFFFFF  }
0xc2: {  	(tm) =	ssettm $0x7FFFFFFF  }
0xc3: {  	_ =	shalt  }
tec
execute0_lowered:
.L_overlay_start_1:
0x0: {  	(tag) =	ssettag $0x1  }
0x1: {  	s0 =	rddreg [dreg:$0x0]  }
0x2: {  	s1 =	rddreg [dreg:$0x1]  }
0x3: {  	s3 =	srdreg.scid;
	s4 =	stileid.u32  }
0x4: {  	s2 =	simm.s32 $0x0;
	s9 =	simm.s32 $0xDC00;
	s10 =	simm.s32 $0xE400  }
0x5: {  	s11 =	simm.s32 $0xEC00;
	s12 =	simm.s32 $0xF400;
	s13 =	simm.s32 $0xFC00  }
0x6: {  	s14 =	simm.s32 $0x10400;
	s15 =	simm.s32 $0x10C00;
	s16 =	simm.s32 $0x1  }
0x7: {  	s17 =	simm.s32 $0x11400;
	s18 =	simm.s32 $0x2;
	s19 =	simm.s32 $0x4  }
0x8: {  	s20 =	simm.s32 $0x13400;
	s3 =	sand.u32 $0x1, s3;
	s4 =	sshll.u32 s4, $0x1  }
0x9: {  	[smem:$0x7FF] =	sst s2;
	s5 =	sor.u32 s3, s4;
	s6 =	ssub.s32 $0x2, s3  }
0xa: {  	_ =	strace $0x80000047;
	s7 =	smul.u32 $0x280, s5;
	s8 =	sshrl.u32 s6, $0x1  }
0xb: {  	s3 =	sadd.s32 $0x3000, s0;
	s4 =	sadd.s32 $0x9F400, s0;
	s8 =	ssub.s32 s6, s8  }
0xc: {  	v2 =	vlaneseq.u32;
	s6 =	smul.u32 $0xA000, s5;
	s5 =	simm.s32 $0xCC00;
	s1 =	sadd.s32 s1, s7  }
0xd: {  	vm0 =	vmmov $0xffff;
	v1 =	vshrl.u32 v2, $0x3;
	s7 =	sadd.s32 $0x9F800, s0;
	s31 =	smax.u32 s8, $0x1;
	[dreg:$0x3] =	wrdreg s1  }
0xe: {  	v0 =	vand.u32 $0x7, v2;
	v2 =	vor.u32 $0x8, v2;
	v1 =	vmul.u32 $0x8, v1;
	s8 =	simm.s32 $0xD400;
	[dreg:$0x4] =	wrdreg s31;
	s1 =	simm.s32 $0x0  }
.LBB2_1:
0xf: {  	[dreg:$0x5] =	wrdreg s1  }
0x10: {  	s0 =	rddreg [dreg:$0x3];
	s25 =	simm.s32 $0x5  }
0x11: {  	[tilespmem:s2], [sflag:$0x5] =	stream.linear.gather [hbm4b:s0+s2], $0x1400, $0x38;
	[tilespmem:$0x15400] =	vst v63  }
0x12: {  	_ =	swait.ge [sflag:s25], $0x1400  }
0x13: {  	[sflag:s25] =	ssyncset.done $0x0  }
0x14: {  	[sflag:s25] =	ssyncadd.s32 $0xFFFFEC00  }
0x15: {  	v3 =	vld [tilespmem:$0x0];
	_ =	sdelay $0x4  }
0x16: {  	v4 =	vshll.u32 v3, $0x1  }
0x17: {  	v3 =	vand.u32 $0x7, v3;
	v4 =	vand.u32 $0xFFFFFFF0, v4  }
0x18: {  	v3 =	vor.u32 v3, v4  }
0x19: {  	v4 =	vperm.xlane v3, v0;
	_ =	sdelay $0x1  }
0x1a: {  	v3 =	vperm.xlane v3, v2;
	v4 =	vadd.s32 v1, v4;
	_ =	sdelay $0x1  }
0x1b: {  	v3 =	vadd.s32 v1, v3;
	_ =	sdelay $0x1  }
0x1c: {  	s26 =	simm.s32 $0x1400  }
0x1d: {  	[tilespmem:s26], [sflag:$0x1] =	stream.indirect_vreg.gather [hbm4b:s3+s2], $0x80, v4, vm0, $0xb8;
	[tilespmem:$0x15400] =	vst v63  }
0x1e: {  	s28 =	simm.s32 $0x1C00  }
0x1f: {  	[tilespmem:s28], [sflag:$0x1] =	stream.indirect_vreg.gather [hbm4b:s3+s2], $0x80, v3, vm0, $0xb8;
	[tilespmem:$0x15400] =	vst v63  }
0x20: {  	v3 =	vld [tilespmem:$0x10];
	_ =	sdelay $0x4  }
0x21: {  	v57 =	vshll.u32 v3, $0x1  }
0x22: {  	v3 =	vand.u32 $0x7, v3;
	v4 =	vand.u32 $0xFFFFFFF0, v57  }
0x23: {  	v3 =	vor.u32 v3, v4  }
0x24: {  	v4 =	vperm.xlane v3, v0;
	_ =	sdelay $0x1  }
0x25: {  	v3 =	vperm.xlane v3, v2;
	v4 =	vadd.s32 v1, v4;
	_ =	sdelay $0x1  }
0x26: {  	v3 =	vadd.s32 v1, v3;
	_ =	sdelay $0x1  }
0x27: {  	s29 =	simm.s32 $0x2400  }
0x28: {  	[tilespmem:s29], [sflag:$0x1] =	stream.indirect_vreg.gather [hbm4b:s3+s2], $0x80, v4, vm0, $0xb8;
	[tilespmem:$0x15400] =	vst v63  }
0x29: {  	s30 =	simm.s32 $0x2C00  }
0x2a: {  	[tilespmem:s30], [sflag:$0x1] =	stream.indirect_vreg.gather [hbm4b:s3+s2], $0x80, v3, vm0, $0xb8;
	[tilespmem:$0x15400] =	vst v63  }
0x2b: {  	v3 =	vld [tilespmem:$0x20];
	_ =	sdelay $0x4  }
0x2c: {  	v58 =	vshll.u32 v3, $0x1  }
0x2d: {  	v3 =	vand.u32 $0x7, v3;
	v4 =	vand.u32 $0xFFFFFFF0, v58  }
0x2e: {  	v3 =	vor.u32 v3, v4  }
0x2f: {  	v4 =	vperm.xlane v3, v0;
	_ =	sdelay $0x1  }
0x30: {  	v3 =	vperm.xlane v3, v2;
	v4 =	vadd.s32 v1, v4;
	_ =	sdelay $0x1  }
0x31: {  	v3 =	vadd.s32 v1, v3;
	_ =	sdelay $0x1  }
0x32: {  	s31 =	simm.s32 $0x3400  }
0x33: {  	[tilespmem:s31], [sflag:$0x1] =	stream.indirect_vreg.gather [hbm4b:s3+s2], $0x80, v4, vm0, $0xb8;
	[tilespmem:$0x15400] =	vst v63  }
0x34: {  	s1 =	simm.s32 $0x3C00  }
0x35: {  	[tilespmem:s1], [sflag:$0x1] =	stream.indirect_vreg.gather [hbm4b:s3+s2], $0x80, v3, vm0, $0xb8;
	[tilespmem:$0x15400] =	vst v63  }
0x36: {  	v3 =	vld [tilespmem:$0x30];
	_ =	sdelay $0x4  }
0x37: {  	v59 =	vshll.u32 v3, $0x1  }
0x38: {  	v3 =	vand.u32 $0x7, v3;
	v4 =	vand.u32 $0xFFFFFFF0, v59  }
0x39: {  	v3 =	vor.u32 v3, v4  }
0x3a: {  	v4 =	vperm.xlane v3, v0;
	_ =	sdelay $0x1  }
0x3b: {  	v3 =	vperm.xlane v3, v2;
	v4 =	vadd.s32 v1, v4;
	_ =	sdelay $0x1  }
0x3c: {  	v3 =	vadd.s32 v1, v3;
	_ =	sdelay $0x1  }
0x3d: {  	s21 =	simm.s32 $0x4400  }
0x3e: {  	[tilespmem:s21], [sflag:$0x1] =	stream.indirect_vreg.gather [hbm4b:s3+s2], $0x80, v4, vm0, $0xb8;
	[tilespmem:$0x15400] =	vst v63  }
0x3f: {  	s22 =	simm.s32 $0x4C00  }
0x40: {  	[tilespmem:s22], [sflag:$0x1] =	stream.indirect_vreg.gather [hbm4b:s3+s2], $0x80, v3, vm0, $0xb8;
	[tilespmem:$0x15400] =	vst v63  }
0x41: {  	v3 =	vld [tilespmem:$0x40];
	_ =	sdelay $0x4  }
0x42: {  	v60 =	vshll.u32 v3, $0x1  }
0x43: {  	v3 =	vand.u32 $0x7, v3;
	v4 =	vand.u32 $0xFFFFFFF0, v60  }
0x44: {  	v3 =	vor.u32 v3, v4  }
0x45: {  	v4 =	vperm.xlane v3, v0;
	_ =	sdelay $0x1  }
0x46: {  	v3 =	vperm.xlane v3, v2;
	v4 =	vadd.s32 v1, v4;
	_ =	sdelay $0x1  }
0x47: {  	v3 =	vadd.s32 v1, v3;
	_ =	sdelay $0x1  }
0x48: {  	s23 =	simm.s32 $0x5400  }
0x49: {  	[tilespmem:s23], [sflag:$0x1] =	stream.indirect_vreg.gather [hbm4b:s3+s2], $0x80, v4, vm0, $0xb8;
	[tilespmem:$0x15400] =	vst v63  }
0x4a: {  	s24 =	simm.s32 $0x5C00  }
0x4b: {  	[tilespmem:s24], [sflag:$0x1] =	stream.indirect_vreg.gather [hbm4b:s3+s2], $0x80, v3, vm0, $0xb8;
	[tilespmem:$0x15400] =	vst v63  }
0x4c: {  	v3 =	vld [tilespmem:$0x50];
	_ =	sdelay $0x4  }
0x4d: {  	v61 =	vshll.u32 v3, $0x1  }
0x4e: {  	v3 =	vand.u32 $0x7, v3;
	v4 =	vand.u32 $0xFFFFFFF0, v61  }
0x4f: {  	v3 =	vor.u32 v3, v4  }
0x50: {  	v4 =	vperm.xlane v3, v0;
	_ =	sdelay $0x1  }
0x51: {  	v3 =	vperm.xlane v3, v2;
	v4 =	vadd.s32 v1, v4;
	_ =	sdelay $0x1  }
0x52: {  	v3 =	vadd.s32 v1, v3;
	_ =	sdelay $0x1  }
0x53: {  	s25 =	simm.s32 $0x6400  }
0x54: {  	[tilespmem:s25], [sflag:$0x1] =	stream.indirect_vreg.gather [hbm4b:s3+s2], $0x80, v4, vm0, $0xb8;
	[tilespmem:$0x15400] =	vst v63  }
0x55: {  	s26 =	simm.s32 $0x6C00  }
0x56: {  	[tilespmem:s26], [sflag:$0x1] =	stream.indirect_vreg.gather [hbm4b:s3+s2], $0x80, v3, vm0, $0xb8;
	[tilespmem:$0x15400] =	vst v63  }
0x57: {  	v3 =	vld [tilespmem:$0x60];
	_ =	sdelay $0x4  }
0x58: {  	v62 =	vshll.u32 v3, $0x1  }
0x59: {  	v3 =	vand.u32 $0x7, v3;
	v4 =	vand.u32 $0xFFFFFFF0, v62  }
0x5a: {  	v3 =	vor.u32 v3, v4  }
0x5b: {  	v4 =	vperm.xlane v3, v0;
	_ =	sdelay $0x1  }
0x5c: {  	v3 =	vperm.xlane v3, v2;
	v4 =	vadd.s32 v1, v4;
	_ =	sdelay $0x1  }
0x5d: {  	v3 =	vadd.s32 v1, v3;
	_ =	sdelay $0x1  }
0x5e: {  	s28 =	simm.s32 $0x7400  }
0x5f: {  	[tilespmem:s28], [sflag:$0x1] =	stream.indirect_vreg.gather [hbm4b:s3+s2], $0x80, v4, vm0, $0xb8;
	[tilespmem:$0x15400] =	vst v63  }
0x60: {  	s29 =	simm.s32 $0x7C00  }
0x61: {  	[tilespmem:s29], [sflag:$0x1] =	stream.indirect_vreg.gather [hbm4b:s3+s2], $0x80, v3, vm0, $0xb8;
	[tilespmem:$0x15400] =	vst v63  }
0x62: {  	v3 =	vld [tilespmem:$0x70];
	_ =	sdelay $0x4  }
0x63: {  	v63 =	vshll.u32 v3, $0x1  }
0x64: {  	v3 =	vand.u32 $0x7, v3;
	v4 =	vand.u32 $0xFFFFFFF0, v63  }
0x65: {  	v3 =	vor.u32 v3, v4  }
0x66: {  	v4 =	vperm.xlane v3, v0;
	_ =	sdelay $0x1  }
0x67: {  	v3 =	vperm.xlane v3, v2;
	v4 =	vadd.s32 v1, v4;
	_ =	sdelay $0x1  }
0x68: {  	v3 =	vadd.s32 v1, v3;
	_ =	sdelay $0x1  }
0x69: {  	s30 =	simm.s32 $0x8400  }
0x6a: {  	[tilespmem:s30], [sflag:$0x1] =	stream.indirect_vreg.gather [hbm4b:s3+s2], $0x80, v4, vm0, $0xb8;
	[tilespmem:$0x15400] =	vst v63  }
0x6b: {  	s31 =	simm.s32 $0x8C00;
	s21 =	simm.s32 $0x0  }
0x6c: {  	[tilespmem:s31], [sflag:$0x1] =	stream.indirect_vreg.gather [hbm4b:s3+s2], $0x80, v3, vm0, $0xb8;
	[tilespmem:$0x15400] =	vst v63  }
.LBB2_2:
0x6d: {  	s0 =	sshll.u32 s21, $0x8  }
0x6e: {  	s22 =	sand.u32 $0x3FFFFF00, s0  }
0x6f: {  	v3 =	vld [tilespmem:s22+$0x80];
	_ =	sdelay $0x4  }
0x70: {  	v4 =	vshll.u32 v3, $0x1  }
0x71: {  	v3 =	vand.u32 $0x7, v3;
	v4 =	vand.u32 $0xFFFFFFF0, v4  }
0x72: {  	v3 =	vor.u32 v3, v4  }
0x73: {  	v4 =	vperm.xlane v3, v0;
	_ =	sdelay $0x1  }
0x74: {  	v3 =	vperm.xlane v3, v2;
	v4 =	vadd.s32 v1, v4;
	_ =	sdelay $0x1  }
0x75: {  	v3 =	vadd.s32 v1, v3;
	_ =	sdelay $0x1  }
0x76: {  	s23 =	simm.s32 $0x9400  }
0x77: {  	[tilespmem:s23], [sflag:$0x2] =	stream.indirect_vreg.gather [hbm4b:s3+s2], $0x80, v4, vm0, $0xb8;
	[tilespmem:$0x15400] =	vst v63  }
0x78: {  	s24 =	simm.s32 $0x9C00  }
0x79: {  	[tilespmem:s24], [sflag:$0x2] =	stream.indirect_vreg.gather [hbm4b:s3+s2], $0x80, v3, vm0, $0xb8;
	[tilespmem:$0x15400] =	vst v63  }
0x7a: {  	v3 =	vld [tilespmem:s22+$0x90];
	_ =	sdelay $0x4  }
0x7b: {  	v4 =	vshll.u32 v3, $0x1  }
0x7c: {  	v3 =	vand.u32 $0x7, v3;
	v4 =	vand.u32 $0xFFFFFFF0, v4  }
0x7d: {  	v3 =	vor.u32 v3, v4  }
0x7e: {  	v4 =	vperm.xlane v3, v0;
	_ =	sdelay $0x1  }
0x7f: {  	v3 =	vperm.xlane v3, v2;
	v4 =	vadd.s32 v1, v4;
	_ =	sdelay $0x1  }
0x80: {  	v3 =	vadd.s32 v1, v3;
	_ =	sdelay $0x1  }
0x81: {  	s25 =	simm.s32 $0xA400  }
0x82: {  	[tilespmem:s25], [sflag:$0x2] =	stream.indirect_vreg.gather [hbm4b:s3+s2], $0x80, v4, vm0, $0xb8;
	[tilespmem:$0x15400] =	vst v63  }
0x83: {  	s26 =	simm.s32 $0xAC00  }
0x84: {  	[tilespmem:s26], [sflag:$0x2] =	stream.indirect_vreg.gather [hbm4b:s3+s2], $0x80, v3, vm0, $0xb8;
	[tilespmem:$0x15400] =	vst v63  }
0x85: {  	v3 =	vld [tilespmem:s22+$0xA0];
	_ =	sdelay $0x4  }
0x86: {  	v4 =	vshll.u32 v3, $0x1  }
0x87: {  	v3 =	vand.u32 $0x7, v3;
	v4 =	vand.u32 $0xFFFFFFF0, v4  }
0x88: {  	v3 =	vor.u32 v3, v4  }
0x89: {  	v4 =	vperm.xlane v3, v0;
	_ =	sdelay $0x1  }
0x8a: {  	v3 =	vperm.xlane v3, v2;
	v4 =	vadd.s32 v1, v4;
	_ =	sdelay $0x1  }
0x8b: {  	v3 =	vadd.s32 v1, v3;
	_ =	sdelay $0x1  }
0x8c: {  	s1 =	simm.s32 $0xB400  }
0x8d: {  	[tilespmem:s1], [sflag:$0x2] =	stream.indirect_vreg.gather [hbm4b:s3+s2], $0x80, v4, vm0, $0xb8;
	[tilespmem:$0x15400] =	vst v63  }
0x8e: {  	s23 =	simm.s32 $0xBC00  }
0x8f: {  	[tilespmem:s23], [sflag:$0x2] =	stream.indirect_vreg.gather [hbm4b:s3+s2], $0x80, v3, vm0, $0xb8;
	[tilespmem:$0x15400] =	vst v63  }
0x90: {  	v3 =	vld [tilespmem:s22+$0xB0];
	_ =	sdelay $0x4  }
0x91: {  	v4 =	vshll.u32 v3, $0x1  }
0x92: {  	v3 =	vand.u32 $0x7, v3;
	v4 =	vand.u32 $0xFFFFFFF0, v4  }
0x93: {  	v3 =	vor.u32 v3, v4  }
0x94: {  	v4 =	vperm.xlane v3, v0;
	_ =	sdelay $0x1  }
0x95: {  	v3 =	vperm.xlane v3, v2;
	v4 =	vadd.s32 v1, v4;
	_ =	sdelay $0x1  }
0x96: {  	v3 =	vadd.s32 v1, v3;
	_ =	sdelay $0x1  }
0x97: {  	s24 =	simm.s32 $0xC400  }
0x98: {  	[tilespmem:s24], [sflag:$0x2] =	stream.indirect_vreg.gather [hbm4b:s3+s2], $0x80, v4, vm0, $0xb8;
	[tilespmem:$0x15400] =	vst v63  }
0x99: {  	_ = 	snop  }
0x9a: {  	[tilespmem:s5], [sflag:$0x2] =	stream.indirect_vreg.gather [hbm4b:s3+s2], $0x80, v3, vm0, $0xb8;
	[tilespmem:$0x15400] =	vst v63  }
0x9b: {  	v3 =	vld [tilespmem:s22+$0xC0];
	_ =	sdelay $0x4  }
0x9c: {  	v4 =	vshll.u32 v3, $0x1  }
0x9d: {  	v3 =	vand.u32 $0x7, v3;
	v4 =	vand.u32 $0xFFFFFFF0, v4  }
0x9e: {  	v3 =	vor.u32 v3, v4  }
0x9f: {  	v4 =	vperm.xlane v3, v0;
	_ =	sdelay $0x1  }
0xa0: {  	v3 =	vperm.xlane v3, v2;
	v4 =	vadd.s32 v1, v4;
	_ =	sdelay $0x1  }
0xa1: {  	v3 =	vadd.s32 v1, v3;
	_ =	sdelay $0x2  }
0xa2: {  	[tilespmem:s8], [sflag:$0x2] =	stream.indirect_vreg.gather [hbm4b:s3+s2], $0x80, v4, vm0, $0xb8;
	[tilespmem:$0x15400] =	vst v63  }
0xa3: {  	_ = 	snop  }
0xa4: {  	[tilespmem:s9], [sflag:$0x2] =	stream.indirect_vreg.gather [hbm4b:s3+s2], $0x80, v3, vm0, $0xb8;
	[tilespmem:$0x15400] =	vst v63  }
0xa5: {  	v3 =	vld [tilespmem:s22+$0xD0];
	_ =	sdelay $0x4  }
0xa6: {  	v4 =	vshll.u32 v3, $0x1  }
0xa7: {  	v3 =	vand.u32 $0x7, v3;
	v4 =	vand.u32 $0xFFFFFFF0, v4  }
0xa8: {  	v3 =	vor.u32 v3, v4  }
0xa9: {  	v4 =	vperm.xlane v3, v0;
	_ =	sdelay $0x1  }
0xaa: {  	v3 =	vperm.xlane v3, v2;
	v4 =	vadd.s32 v1, v4;
	_ =	sdelay $0x1  }
0xab: {  	v3 =	vadd.s32 v1, v3;
	_ =	sdelay $0x2  }
0xac: {  	[tilespmem:s10], [sflag:$0x2] =	stream.indirect_vreg.gather [hbm4b:s3+s2], $0x80, v4, vm0, $0xb8;
	[tilespmem:$0x15400] =	vst v63  }
0xad: {  	_ = 	snop  }
0xae: {  	[tilespmem:s11], [sflag:$0x2] =	stream.indirect_vreg.gather [hbm4b:s3+s2], $0x80, v3, vm0, $0xb8;
	[tilespmem:$0x15400] =	vst v63  }
0xaf: {  	v3 =	vld [tilespmem:s22+$0xE0];
	_ =	sdelay $0x4  }
0xb0: {  	v4 =	vshll.u32 v3, $0x1  }
0xb1: {  	v3 =	vand.u32 $0x7, v3;
	v4 =	vand.u32 $0xFFFFFFF0, v4  }
0xb2: {  	v3 =	vor.u32 v3, v4  }
0xb3: {  	v4 =	vperm.xlane v3, v0;
	_ =	sdelay $0x1  }
0xb4: {  	v3 =	vperm.xlane v3, v2;
	v4 =	vadd.s32 v1, v4;
	_ =	sdelay $0x1  }
0xb5: {  	v3 =	vadd.s32 v1, v3;
	_ =	sdelay $0x2  }
0xb6: {  	[tilespmem:s12], [sflag:$0x2] =	stream.indirect_vreg.gather [hbm4b:s3+s2], $0x80, v4, vm0, $0xb8;
	[tilespmem:$0x15400] =	vst v63  }
0xb7: {  	_ = 	snop  }
0xb8: {  	[tilespmem:s13], [sflag:$0x2] =	stream.indirect_vreg.gather [hbm4b:s3+s2], $0x80, v3, vm0, $0xb8;
	[tilespmem:$0x15400] =	vst v63  }
0xb9: {  	v3 =	vld [tilespmem:s22+$0xF0];
	_ =	sdelay $0x4  }
0xba: {  	v4 =	vshll.u32 v3, $0x1  }
0xbb: {  	v3 =	vand.u32 $0x7, v3;
	v4 =	vand.u32 $0xFFFFFFF0, v4  }
0xbc: {  	v3 =	vor.u32 v3, v4  }
0xbd: {  	v4 =	vperm.xlane v3, v0;
	_ =	sdelay $0x1  }
0xbe: {  	v3 =	vperm.xlane v3, v2;
	v4 =	vadd.s32 v1, v4;
	_ =	sdelay $0x1  }
0xbf: {  	v3 =	vadd.s32 v1, v3;
	_ =	sdelay $0x2  }
0xc0: {  	[tilespmem:s14], [sflag:$0x2] =	stream.indirect_vreg.gather [hbm4b:s3+s2], $0x80, v4, vm0, $0xb8;
	[tilespmem:$0x15400] =	vst v63  }
0xc1: {  	_ = 	snop  }
0xc2: {  	[tilespmem:s15], [sflag:$0x2] =	stream.indirect_vreg.gather [hbm4b:s3+s2], $0x80, v3, vm0, $0xb8;
	[tilespmem:$0x15400] =	vst v63  }
0xc3: {  	_ =	swait.ge [sflag:s16], $0x8000  }
0xc4: {  	p0 =	seq.s32 s21, $0x0;
	[sflag:s16] =	ssyncset.done $0x0  }
0xc5: {  	s0 =	simm.s32 @!p0 $0x3;
	[sflag:s16] =	ssyncadd.s32 $0xFFFF8000  }
0xc6: {  	s23 =	simm.s32 $0x0;
	_ =	swait.ge @!p0 [sflag:s0], $0x2000  }
0xc7: {  	s1 =	sand.u32 $0x7800, s23;
	s24 =	sand.u32 $0x200, s23;
	[sflag:s0] =	ssyncset.done @!p0 $0x0  }
0xc8: {  	[sflag:s0] =	ssyncadd.s32 @!p0 $0xFFFFE000;
	s0 =	sor.u32 s24, s1  }
0xc9: {  	v3 =	vld [tilespmem:s0+$0x1400]  }
0xca: {  	v4 =	vld [tilespmem:s0+$0x1480];
	_ =	sdelay $0x1  }
0xcb: {  	v5 =	vld [tilespmem:s0+$0x1500];
	_ =	sdelay $0x1  }
0xcc: {  	v6 =	vld [tilespmem:s0+$0x1580]  }
0xcd: {  	v3 =	vadd.f32 v4, v3;
	_ =	sdelay $0x1  }
0xce: {  	v3 =	vadd.f32 v5, v3;
	_ =	sdelay $0x1  }
0xcf: {  	s25 =	sand.u32 $0x1800, s23;
	s26 =	sand.u32 $0x380, s23;
	v3 =	vadd.f32 v6, v3  }
0xd0: {  	s1 =	sor.u32 s26, s25  }
0xd1: {  	[tilespmem:s1+$0x11400] =	vst v3  }
0xd2: {  	v3 =	vld [tilespmem:s0+$0x1410]  }
0xd3: {  	v4 =	vld [tilespmem:s0+$0x1490];
	_ =	sdelay $0x1  }
0xd4: {  	v5 =	vld [tilespmem:s0+$0x1510];
	_ =	sdelay $0x1  }
0xd5: {  	v6 =	vld [tilespmem:s0+$0x1590]  }
0xd6: {  	v3 =	vadd.f32 v4, v3;
	_ =	sdelay $0x1  }
0xd7: {  	v3 =	vadd.f32 v5, v3;
	_ =	sdelay $0x1  }
0xd8: {  	v3 =	vadd.f32 v6, v3  }
0xd9: {  	s24 =	sadd.s32 $0x11400, s1  }
0xda: {  	[tilespmem:s24+$0x10] =	vst v3  }
0xdb: {  	v3 =	vld [tilespmem:s0+$0x1420]  }
0xdc: {  	v4 =	vld [tilespmem:s0+$0x14A0];
	_ =	sdelay $0x1  }
0xdd: {  	v5 =	vld [tilespmem:s0+$0x1520];
	_ =	sdelay $0x1  }
0xde: {  	v6 =	vld [tilespmem:s0+$0x15A0]  }
0xdf: {  	v3 =	vadd.f32 v4, v3;
	_ =	sdelay $0x1  }
0xe0: {  	v3 =	vadd.f32 v5, v3;
	_ =	sdelay $0x1  }
0xe1: {  	v3 =	vadd.f32 v6, v3;
	_ =	sdelay $0x1  }
0xe2: {  	[tilespmem:s24+$0x20] =	vst v3  }
0xe3: {  	v3 =	vld [tilespmem:s0+$0x1430]  }
0xe4: {  	v4 =	vld [tilespmem:s0+$0x14B0];
	_ =	sdelay $0x1  }
0xe5: {  	v5 =	vld [tilespmem:s0+$0x1530];
	_ =	sdelay $0x1  }
0xe6: {  	v6 =	vld [tilespmem:s0+$0x15B0]  }
0xe7: {  	v3 =	vadd.f32 v4, v3;
	_ =	sdelay $0x1  }
0xe8: {  	v3 =	vadd.f32 v5, v3;
	_ =	sdelay $0x1  }
0xe9: {  	v3 =	vadd.f32 v6, v3;
	_ =	sdelay $0x1  }
0xea: {  	[tilespmem:s24+$0x30] =	vst v3  }
0xeb: {  	v3 =	vld [tilespmem:s0+$0x1440]  }
0xec: {  	v4 =	vld [tilespmem:s0+$0x14C0];
	_ =	sdelay $0x1  }
0xed: {  	v5 =	vld [tilespmem:s0+$0x1540];
	_ =	sdelay $0x1  }
0xee: {  	v6 =	vld [tilespmem:s0+$0x15C0]  }
0xef: {  	v3 =	vadd.f32 v4, v3;
	_ =	sdelay $0x1  }
0xf0: {  	v3 =	vadd.f32 v5, v3;
	_ =	sdelay $0x1  }
0xf1: {  	v3 =	vadd.f32 v6, v3;
	_ =	sdelay $0x1  }
0xf2: {  	[tilespmem:s24+$0x40] =	vst v3  }
0xf3: {  	v3 =	vld [tilespmem:s0+$0x1450]  }
0xf4: {  	v4 =	vld [tilespmem:s0+$0x14D0];
	_ =	sdelay $0x1  }
0xf5: {  	v5 =	vld [tilespmem:s0+$0x1550];
	_ =	sdelay $0x1  }
0xf6: {  	v6 =	vld [tilespmem:s0+$0x15D0]  }
0xf7: {  	v3 =	vadd.f32 v4, v3;
	_ =	sdelay $0x1  }
0xf8: {  	v3 =	vadd.f32 v5, v3;
	_ =	sdelay $0x1  }
0xf9: {  	v3 =	vadd.f32 v6, v3;
	_ =	sdelay $0x1  }
0xfa: {  	[tilespmem:s24+$0x50] =	vst v3  }
0xfb: {  	v3 =	vld [tilespmem:s0+$0x1460]  }
0xfc: {  	v4 =	vld [tilespmem:s0+$0x14E0];
	_ =	sdelay $0x1  }
0xfd: {  	v5 =	vld [tilespmem:s0+$0x1560];
	_ =	sdelay $0x1  }
0xfe: {  	v6 =	vld [tilespmem:s0+$0x15E0]  }
0xff: {  	v3 =	vadd.f32 v4, v3;
	_ =	sdelay $0x1  }
0x100: {  	v3 =	vadd.f32 v5, v3;
	_ =	sdelay $0x1  }
0x101: {  	v3 =	vadd.f32 v6, v3;
	_ =	sdelay $0x1  }
0x102: {  	[tilespmem:s24+$0x60] =	vst v3  }
0x103: {  	v3 =	vld [tilespmem:s0+$0x1470]  }
0x104: {  	v4 =	vld [tilespmem:s0+$0x14F0];
	_ =	sdelay $0x1  }
0x105: {  	v5 =	vld [tilespmem:s0+$0x1570];
	_ =	sdelay $0x1  }
0x106: {  	v6 =	vld [tilespmem:s0+$0x15F0]  }
0x107: {  	v3 =	vadd.f32 v4, v3;
	_ =	sdelay $0x1  }
0x108: {  	p1 =	por $0x0, $0x0;
	s0 =	simm.s32 $0x1;
	v3 =	vadd.f32 v5, v3  }
0x109: {  	s0 =	simm.s32 @!p1 $0x0  }
0x10a: {  	s0 =	sshll.u32 s0, $0x9;
	v3 =	vadd.f32 v6, v3  }
0x10b: {  	s29 =	sadd.s32 $0x0, s0  }
0x10c: {  	s0 =	sor.u32 $0x400, s29;
	s31 =	sadd.s32 $0x80, s29;
	[tilespmem:s24+$0x70] =	vst v3  }
0x10d: {  	s1 =	sor.u32 $0x400, s31;
	v3 =	vld [tilespmem:s0+$0x1400]  }
0x10e: {  	s30 =	sadd.s32 $0x100, s29;
	v4 =	vld [tilespmem:s1+$0x1400]  }
0x10f: {  	s25 =	sor.u32 $0x400, s30  }
0x110: {  	s0 =	sadd.s32 $0x180, s29;
	v5 =	vld [tilespmem:s25+$0x1400]  }
0x111: {  	s26 =	sor.u32 $0x400, s0  }
0x112: {  	v6 =	vld [tilespmem:s26+$0x1400]  }
0x113: {  	v3 =	vadd.f32 v4, v3;
	_ =	sdelay $0x1  }
0x114: {  	v3 =	vadd.f32 v5, v3;
	_ =	sdelay $0x1  }
0x115: {  	v3 =	vadd.f32 v6, v3;
	_ =	sdelay $0x1  }
0x116: {  	s25 =	sor.u32 $0x410, s29;
	[tilespmem:s24+$0x400] =	vst v3  }
0x117: {  	s26 =	sor.u32 $0x410, s31;
	v3 =	vld [tilespmem:s25+$0x1400]  }
0x118: {  	v4 =	vld [tilespmem:s26+$0x1400]  }
0x119: {  	s25 =	sor.u32 $0x410, s30  }
0x11a: {  	v5 =	vld [tilespmem:s25+$0x1400]  }
0x11b: {  	s26 =	sor.u32 $0x410, s0  }
0x11c: {  	v6 =	vld [tilespmem:s26+$0x1400]  }
0x11d: {  	v3 =	vadd.f32 v4, v3;
	_ =	sdelay $0x1  }
0x11e: {  	v3 =	vadd.f32 v5, v3;
	_ =	sdelay $0x1  }
0x11f: {  	v3 =	vadd.f32 v6, v3;
	_ =	sdelay $0x1  }
0x120: {  	s25 =	sor.u32 $0x420, s29;
	[tilespmem:s24+$0x410] =	vst v3  }
0x121: {  	s26 =	sor.u32 $0x420, s31;
	v3 =	vld [tilespmem:s25+$0x1400]  }
0x122: {  	v4 =	vld [tilespmem:s26+$0x1400]  }
0x123: {  	s25 =	sor.u32 $0x420, s30  }
0x124: {  	v5 =	vld [tilespmem:s25+$0x1400]  }
0x125: {  	s26 =	sor.u32 $0x420, s0  }
0x126: {  	v6 =	vld [tilespmem:s26+$0x1400]  }
0x127: {  	v3 =	vadd.f32 v4, v3;
	_ =	sdelay $0x1  }
0x128: {  	v3 =	vadd.f32 v5, v3;
	_ =	sdelay $0x1  }
0x129: {  	v3 =	vadd.f32 v6, v3;
	_ =	sdelay $0x1  }
0x12a: {  	s25 =	sor.u32 $0x430, s29;
	[tilespmem:s24+$0x420] =	vst v3  }
0x12b: {  	s26 =	sor.u32 $0x430, s31;
	v3 =	vld [tilespmem:s25+$0x1400]  }
0x12c: {  	v4 =	vld [tilespmem:s26+$0x1400]  }
0x12d: {  	s25 =	sor.u32 $0x430, s30  }
0x12e: {  	v5 =	vld [tilespmem:s25+$0x1400]  }
0x12f: {  	s26 =	sor.u32 $0x430, s0  }
0x130: {  	v6 =	vld [tilespmem:s26+$0x1400]  }
0x131: {  	v3 =	vadd.f32 v4, v3;
	_ =	sdelay $0x1  }
0x132: {  	v3 =	vadd.f32 v5, v3;
	_ =	sdelay $0x1  }
0x133: {  	v3 =	vadd.f32 v6, v3;
	_ =	sdelay $0x1  }
0x134: {  	s25 =	sor.u32 $0x440, s29;
	[tilespmem:s24+$0x430] =	vst v3  }
0x135: {  	s26 =	sor.u32 $0x440, s31;
	v3 =	vld [tilespmem:s25+$0x1400]  }
0x136: {  	v4 =	vld [tilespmem:s26+$0x1400]  }
0x137: {  	s25 =	sor.u32 $0x440, s30  }
0x138: {  	v5 =	vld [tilespmem:s25+$0x1400]  }
0x139: {  	s26 =	sor.u32 $0x440, s0  }
0x13a: {  	v6 =	vld [tilespmem:s26+$0x1400]  }
0x13b: {  	v3 =	vadd.f32 v4, v3;
	_ =	sdelay $0x1  }
0x13c: {  	v3 =	vadd.f32 v5, v3;
	_ =	sdelay $0x1  }
0x13d: {  	v3 =	vadd.f32 v6, v3;
	_ =	sdelay $0x1  }
0x13e: {  	s25 =	sor.u32 $0x450, s29;
	[tilespmem:s24+$0x440] =	vst v3  }
0x13f: {  	s26 =	sor.u32 $0x450, s31;
	v3 =	vld [tilespmem:s25+$0x1400]  }
0x140: {  	v4 =	vld [tilespmem:s26+$0x1400]  }
0x141: {  	s25 =	sor.u32 $0x450, s30  }
0x142: {  	v5 =	vld [tilespmem:s25+$0x1400]  }
0x143: {  	s26 =	sor.u32 $0x450, s0  }
0x144: {  	v6 =	vld [tilespmem:s26+$0x1400]  }
0x145: {  	v3 =	vadd.f32 v4, v3;
	_ =	sdelay $0x1  }
0x146: {  	v3 =	vadd.f32 v5, v3;
	_ =	sdelay $0x1  }
0x147: {  	v3 =	vadd.f32 v6, v3;
	_ =	sdelay $0x1  }
0x148: {  	s25 =	sor.u32 $0x460, s29;
	[tilespmem:s24+$0x450] =	vst v3  }
0x149: {  	s26 =	sor.u32 $0x460, s31;
	v3 =	vld [tilespmem:s25+$0x1400]  }
0x14a: {  	v4 =	vld [tilespmem:s26+$0x1400];
	s25 =	sor.u32 $0x460, s30  }
0x14b: {  	s26 =	sor.u32 $0x460, s0;
	v5 =	vld [tilespmem:s25+$0x1400]  }
0x14c: {  	s28 =	simm.s32 $0x0;
	s25 =	simm.s32 $0x400;
	v6 =	vld [tilespmem:s26+$0x1400];
	s26 =	simm.s32 $0x200  }
.LBB2_3:
0x14d: {  	s23 =	sadd.s32 $0x80, s23;
	s28 =	sadd.s32 $0x100, s28;
	p1 =	por !p1, !p1  }
0x14e: {  	p2 =	sne.s32 s25, $0x7C00;
	s1 =	smov.u32 s25;
	s25 =	sadd.s32 $0x400, s25  }
0x14f: {  	v3 =	vadd.f32 v4, v3;
	_ =	sdelay $0x1  }
0x150: {  	v3 =	vadd.f32 v5, v3;
	_ =	sdelay $0x1  }
0x151: {  	v3 =	vadd.f32 v6, v3;
	_ =	sdelay $0x1  }
0x152: {  	s29 =	sor.u32 $0x470, s29;
	[tilespmem:s24+$0x460] =	vst v3  }
0x153: {  	v3 =	vld [tilespmem:s29+$0x1400];
	s29 =	sor.u32 $0x470, s31  }
0x154: {  	v4 =	vld [tilespmem:s29+$0x1400];
	s29 =	sor.u32 $0x470, s30  }
0x155: {  	s0 =	sor.u32 $0x470, s0;
	v5 =	vld [tilespmem:s29+$0x1400]  }
0x156: {  	v6 =	vld [tilespmem:s0+$0x1400];
	_ =	sdelay $0x2  }
0x157: {  	s29 =	sand.u32 $0x200, s26;
	s0 =	sand.u32 $0x7800, s1;
	v3 =	vadd.f32 v4, v3  }
0x158: {  	s0 =	sor.u32 s29, s0  }
0x159: {  	v3 =	vadd.f32 v5, v3;
	_ =	sdelay $0x1  }
0x15a: {  	v3 =	vadd.f32 v6, v3;
	_ =	sdelay $0x1  }
0x15b: {  	[tilespmem:s24+$0x470] =	vst v3  }
0x15c: {  	v3 =	vld [tilespmem:s0+$0x1400]  }
0x15d: {  	v4 =	vld [tilespmem:s0+$0x1480];
	_ =	sdelay $0x1  }
0x15e: {  	v5 =	vld [tilespmem:s0+$0x1500];
	_ =	sdelay $0x1  }
0x15f: {  	v6 =	vld [tilespmem:s0+$0x1580]  }
0x160: {  	v3 =	vadd.f32 v4, v3;
	_ =	sdelay $0x1  }
0x161: {  	v3 =	vadd.f32 v5, v3;
	_ =	sdelay $0x1  }
0x162: {  	s29 =	sand.u32 $0x380, s23;
	s24 =	sand.u32 $0x1800, s28;
	v3 =	vadd.f32 v6, v3  }
0x163: {  	s24 =	sor.u32 s29, s24  }
0x164: {  	[tilespmem:s24+$0x11400] =	vst v3  }
0x165: {  	v3 =	vld [tilespmem:s0+$0x1410]  }
0x166: {  	v4 =	vld [tilespmem:s0+$0x1490];
	_ =	sdelay $0x1  }
0x167: {  	v5 =	vld [tilespmem:s0+$0x1510];
	_ =	sdelay $0x1  }
0x168: {  	v6 =	vld [tilespmem:s0+$0x1590]  }
0x169: {  	v3 =	vadd.f32 v4, v3;
	_ =	sdelay $0x1  }
0x16a: {  	v3 =	vadd.f32 v5, v3;
	_ =	sdelay $0x1  }
0x16b: {  	v3 =	vadd.f32 v6, v3  }
0x16c: {  	s24 =	sadd.s32 $0x11400, s24  }
0x16d: {  	[tilespmem:s24+$0x10] =	vst v3  }
0x16e: {  	v3 =	vld [tilespmem:s0+$0x1420]  }
0x16f: {  	v4 =	vld [tilespmem:s0+$0x14A0];
	_ =	sdelay $0x1  }
0x170: {  	v5 =	vld [tilespmem:s0+$0x1520];
	_ =	sdelay $0x1  }
0x171: {  	v6 =	vld [tilespmem:s0+$0x15A0]  }
0x172: {  	v3 =	vadd.f32 v4, v3;
	_ =	sdelay $0x1  }
0x173: {  	v3 =	vadd.f32 v5, v3;
	_ =	sdelay $0x1  }
0x174: {  	v3 =	vadd.f32 v6, v3;
	_ =	sdelay $0x1  }
0x175: {  	[tilespmem:s24+$0x20] =	vst v3  }
0x176: {  	v3 =	vld [tilespmem:s0+$0x1430]  }
0x177: {  	v4 =	vld [tilespmem:s0+$0x14B0];
	_ =	sdelay $0x1  }
0x178: {  	v5 =	vld [tilespmem:s0+$0x1530];
	_ =	sdelay $0x1  }
0x179: {  	v6 =	vld [tilespmem:s0+$0x15B0]  }
0x17a: {  	v3 =	vadd.f32 v4, v3;
	_ =	sdelay $0x1  }
0x17b: {  	v3 =	vadd.f32 v5, v3;
	_ =	sdelay $0x1  }
0x17c: {  	v3 =	vadd.f32 v6, v3;
	_ =	sdelay $0x1  }
0x17d: {  	[tilespmem:s24+$0x30] =	vst v3  }
0x17e: {  	v3 =	vld [tilespmem:s0+$0x1440]  }
0x17f: {  	v4 =	vld [tilespmem:s0+$0x14C0]  }
0x180: {  	v5 =	vld [tilespmem:s0+$0x1540];
	_ =	sdelay $0x2  }
0x181: {  	v6 =	vld [tilespmem:s0+$0x15C0]  }
0x182: {  	v3 =	vadd.f32 v4, v3;
	_ =	sdelay $0x1  }
0x183: {  	v3 =	vadd.f32 v5, v3;
	_ =	sdelay $0x1  }
0x184: {  	v3 =	vadd.f32 v6, v3;
	_ =	sdelay $0x1  }
0x185: {  	[tilespmem:s24+$0x40] =	vst v3  }
0x186: {  	v3 =	vld [tilespmem:s0+$0x1450]  }
0x187: {  	v4 =	vld [tilespmem:s0+$0x14D0];
	_ =	sdelay $0x1  }
0x188: {  	v5 =	vld [tilespmem:s0+$0x1550];
	_ =	sdelay $0x1  }
0x189: {  	v6 =	vld [tilespmem:s0+$0x15D0]  }
0x18a: {  	v3 =	vadd.f32 v4, v3;
	_ =	sdelay $0x1  }
0x18b: {  	v3 =	vadd.f32 v5, v3;
	_ =	sdelay $0x1  }
0x18c: {  	v3 =	vadd.f32 v6, v3;
	_ =	sdelay $0x1  }
0x18d: {  	[tilespmem:s24+$0x50] =	vst v3  }
0x18e: {  	v3 =	vld [tilespmem:s0+$0x1460]  }
0x18f: {  	v4 =	vld [tilespmem:s0+$0x14E0];
	_ =	sdelay $0x1  }
0x190: {  	v5 =	vld [tilespmem:s0+$0x1560];
	_ =	sdelay $0x1  }
0x191: {  	v6 =	vld [tilespmem:s0+$0x15E0]  }
0x192: {  	v3 =	vadd.f32 v4, v3;
	_ =	sdelay $0x1  }
0x193: {  	v3 =	vadd.f32 v5, v3;
	_ =	sdelay $0x1  }
0x194: {  	v3 =	vadd.f32 v6, v3;
	_ =	sdelay $0x1  }
0x195: {  	[tilespmem:s24+$0x60] =	vst v3  }
0x196: {  	v3 =	vld [tilespmem:s0+$0x1470]  }
0x197: {  	v4 =	vld [tilespmem:s0+$0x14F0]  }
0x198: {  	v5 =	vld [tilespmem:s0+$0x1570];
	_ =	sdelay $0x2  }
0x199: {  	v6 =	vld [tilespmem:s0+$0x15F0]  }
0x19a: {  	v3 =	vadd.f32 v4, v3;
	_ =	sdelay $0x1  }
0x19b: {  	s0 =	simm.s32 $0x1;
	v3 =	vadd.f32 v5, v3  }
0x19c: {  	s0 =	simm.s32 @!p1 $0x0  }
0x19d: {  	s0 =	sshll.u32 s0, $0x9;
	v3 =	vadd.f32 v6, v3  }
0x19e: {  	s29 =	sadd.s32 s0, s1  }
0x19f: {  	s0 =	sor.u32 $0x400, s29;
	s31 =	sadd.s32 $0x80, s29;
	s30 =	sadd.s32 $0x100, s29;
	[tilespmem:s24+$0x70] =	vst v3  }
0x1a0: {  	s1 =	sor.u32 $0x400, s31;
	v3 =	vld [tilespmem:s0+$0x1400];
	s0 =	sadd.s32 $0x180, s29  }
0x1a1: {  	v4 =	vld [tilespmem:s1+$0x1400];
	s1 =	sor.u32 $0x400, s30  }
0x1a2: {  	v5 =	vld [tilespmem:s1+$0x1400];
	_ =	sdelay $0x1  }
0x1a3: {  	s1 =	sor.u32 $0x400, s0  }
0x1a4: {  	v6 =	vld [tilespmem:s1+$0x1400]  }
0x1a5: {  	v3 =	vadd.f32 v4, v3;
	_ =	sdelay $0x1  }
0x1a6: {  	v3 =	vadd.f32 v5, v3;
	_ =	sdelay $0x1  }
0x1a7: {  	v3 =	vadd.f32 v6, v3;
	_ =	sdelay $0x1  }
0x1a8: {  	s1 =	sor.u32 $0x410, s29;
	[tilespmem:s24+$0x400] =	vst v3  }
0x1a9: {  	v3 =	vld [tilespmem:s1+$0x1400];
	s1 =	sor.u32 $0x410, s31  }
0x1aa: {  	v4 =	vld [tilespmem:s1+$0x1400];
	s1 =	sor.u32 $0x410, s30  }
0x1ab: {  	v5 =	vld [tilespmem:s1+$0x1400];
	s1 =	sor.u32 $0x410, s0  }
0x1ac: {  	v6 =	vld [tilespmem:s1+$0x1400];
	_ =	sdelay $0x2  }
0x1ad: {  	v3 =	vadd.f32 v4, v3;
	_ =	sdelay $0x1  }
0x1ae: {  	v3 =	vadd.f32 v5, v3;
	_ =	sdelay $0x1  }
0x1af: {  	v3 =	vadd.f32 v6, v3;
	_ =	sdelay $0x1  }
0x1b0: {  	s1 =	sor.u32 $0x420, s29;
	[tilespmem:s24+$0x410] =	vst v3  }
0x1b1: {  	v3 =	vld [tilespmem:s1+$0x1400];
	s1 =	sor.u32 $0x420, s31  }
0x1b2: {  	v4 =	vld [tilespmem:s1+$0x1400];
	s1 =	sor.u32 $0x420, s30  }
0x1b3: {  	v5 =	vld [tilespmem:s1+$0x1400];
	s1 =	sor.u32 $0x420, s0  }
0x1b4: {  	v6 =	vld [tilespmem:s1+$0x1400];
	_ =	sdelay $0x2  }
0x1b5: {  	v3 =	vadd.f32 v4, v3;
	_ =	sdelay $0x1  }
0x1b6: {  	v3 =	vadd.f32 v5, v3;
	_ =	sdelay $0x1  }
0x1b7: {  	v3 =	vadd.f32 v6, v3;
	_ =	sdelay $0x1  }
0x1b8: {  	s1 =	sor.u32 $0x430, s29;
	[tilespmem:s24+$0x420] =	vst v3  }
0x1b9: {  	v3 =	vld [tilespmem:s1+$0x1400];
	s1 =	sor.u32 $0x430, s31  }
0x1ba: {  	v4 =	vld [tilespmem:s1+$0x1400];
	s1 =	sor.u32 $0x430, s30  }
0x1bb: {  	v5 =	vld [tilespmem:s1+$0x1400];
	s1 =	sor.u32 $0x430, s0  }
0x1bc: {  	v6 =	vld [tilespmem:s1+$0x1400];
	_ =	sdelay $0x2  }
0x1bd: {  	v3 =	vadd.f32 v4, v3;
	_ =	sdelay $0x1  }
0x1be: {  	v3 =	vadd.f32 v5, v3;
	_ =	sdelay $0x1  }
0x1bf: {  	v3 =	vadd.f32 v6, v3;
	_ =	sdelay $0x1  }
0x1c0: {  	s1 =	sor.u32 $0x440, s29;
	[tilespmem:s24+$0x430] =	vst v3  }
0x1c1: {  	v3 =	vld [tilespmem:s1+$0x1400];
	s1 =	sor.u32 $0x440, s31  }
0x1c2: {  	v4 =	vld [tilespmem:s1+$0x1400];
	s1 =	sor.u32 $0x440, s30  }
0x1c3: {  	v5 =	vld [tilespmem:s1+$0x1400];
	s1 =	sor.u32 $0x440, s0  }
0x1c4: {  	v6 =	vld [tilespmem:s1+$0x1400];
	_ =	sdelay $0x2  }
0x1c5: {  	v3 =	vadd.f32 v4, v3;
	_ =	sdelay $0x1  }
0x1c6: {  	v3 =	vadd.f32 v5, v3;
	_ =	sdelay $0x1  }
0x1c7: {  	v3 =	vadd.f32 v6, v3;
	_ =	sdelay $0x1  }
0x1c8: {  	s1 =	sor.u32 $0x450, s29;
	[tilespmem:s24+$0x440] =	vst v3  }
0x1c9: {  	v3 =	vld [tilespmem:s1+$0x1400];
	s1 =	sor.u32 $0x450, s31  }
0x1ca: {  	v4 =	vld [tilespmem:s1+$0x1400];
	s1 =	sor.u32 $0x450, s30  }
0x1cb: {  	v5 =	vld [tilespmem:s1+$0x1400];
	s1 =	sor.u32 $0x450, s0  }
0x1cc: {  	v6 =	vld [tilespmem:s1+$0x1400];
	_ =	sdelay $0x2  }
0x1cd: {  	v3 =	vadd.f32 v4, v3;
	_ =	sdelay $0x1  }
0x1ce: {  	v3 =	vadd.f32 v5, v3;
	_ =	sdelay $0x1  }
0x1cf: {  	v3 =	vadd.f32 v6, v3;
	_ =	sdelay $0x1  }
.Ltmp0:
0x1d0: {  	s1 =	sor.u32 $0x460, s29;
	[tilespmem:s24+$0x450] =	vst v3;
	(pc) =	sbr.rel @p2 .LBB2_3-.Ltmp0, $4  }
0x1d1: {  	v3 =	vld [tilespmem:s1+$0x1400];
	s1 =	sor.u32 $0x460, s31  }
0x1d2: {  	v4 =	vld [tilespmem:s1+$0x1400];
	s1 =	sor.u32 $0x460, s30  }
0x1d3: {  	v5 =	vld [tilespmem:s1+$0x1400];
	s1 =	sor.u32 $0x460, s0  }
0x1d4: {  	s26 =	sadd.s32 $0x200, s26;
	v6 =	vld [tilespmem:s1+$0x1400]  }
0x1d5: {  	_ =	sdelay $0x1  }
0x1d6: {  	v3 =	vadd.f32 v4, v3;
	_ =	sdelay $0x1  }
0x1d7: {  	v3 =	vadd.f32 v5, v3;
	_ =	sdelay $0x1  }
0x1d8: {  	v3 =	vadd.f32 v6, v3;
	_ =	sdelay $0x1  }
0x1d9: {  	s1 =	sor.u32 $0x470, s29;
	[tilespmem:s24+$0x460] =	vst v3  }
0x1da: {  	s29 =	sor.u32 $0x470, s31;
	v3 =	vld [tilespmem:s1+$0x1400]  }
0x1db: {  	v61 =	vld [tilespmem:s29+$0x1400]  }
0x1dc: {  	s30 =	sor.u32 $0x470, s30  }
0x1dd: {  	v62 =	vld [tilespmem:s30+$0x1400]  }
0x1de: {  	s0 =	sor.u32 $0x470, s0  }
0x1df: {  	v63 =	vld [tilespmem:s0+$0x1400]  }
0x1e0: {  	v3 =	vadd.f32 v61, v3;
	_ =	sdelay $0x1  }
0x1e1: {  	p1 =	sne.s32 s21, $0x13;
	v3 =	vadd.f32 v62, v3  }
.Ltmp1:
0x1e2: {  	_ = 	snop;
	(pc) =	sbr.rel @p1 .LBB2_6-.Ltmp1, $4  }
0x1e3: {  	s31 =	sshll.u32 s21, $0xB;
	v3 =	vadd.f32 v63, v3  }
0x1e4: {  	s23 =	sadd.s32 s6, s31  }
0x1e5: {  	s0 =	sadd.s32 s4, s23;
	[tilespmem:s24+$0x470] =	vst v3  }
0x1e6: {  	[hbm4b:s0+s2] =	stream.linear.scatter [tilespmem:s17], [sflag:$0x3], $0x2000, $0x38;
	[tilespmem:$0x15400] =	vst v63  }
.Ltmp2:
0x1e7: {  	(pc) =	sbr.rel .LBB2_7-.Ltmp2, $4  }
0x1e8: {  	_ = 	snop  }
0x1e9: {  	_ =	swait.ge [sflag:s18], $0x8000  }
0x1ea: {  	[sflag:s18] =	ssyncset.done $0x0  }
0x1eb: {  	[sflag:s18] =	ssyncadd.s32 $0xFFFF8000  }
.LBB2_6:
0x1ec: {  	v3 =	vld [tilespmem:s22+$0x100];
	_ =	sdelay $0x4  }
0x1ed: {  	v4 =	vshll.u32 v3, $0x1  }
0x1ee: {  	v3 =	vand.u32 $0x7, v3;
	v4 =	vand.u32 $0xFFFFFFF0, v4  }
0x1ef: {  	v3 =	vor.u32 v3, v4  }
0x1f0: {  	v4 =	vperm.xlane v3, v0;
	_ =	sdelay $0x1  }
0x1f1: {  	v3 =	vperm.xlane v3, v2;
	v4 =	vadd.s32 v1, v4;
	_ =	sdelay $0x1  }
0x1f2: {  	v3 =	vadd.s32 v1, v3;
	_ =	sdelay $0x1  }
0x1f3: {  	s0 =	simm.s32 $0x1400  }
0x1f4: {  	[tilespmem:s0], [sflag:$0x1] =	stream.indirect_vreg.gather [hbm4b:s3+s2], $0x80, v4, vm0, $0xb8;
	[tilespmem:$0x15400] =	vst v63  }
0x1f5: {  	s24 =	simm.s32 $0x1C00  }
0x1f6: {  	[tilespmem:s24], [sflag:$0x1] =	stream.indirect_vreg.gather [hbm4b:s3+s2], $0x80, v3, vm0, $0xb8;
	[tilespmem:$0x15400] =	vst v63  }
0x1f7: {  	v3 =	vld [tilespmem:s22+$0x110];
	_ =	sdelay $0x4  }
0x1f8: {  	v57 =	vshll.u32 v3, $0x1  }
0x1f9: {  	v3 =	vand.u32 $0x7, v3;
	v4 =	vand.u32 $0xFFFFFFF0, v57  }
0x1fa: {  	v3 =	vor.u32 v3, v4  }
0x1fb: {  	v4 =	vperm.xlane v3, v0;
	_ =	sdelay $0x1  }
0x1fc: {  	v3 =	vperm.xlane v3, v2;
	v4 =	vadd.s32 v1, v4;
	_ =	sdelay $0x1  }
0x1fd: {  	v3 =	vadd.s32 v1, v3;
	_ =	sdelay $0x1  }
0x1fe: {  	s25 =	simm.s32 $0x2400  }
0x1ff: {  	[tilespmem:s25], [sflag:$0x1] =	stream.indirect_vreg.gather [hbm4b:s3+s2], $0x80, v4, vm0, $0xb8;
	[tilespmem:$0x15400] =	vst v63  }
0x200: {  	s26 =	simm.s32 $0x2C00  }
0x201: {  	[tilespmem:s26], [sflag:$0x1] =	stream.indirect_vreg.gather [hbm4b:s3+s2], $0x80, v3, vm0, $0xb8;
	[tilespmem:$0x15400] =	vst v63  }
0x202: {  	v3 =	vld [tilespmem:s22+$0x120];
	_ =	sdelay $0x4  }
0x203: {  	v58 =	vshll.u32 v3, $0x1  }
0x204: {  	v3 =	vand.u32 $0x7, v3;
	v4 =	vand.u32 $0xFFFFFFF0, v58  }
0x205: {  	v3 =	vor.u32 v3, v4  }
0x206: {  	v4 =	vperm.xlane v3, v0;
	_ =	sdelay $0x1  }
0x207: {  	v3 =	vperm.xlane v3, v2;
	v4 =	vadd.s32 v1, v4;
	_ =	sdelay $0x1  }
0x208: {  	v3 =	vadd.s32 v1, v3;
	_ =	sdelay $0x1  }
0x209: {  	s28 =	simm.s32 $0x3400  }
0x20a: {  	[tilespmem:s28], [sflag:$0x1] =	stream.indirect_vreg.gather [hbm4b:s3+s2], $0x80, v4, vm0, $0xb8;
	[tilespmem:$0x15400] =	vst v63  }
0x20b: {  	s29 =	simm.s32 $0x3C00  }
0x20c: {  	[tilespmem:s29], [sflag:$0x1] =	stream.indirect_vreg.gather [hbm4b:s3+s2], $0x80, v3, vm0, $0xb8;
	[tilespmem:$0x15400] =	vst v63  }
0x20d: {  	v3 =	vld [tilespmem:s22+$0x130];
	_ =	sdelay $0x4  }
0x20e: {  	v59 =	vshll.u32 v3, $0x1  }
0x20f: {  	v3 =	vand.u32 $0x7, v3;
	v4 =	vand.u32 $0xFFFFFFF0, v59  }
0x210: {  	v3 =	vor.u32 v3, v4  }
0x211: {  	v4 =	vperm.xlane v3, v0;
	_ =	sdelay $0x1  }
0x212: {  	v3 =	vperm.xlane v3, v2;
	v4 =	vadd.s32 v1, v4;
	_ =	sdelay $0x1  }
0x213: {  	v3 =	vadd.s32 v1, v3;
	_ =	sdelay $0x1  }
0x214: {  	s30 =	simm.s32 $0x4400  }
0x215: {  	[tilespmem:s30], [sflag:$0x1] =	stream.indirect_vreg.gather [hbm4b:s3+s2], $0x80, v4, vm0, $0xb8;
	[tilespmem:$0x15400] =	vst v63  }
0x216: {  	s31 =	simm.s32 $0x4C00  }
0x217: {  	[tilespmem:s31], [sflag:$0x1] =	stream.indirect_vreg.gather [hbm4b:s3+s2], $0x80, v3, vm0, $0xb8;
	[tilespmem:$0x15400] =	vst v63  }
0x218: {  	v3 =	vld [tilespmem:s22+$0x140];
	_ =	sdelay $0x4  }
0x219: {  	v60 =	vshll.u32 v3, $0x1  }
0x21a: {  	v3 =	vand.u32 $0x7, v3;
	v4 =	vand.u32 $0xFFFFFFF0, v60  }
0x21b: {  	v3 =	vor.u32 v3, v4  }
0x21c: {  	v4 =	vperm.xlane v3, v0;
	_ =	sdelay $0x1  }
0x21d: {  	v3 =	vperm.xlane v3, v2;
	v4 =	vadd.s32 v1, v4;
	_ =	sdelay $0x1  }
0x21e: {  	v3 =	vadd.s32 v1, v3;
	_ =	sdelay $0x1  }
0x21f: {  	s1 =	simm.s32 $0x5400  }
0x220: {  	[tilespmem:s1], [sflag:$0x1] =	stream.indirect_vreg.gather [hbm4b:s3+s2], $0x80, v4, vm0, $0xb8;
	[tilespmem:$0x15400] =	vst v63  }
0x221: {  	s24 =	simm.s32 $0x5C00  }
0x222: {  	[tilespmem:s24], [sflag:$0x1] =	stream.indirect_vreg.gather [hbm4b:s3+s2], $0x80, v3, vm0, $0xb8;
	[tilespmem:$0x15400] =	vst v63  }
0x223: {  	v3 =	vld [tilespmem:s22+$0x150];
	_ =	sdelay $0x4  }
0x224: {  	v61 =	vshll.u32 v3, $0x1  }
0x225: {  	v3 =	vand.u32 $0x7, v3;
	v4 =	vand.u32 $0xFFFFFFF0, v61  }
0x226: {  	v3 =	vor.u32 v3, v4  }
0x227: {  	v4 =	vperm.xlane v3, v0;
	_ =	sdelay $0x1  }
0x228: {  	v3 =	vperm.xlane v3, v2;
	v4 =	vadd.s32 v1, v4;
	_ =	sdelay $0x1  }
0x229: {  	v3 =	vadd.s32 v1, v3;
	_ =	sdelay $0x1  }
0x22a: {  	s25 =	simm.s32 $0x6400  }
0x22b: {  	[tilespmem:s25], [sflag:$0x1] =	stream.indirect_vreg.gather [hbm4b:s3+s2], $0x80, v4, vm0, $0xb8;
	[tilespmem:$0x15400] =	vst v63  }
0x22c: {  	s26 =	simm.s32 $0x6C00  }
0x22d: {  	[tilespmem:s26], [sflag:$0x1] =	stream.indirect_vreg.gather [hbm4b:s3+s2], $0x80, v3, vm0, $0xb8;
	[tilespmem:$0x15400] =	vst v63  }
0x22e: {  	v3 =	vld [tilespmem:s22+$0x160];
	_ =	sdelay $0x4  }
0x22f: {  	v62 =	vshll.u32 v3, $0x1  }
0x230: {  	v3 =	vand.u32 $0x7, v3;
	v4 =	vand.u32 $0xFFFFFFF0, v62  }
0x231: {  	v3 =	vor.u32 v3, v4  }
0x232: {  	v4 =	vperm.xlane v3, v0;
	_ =	sdelay $0x1  }
0x233: {  	v3 =	vperm.xlane v3, v2;
	v4 =	vadd.s32 v1, v4;
	_ =	sdelay $0x1  }
0x234: {  	v3 =	vadd.s32 v1, v3;
	_ =	sdelay $0x1  }
0x235: {  	s28 =	simm.s32 $0x7400  }
0x236: {  	[tilespmem:s28], [sflag:$0x1] =	stream.indirect_vreg.gather [hbm4b:s3+s2], $0x80, v4, vm0, $0xb8;
	[tilespmem:$0x15400] =	vst v63  }
0x237: {  	s29 =	simm.s32 $0x7C00  }
0x238: {  	[tilespmem:s29], [sflag:$0x1] =	stream.indirect_vreg.gather [hbm4b:s3+s2], $0x80, v3, vm0, $0xb8;
	[tilespmem:$0x15400] =	vst v63  }
0x239: {  	v3 =	vld [tilespmem:s22+$0x170];
	_ =	sdelay $0x4  }
0x23a: {  	v63 =	vshll.u32 v3, $0x1  }
0x23b: {  	v3 =	vand.u32 $0x7, v3;
	v4 =	vand.u32 $0xFFFFFFF0, v63  }
0x23c: {  	v3 =	vor.u32 v3, v4  }
0x23d: {  	v4 =	vperm.xlane v3, v0;
	_ =	sdelay $0x1  }
0x23e: {  	v3 =	vperm.xlane v3, v2;
	v4 =	vadd.s32 v1, v4;
	_ =	sdelay $0x1  }
0x23f: {  	v3 =	vadd.s32 v1, v3;
	_ =	sdelay $0x1  }
0x240: {  	s30 =	simm.s32 $0x8400  }
0x241: {  	[tilespmem:s30], [sflag:$0x1] =	stream.indirect_vreg.gather [hbm4b:s3+s2], $0x80, v4, vm0, $0xb8;
	[tilespmem:$0x15400] =	vst v63  }
.Ltmp3:
0x242: {  	s31 =	simm.s32 $0x8C00;
	(pc) =	sbr.rel @p0 .LBB2_8-.Ltmp3, $4  }
0x243: {  	[tilespmem:s31], [sflag:$0x1] =	stream.indirect_vreg.gather [hbm4b:s3+s2], $0x80, v3, vm0, $0xb8;
	[tilespmem:$0x15400] =	vst v63  }
0x244: {  	_ =	swait.ge [sflag:s18], $0x8000  }
0x245: {  	[sflag:s18] =	ssyncset.done $0x0  }
0x246: {  	[sflag:s18] =	ssyncadd.s32 $0xFFFF8000  }
.LBB2_7:
0x247: {  	_ =	swait.ge [sflag:s19], $0x2000  }
0x248: {  	[sflag:s19] =	ssyncset.done $0x0  }
0x249: {  	[sflag:s19] =	ssyncadd.s32 $0xFFFFE000  }
.LBB2_8:
0x24a: {  	s22 =	simm.s32 $0x0  }
0x24b: {  	s0 =	sand.u32 $0x7800, s22;
	s1 =	sand.u32 $0x200, s22  }
0x24c: {  	s0 =	sor.u32 s1, s0  }
0x24d: {  	v3 =	vld [tilespmem:s0+$0x9400]  }
0x24e: {  	v4 =	vld [tilespmem:s0+$0x9480];
	_ =	sdelay $0x1  }
0x24f: {  	v5 =	vld [tilespmem:s0+$0x9500];
	_ =	sdelay $0x1  }
0x250: {  	v6 =	vld [tilespmem:s0+$0x9580]  }
0x251: {  	v3 =	vadd.f32 v4, v3;
	_ =	sdelay $0x1  }
0x252: {  	v3 =	vadd.f32 v5, v3;
	_ =	sdelay $0x1  }
0x253: {  	s26 =	sand.u32 $0x1800, s22;
	s24 =	sand.u32 $0x380, s22;
	v3 =	vadd.f32 v6, v3  }
0x254: {  	s1 =	sor.u32 s24, s26  }
0x255: {  	[tilespmem:s1+$0x13400] =	vst v3  }
0x256: {  	v3 =	vld [tilespmem:s0+$0x9410]  }
0x257: {  	v4 =	vld [tilespmem:s0+$0x9490];
	_ =	sdelay $0x1  }
0x258: {  	v5 =	vld [tilespmem:s0+$0x9510];
	_ =	sdelay $0x1  }
0x259: {  	v6 =	vld [tilespmem:s0+$0x9590]  }
0x25a: {  	v3 =	vadd.f32 v4, v3;
	_ =	sdelay $0x1  }
0x25b: {  	v3 =	vadd.f32 v5, v3;
	_ =	sdelay $0x1  }
0x25c: {  	v3 =	vadd.f32 v6, v3  }
0x25d: {  	s24 =	sadd.s32 $0x13400, s1  }
0x25e: {  	[tilespmem:s24+$0x10] =	vst v3  }
0x25f: {  	v3 =	vld [tilespmem:s0+$0x9420]  }
0x260: {  	v4 =	vld [tilespmem:s0+$0x94A0];
	_ =	sdelay $0x1  }
0x261: {  	v5 =	vld [tilespmem:s0+$0x9520];
	_ =	sdelay $0x1  }
0x262: {  	v6 =	vld [tilespmem:s0+$0x95A0]  }
0x263: {  	v3 =	vadd.f32 v4, v3;
	_ =	sdelay $0x1  }
0x264: {  	v3 =	vadd.f32 v5, v3;
	_ =	sdelay $0x1  }
0x265: {  	v3 =	vadd.f32 v6, v3;
	_ =	sdelay $0x1  }
0x266: {  	[tilespmem:s24+$0x20] =	vst v3  }
0x267: {  	v3 =	vld [tilespmem:s0+$0x9430]  }
0x268: {  	v4 =	vld [tilespmem:s0+$0x94B0];
	_ =	sdelay $0x1  }
0x269: {  	v5 =	vld [tilespmem:s0+$0x9530];
	_ =	sdelay $0x1  }
0x26a: {  	v6 =	vld [tilespmem:s0+$0x95B0]  }
0x26b: {  	v3 =	vadd.f32 v4, v3;
	_ =	sdelay $0x1  }
0x26c: {  	v3 =	vadd.f32 v5, v3;
	_ =	sdelay $0x1  }
0x26d: {  	v3 =	vadd.f32 v6, v3;
	_ =	sdelay $0x1  }
0x26e: {  	[tilespmem:s24+$0x30] =	vst v3  }
0x26f: {  	v3 =	vld [tilespmem:s0+$0x9440]  }
0x270: {  	v4 =	vld [tilespmem:s0+$0x94C0];
	_ =	sdelay $0x1  }
0x271: {  	v5 =	vld [tilespmem:s0+$0x9540];
	_ =	sdelay $0x1  }
0x272: {  	v6 =	vld [tilespmem:s0+$0x95C0]  }
0x273: {  	v3 =	vadd.f32 v4, v3;
	_ =	sdelay $0x1  }
0x274: {  	v3 =	vadd.f32 v5, v3;
	_ =	sdelay $0x1  }
0x275: {  	v3 =	vadd.f32 v6, v3;
	_ =	sdelay $0x1  }
0x276: {  	[tilespmem:s24+$0x40] =	vst v3  }
0x277: {  	v3 =	vld [tilespmem:s0+$0x9450]  }
0x278: {  	v4 =	vld [tilespmem:s0+$0x94D0];
	_ =	sdelay $0x1  }
0x279: {  	v5 =	vld [tilespmem:s0+$0x9550];
	_ =	sdelay $0x1  }
0x27a: {  	v6 =	vld [tilespmem:s0+$0x95D0]  }
0x27b: {  	v3 =	vadd.f32 v4, v3;
	_ =	sdelay $0x1  }
0x27c: {  	v3 =	vadd.f32 v5, v3;
	_ =	sdelay $0x1  }
0x27d: {  	v3 =	vadd.f32 v6, v3;
	_ =	sdelay $0x1  }
0x27e: {  	[tilespmem:s24+$0x50] =	vst v3  }
0x27f: {  	v3 =	vld [tilespmem:s0+$0x9460]  }
0x280: {  	v4 =	vld [tilespmem:s0+$0x94E0];
	_ =	sdelay $0x1  }
0x281: {  	v5 =	vld [tilespmem:s0+$0x9560];
	_ =	sdelay $0x1  }
0x282: {  	v6 =	vld [tilespmem:s0+$0x95E0]  }
0x283: {  	v3 =	vadd.f32 v4, v3;
	_ =	sdelay $0x1  }
0x284: {  	v3 =	vadd.f32 v5, v3;
	_ =	sdelay $0x1  }
0x285: {  	v3 =	vadd.f32 v6, v3;
	_ =	sdelay $0x1  }
0x286: {  	[tilespmem:s24+$0x60] =	vst v3  }
0x287: {  	v3 =	vld [tilespmem:s0+$0x9470]  }
0x288: {  	v4 =	vld [tilespmem:s0+$0x94F0];
	_ =	sdelay $0x1  }
0x289: {  	v5 =	vld [tilespmem:s0+$0x9570];
	_ =	sdelay $0x1  }
0x28a: {  	v6 =	vld [tilespmem:s0+$0x95F0]  }
0x28b: {  	v3 =	vadd.f32 v4, v3;
	_ =	sdelay $0x1  }
0x28c: {  	p0 =	por $0x0, $0x0;
	s0 =	simm.s32 $0x1;
	v3 =	vadd.f32 v5, v3  }
0x28d: {  	s0 =	simm.s32 @!p0 $0x0  }
0x28e: {  	s0 =	sshll.u32 s0, $0x9;
	v3 =	vadd.f32 v6, v3  }
0x28f: {  	s29 =	sadd.s32 $0x0, s0  }
0x290: {  	s0 =	sor.u32 $0x400, s29;
	s31 =	sadd.s32 $0x80, s29;
	[tilespmem:s24+$0x70] =	vst v3  }
0x291: {  	s1 =	sor.u32 $0x400, s31;
	v3 =	vld [tilespmem:s0+$0x9400]  }
0x292: {  	s30 =	sadd.s32 $0x100, s29;
	v4 =	vld [tilespmem:s1+$0x9400]  }
0x293: {  	s25 =	sor.u32 $0x400, s30  }
0x294: {  	s0 =	sadd.s32 $0x180, s29;
	v5 =	vld [tilespmem:s25+$0x9400]  }
0x295: {  	s26 =	sor.u32 $0x400, s0  }
0x296: {  	v6 =	vld [tilespmem:s26+$0x9400]  }
0x297: {  	v3 =	vadd.f32 v4, v3;
	_ =	sdelay $0x1  }
0x298: {  	v3 =	vadd.f32 v5, v3;
	_ =	sdelay $0x1  }
0x299: {  	v3 =	vadd.f32 v6, v3;
	_ =	sdelay $0x1  }
0x29a: {  	s25 =	sor.u32 $0x410, s29;
	[tilespmem:s24+$0x400] =	vst v3  }
0x29b: {  	s26 =	sor.u32 $0x410, s31;
	v3 =	vld [tilespmem:s25+$0x9400]  }
0x29c: {  	v4 =	vld [tilespmem:s26+$0x9400]  }
0x29d: {  	s25 =	sor.u32 $0x410, s30  }
0x29e: {  	v5 =	vld [tilespmem:s25+$0x9400]  }
0x29f: {  	s26 =	sor.u32 $0x410, s0  }
0x2a0: {  	v6 =	vld [tilespmem:s26+$0x9400]  }
0x2a1: {  	v3 =	vadd.f32 v4, v3;
	_ =	sdelay $0x1  }
0x2a2: {  	v3 =	vadd.f32 v5, v3;
	_ =	sdelay $0x1  }
0x2a3: {  	v3 =	vadd.f32 v6, v3;
	_ =	sdelay $0x1  }
0x2a4: {  	s25 =	sor.u32 $0x420, s29;
	[tilespmem:s24+$0x410] =	vst v3  }
0x2a5: {  	s26 =	sor.u32 $0x420, s31;
	v3 =	vld [tilespmem:s25+$0x9400]  }
0x2a6: {  	v4 =	vld [tilespmem:s26+$0x9400]  }
0x2a7: {  	s25 =	sor.u32 $0x420, s30  }
0x2a8: {  	v5 =	vld [tilespmem:s25+$0x9400]  }
0x2a9: {  	s26 =	sor.u32 $0x420, s0  }
0x2aa: {  	v6 =	vld [tilespmem:s26+$0x9400]  }
0x2ab: {  	v3 =	vadd.f32 v4, v3;
	_ =	sdelay $0x1  }
0x2ac: {  	v3 =	vadd.f32 v5, v3;
	_ =	sdelay $0x1  }
0x2ad: {  	v3 =	vadd.f32 v6, v3;
	_ =	sdelay $0x1  }
0x2ae: {  	s25 =	sor.u32 $0x430, s29;
	[tilespmem:s24+$0x420] =	vst v3  }
0x2af: {  	s26 =	sor.u32 $0x430, s31;
	v3 =	vld [tilespmem:s25+$0x9400]  }
0x2b0: {  	v4 =	vld [tilespmem:s26+$0x9400]  }
0x2b1: {  	s25 =	sor.u32 $0x430, s30  }
0x2b2: {  	v5 =	vld [tilespmem:s25+$0x9400]  }
0x2b3: {  	s26 =	sor.u32 $0x430, s0  }
0x2b4: {  	v6 =	vld [tilespmem:s26+$0x9400]  }
0x2b5: {  	v3 =	vadd.f32 v4, v3;
	_ =	sdelay $0x1  }
0x2b6: {  	v3 =	vadd.f32 v5, v3;
	_ =	sdelay $0x1  }
0x2b7: {  	v3 =	vadd.f32 v6, v3;
	_ =	sdelay $0x1  }
0x2b8: {  	s25 =	sor.u32 $0x440, s29;
	[tilespmem:s24+$0x430] =	vst v3  }
0x2b9: {  	s26 =	sor.u32 $0x440, s31;
	v3 =	vld [tilespmem:s25+$0x9400]  }
0x2ba: {  	v4 =	vld [tilespmem:s26+$0x9400]  }
0x2bb: {  	s25 =	sor.u32 $0x440, s30  }
0x2bc: {  	v5 =	vld [tilespmem:s25+$0x9400]  }
0x2bd: {  	s26 =	sor.u32 $0x440, s0  }
0x2be: {  	v6 =	vld [tilespmem:s26+$0x9400]  }
0x2bf: {  	v3 =	vadd.f32 v4, v3;
	_ =	sdelay $0x1  }
0x2c0: {  	v3 =	vadd.f32 v5, v3;
	_ =	sdelay $0x1  }
0x2c1: {  	v3 =	vadd.f32 v6, v3;
	_ =	sdelay $0x1  }
0x2c2: {  	s25 =	sor.u32 $0x450, s29;
	[tilespmem:s24+$0x440] =	vst v3  }
0x2c3: {  	s26 =	sor.u32 $0x450, s31;
	v3 =	vld [tilespmem:s25+$0x9400]  }
0x2c4: {  	v4 =	vld [tilespmem:s26+$0x9400]  }
0x2c5: {  	s25 =	sor.u32 $0x450, s30  }
0x2c6: {  	v5 =	vld [tilespmem:s25+$0x9400]  }
0x2c7: {  	s26 =	sor.u32 $0x450, s0  }
0x2c8: {  	v6 =	vld [tilespmem:s26+$0x9400]  }
0x2c9: {  	v3 =	vadd.f32 v4, v3;
	_ =	sdelay $0x1  }
0x2ca: {  	v3 =	vadd.f32 v5, v3;
	_ =	sdelay $0x1  }
0x2cb: {  	v3 =	vadd.f32 v6, v3;
	_ =	sdelay $0x1  }
0x2cc: {  	s25 =	sor.u32 $0x460, s29;
	[tilespmem:s24+$0x450] =	vst v3  }
0x2cd: {  	s26 =	sor.u32 $0x460, s31;
	v3 =	vld [tilespmem:s25+$0x9400]  }
0x2ce: {  	v4 =	vld [tilespmem:s26+$0x9400];
	s25 =	sor.u32 $0x460, s30  }
0x2cf: {  	s26 =	sor.u32 $0x460, s0;
	v5 =	vld [tilespmem:s25+$0x9400]  }
0x2d0: {  	s28 =	simm.s32 $0x0;
	s25 =	simm.s32 $0x400;
	v6 =	vld [tilespmem:s26+$0x9400];
	s26 =	simm.s32 $0x200  }
.LBB2_9:
0x2d1: {  	s22 =	sadd.s32 $0x80, s22;
	s28 =	sadd.s32 $0x100, s28;
	p0 =	por !p0, !p0  }
0x2d2: {  	p1 =	sne.s32 s25, $0x7C00;
	s1 =	smov.u32 s25;
	s25 =	sadd.s32 $0x400, s25  }
0x2d3: {  	v3 =	vadd.f32 v4, v3;
	_ =	sdelay $0x1  }
0x2d4: {  	v3 =	vadd.f32 v5, v3;
	_ =	sdelay $0x1  }
0x2d5: {  	v3 =	vadd.f32 v6, v3;
	_ =	sdelay $0x1  }
0x2d6: {  	s29 =	sor.u32 $0x470, s29;
	[tilespmem:s24+$0x460] =	vst v3  }
0x2d7: {  	v3 =	vld [tilespmem:s29+$0x9400];
	s29 =	sor.u32 $0x470, s31  }
0x2d8: {  	v4 =	vld [tilespmem:s29+$0x9400];
	s29 =	sor.u32 $0x470, s30  }
0x2d9: {  	s0 =	sor.u32 $0x470, s0;
	v5 =	vld [tilespmem:s29+$0x9400]  }
0x2da: {  	v6 =	vld [tilespmem:s0+$0x9400];
	_ =	sdelay $0x2  }
0x2db: {  	s29 =	sand.u32 $0x200, s26;
	s0 =	sand.u32 $0x7800, s1;
	v3 =	vadd.f32 v4, v3  }
0x2dc: {  	s0 =	sor.u32 s29, s0  }
0x2dd: {  	v3 =	vadd.f32 v5, v3;
	_ =	sdelay $0x1  }
0x2de: {  	v3 =	vadd.f32 v6, v3;
	_ =	sdelay $0x1  }
0x2df: {  	[tilespmem:s24+$0x470] =	vst v3  }
0x2e0: {  	v3 =	vld [tilespmem:s0+$0x9400]  }
0x2e1: {  	v4 =	vld [tilespmem:s0+$0x9480];
	_ =	sdelay $0x1  }
0x2e2: {  	v5 =	vld [tilespmem:s0+$0x9500];
	_ =	sdelay $0x1  }
0x2e3: {  	v6 =	vld [tilespmem:s0+$0x9580]  }
0x2e4: {  	v3 =	vadd.f32 v4, v3;
	_ =	sdelay $0x1  }
0x2e5: {  	v3 =	vadd.f32 v5, v3;
	_ =	sdelay $0x1  }
0x2e6: {  	s29 =	sand.u32 $0x380, s22;
	s24 =	sand.u32 $0x1800, s28;
	v3 =	vadd.f32 v6, v3  }
0x2e7: {  	s24 =	sor.u32 s29, s24  }
0x2e8: {  	[tilespmem:s24+$0x13400] =	vst v3  }
0x2e9: {  	v3 =	vld [tilespmem:s0+$0x9410]  }
0x2ea: {  	v4 =	vld [tilespmem:s0+$0x9490];
	_ =	sdelay $0x1  }
0x2eb: {  	v5 =	vld [tilespmem:s0+$0x9510];
	_ =	sdelay $0x1  }
0x2ec: {  	v6 =	vld [tilespmem:s0+$0x9590]  }
0x2ed: {  	v3 =	vadd.f32 v4, v3;
	_ =	sdelay $0x1  }
0x2ee: {  	v3 =	vadd.f32 v5, v3;
	_ =	sdelay $0x1  }
0x2ef: {  	v3 =	vadd.f32 v6, v3  }
0x2f0: {  	s24 =	sadd.s32 $0x13400, s24  }
0x2f1: {  	[tilespmem:s24+$0x10] =	vst v3  }
0x2f2: {  	v3 =	vld [tilespmem:s0+$0x9420]  }
0x2f3: {  	v4 =	vld [tilespmem:s0+$0x94A0];
	_ =	sdelay $0x1  }
0x2f4: {  	v5 =	vld [tilespmem:s0+$0x9520];
	_ =	sdelay $0x1  }
0x2f5: {  	v6 =	vld [tilespmem:s0+$0x95A0]  }
0x2f6: {  	v3 =	vadd.f32 v4, v3;
	_ =	sdelay $0x1  }
0x2f7: {  	v3 =	vadd.f32 v5, v3;
	_ =	sdelay $0x1  }
0x2f8: {  	v3 =	vadd.f32 v6, v3;
	_ =	sdelay $0x1  }
0x2f9: {  	[tilespmem:s24+$0x20] =	vst v3  }
0x2fa: {  	v3 =	vld [tilespmem:s0+$0x9430]  }
0x2fb: {  	v4 =	vld [tilespmem:s0+$0x94B0];
	_ =	sdelay $0x1  }
0x2fc: {  	v5 =	vld [tilespmem:s0+$0x9530];
	_ =	sdelay $0x1  }
0x2fd: {  	v6 =	vld [tilespmem:s0+$0x95B0]  }
0x2fe: {  	v3 =	vadd.f32 v4, v3;
	_ =	sdelay $0x1  }
0x2ff: {  	v3 =	vadd.f32 v5, v3;
	_ =	sdelay $0x1  }
0x300: {  	v3 =	vadd.f32 v6, v3;
	_ =	sdelay $0x1  }
0x301: {  	[tilespmem:s24+$0x30] =	vst v3  }
0x302: {  	v3 =	vld [tilespmem:s0+$0x9440]  }
0x303: {  	v4 =	vld [tilespmem:s0+$0x94C0]  }
0x304: {  	v5 =	vld [tilespmem:s0+$0x9540];
	_ =	sdelay $0x2  }
0x305: {  	v6 =	vld [tilespmem:s0+$0x95C0]  }
0x306: {  	v3 =	vadd.f32 v4, v3;
	_ =	sdelay $0x1  }
0x307: {  	v3 =	vadd.f32 v5, v3;
	_ =	sdelay $0x1  }
0x308: {  	v3 =	vadd.f32 v6, v3;
	_ =	sdelay $0x1  }
0x309: {  	[tilespmem:s24+$0x40] =	vst v3  }
0x30a: {  	v3 =	vld [tilespmem:s0+$0x9450]  }
0x30b: {  	v4 =	vld [tilespmem:s0+$0x94D0];
	_ =	sdelay $0x1  }
0x30c: {  	v5 =	vld [tilespmem:s0+$0x9550];
	_ =	sdelay $0x1  }
0x30d: {  	v6 =	vld [tilespmem:s0+$0x95D0]  }
0x30e: {  	v3 =	vadd.f32 v4, v3;
	_ =	sdelay $0x1  }
0x30f: {  	v3 =	vadd.f32 v5, v3;
	_ =	sdelay $0x1  }
0x310: {  	v3 =	vadd.f32 v6, v3;
	_ =	sdelay $0x1  }
0x311: {  	[tilespmem:s24+$0x50] =	vst v3  }
0x312: {  	v3 =	vld [tilespmem:s0+$0x9460]  }
0x313: {  	v4 =	vld [tilespmem:s0+$0x94E0];
	_ =	sdelay $0x1  }
0x314: {  	v5 =	vld [tilespmem:s0+$0x9560];
	_ =	sdelay $0x1  }
0x315: {  	v6 =	vld [tilespmem:s0+$0x95E0]  }
0x316: {  	v3 =	vadd.f32 v4, v3;
	_ =	sdelay $0x1  }
0x317: {  	v3 =	vadd.f32 v5, v3;
	_ =	sdelay $0x1  }
0x318: {  	v3 =	vadd.f32 v6, v3;
	_ =	sdelay $0x1  }
0x319: {  	[tilespmem:s24+$0x60] =	vst v3  }
0x31a: {  	v3 =	vld [tilespmem:s0+$0x9470]  }
0x31b: {  	v4 =	vld [tilespmem:s0+$0x94F0]  }
0x31c: {  	v5 =	vld [tilespmem:s0+$0x9570];
	_ =	sdelay $0x2  }
0x31d: {  	v6 =	vld [tilespmem:s0+$0x95F0]  }
0x31e: {  	v3 =	vadd.f32 v4, v3;
	_ =	sdelay $0x1  }
0x31f: {  	s0 =	simm.s32 $0x1;
	v3 =	vadd.f32 v5, v3  }
0x320: {  	s0 =	simm.s32 @!p0 $0x0  }
0x321: {  	s0 =	sshll.u32 s0, $0x9;
	v3 =	vadd.f32 v6, v3  }
0x322: {  	s29 =	sadd.s32 s0, s1  }
0x323: {  	s0 =	sor.u32 $0x400, s29;
	s31 =	sadd.s32 $0x80, s29;
	s30 =	sadd.s32 $0x100, s29;
	[tilespmem:s24+$0x70] =	vst v3  }
0x324: {  	s1 =	sor.u32 $0x400, s31;
	v3 =	vld [tilespmem:s0+$0x9400];
	s0 =	sadd.s32 $0x180, s29  }
0x325: {  	v4 =	vld [tilespmem:s1+$0x9400];
	s1 =	sor.u32 $0x400, s30  }
0x326: {  	v5 =	vld [tilespmem:s1+$0x9400];
	_ =	sdelay $0x1  }
0x327: {  	s1 =	sor.u32 $0x400, s0  }
0x328: {  	v6 =	vld [tilespmem:s1+$0x9400]  }
0x329: {  	v3 =	vadd.f32 v4, v3;
	_ =	sdelay $0x1  }
0x32a: {  	v3 =	vadd.f32 v5, v3;
	_ =	sdelay $0x1  }
0x32b: {  	v3 =	vadd.f32 v6, v3;
	_ =	sdelay $0x1  }
0x32c: {  	s1 =	sor.u32 $0x410, s29;
	[tilespmem:s24+$0x400] =	vst v3  }
0x32d: {  	v3 =	vld [tilespmem:s1+$0x9400];
	s1 =	sor.u32 $0x410, s31  }
0x32e: {  	v4 =	vld [tilespmem:s1+$0x9400];
	s1 =	sor.u32 $0x410, s30  }
0x32f: {  	v5 =	vld [tilespmem:s1+$0x9400];
	s1 =	sor.u32 $0x410, s0  }
0x330: {  	v6 =	vld [tilespmem:s1+$0x9400];
	_ =	sdelay $0x2  }
0x331: {  	v3 =	vadd.f32 v4, v3;
	_ =	sdelay $0x1  }
0x332: {  	v3 =	vadd.f32 v5, v3;
	_ =	sdelay $0x1  }
0x333: {  	v3 =	vadd.f32 v6, v3;
	_ =	sdelay $0x1  }
0x334: {  	s1 =	sor.u32 $0x420, s29;
	[tilespmem:s24+$0x410] =	vst v3  }
0x335: {  	v3 =	vld [tilespmem:s1+$0x9400];
	s1 =	sor.u32 $0x420, s31  }
0x336: {  	v4 =	vld [tilespmem:s1+$0x9400];
	s1 =	sor.u32 $0x420, s30  }
0x337: {  	v5 =	vld [tilespmem:s1+$0x9400];
	s1 =	sor.u32 $0x420, s0  }
0x338: {  	v6 =	vld [tilespmem:s1+$0x9400];
	_ =	sdelay $0x2  }
0x339: {  	v3 =	vadd.f32 v4, v3;
	_ =	sdelay $0x1  }
0x33a: {  	v3 =	vadd.f32 v5, v3;
	_ =	sdelay $0x1  }
0x33b: {  	v3 =	vadd.f32 v6, v3;
	_ =	sdelay $0x1  }
0x33c: {  	s1 =	sor.u32 $0x430, s29;
	[tilespmem:s24+$0x420] =	vst v3  }
0x33d: {  	v3 =	vld [tilespmem:s1+$0x9400];
	s1 =	sor.u32 $0x430, s31  }
0x33e: {  	v4 =	vld [tilespmem:s1+$0x9400];
	s1 =	sor.u32 $0x430, s30  }
0x33f: {  	v5 =	vld [tilespmem:s1+$0x9400];
	s1 =	sor.u32 $0x430, s0  }
0x340: {  	v6 =	vld [tilespmem:s1+$0x9400];
	_ =	sdelay $0x2  }
0x341: {  	v3 =	vadd.f32 v4, v3;
	_ =	sdelay $0x1  }
0x342: {  	v3 =	vadd.f32 v5, v3;
	_ =	sdelay $0x1  }
0x343: {  	v3 =	vadd.f32 v6, v3;
	_ =	sdelay $0x1  }
0x344: {  	s1 =	sor.u32 $0x440, s29;
	[tilespmem:s24+$0x430] =	vst v3  }
0x345: {  	v3 =	vld [tilespmem:s1+$0x9400];
	s1 =	sor.u32 $0x440, s31  }
0x346: {  	v4 =	vld [tilespmem:s1+$0x9400];
	s1 =	sor.u32 $0x440, s30  }
0x347: {  	v5 =	vld [tilespmem:s1+$0x9400];
	s1 =	sor.u32 $0x440, s0  }
0x348: {  	v6 =	vld [tilespmem:s1+$0x9400];
	_ =	sdelay $0x2  }
0x349: {  	v3 =	vadd.f32 v4, v3;
	_ =	sdelay $0x1  }
0x34a: {  	v3 =	vadd.f32 v5, v3;
	_ =	sdelay $0x1  }
0x34b: {  	v3 =	vadd.f32 v6, v3;
	_ =	sdelay $0x1  }
0x34c: {  	s1 =	sor.u32 $0x450, s29;
	[tilespmem:s24+$0x440] =	vst v3  }
0x34d: {  	v3 =	vld [tilespmem:s1+$0x9400];
	s1 =	sor.u32 $0x450, s31  }
0x34e: {  	v4 =	vld [tilespmem:s1+$0x9400];
	s1 =	sor.u32 $0x450, s30  }
0x34f: {  	v5 =	vld [tilespmem:s1+$0x9400];
	s1 =	sor.u32 $0x450, s0  }
0x350: {  	v6 =	vld [tilespmem:s1+$0x9400];
	_ =	sdelay $0x2  }
0x351: {  	v3 =	vadd.f32 v4, v3;
	_ =	sdelay $0x1  }
0x352: {  	v3 =	vadd.f32 v5, v3;
	_ =	sdelay $0x1  }
0x353: {  	v3 =	vadd.f32 v6, v3;
	_ =	sdelay $0x1  }
.Ltmp4:
0x354: {  	s1 =	sor.u32 $0x460, s29;
	[tilespmem:s24+$0x450] =	vst v3;
	(pc) =	sbr.rel @p1 .LBB2_9-.Ltmp4, $4  }
0x355: {  	v3 =	vld [tilespmem:s1+$0x9400];
	s1 =	sor.u32 $0x460, s31  }
0x356: {  	v4 =	vld [tilespmem:s1+$0x9400];
	s1 =	sor.u32 $0x460, s30  }
0x357: {  	v5 =	vld [tilespmem:s1+$0x9400];
	s1 =	sor.u32 $0x460, s0  }
0x358: {  	s26 =	sadd.s32 $0x200, s26;
	v6 =	vld [tilespmem:s1+$0x9400]  }
0x359: {  	_ =	sdelay $0x1  }
0x35a: {  	v3 =	vadd.f32 v4, v3;
	_ =	sdelay $0x1  }
0x35b: {  	v3 =	vadd.f32 v5, v3;
	_ =	sdelay $0x1  }
0x35c: {  	v3 =	vadd.f32 v6, v3;
	_ =	sdelay $0x1  }
0x35d: {  	s1 =	sor.u32 $0x470, s29;
	[tilespmem:s24+$0x460] =	vst v3  }
0x35e: {  	s29 =	sor.u32 $0x470, s31;
	v3 =	vld [tilespmem:s1+$0x9400]  }
0x35f: {  	v61 =	vld [tilespmem:s29+$0x9400]  }
0x360: {  	s30 =	sor.u32 $0x470, s30  }
0x361: {  	v62 =	vld [tilespmem:s30+$0x9400]  }
0x362: {  	s0 =	sor.u32 $0x470, s0  }
0x363: {  	v63 =	vld [tilespmem:s0+$0x9400]  }
0x364: {  	v3 =	vadd.f32 v61, v3  }
0x365: {  	s21 =	sadd.s32 $0x1, s21  }
0x366: {  	p0 =	sne.s32 s21, $0x14;
	v3 =	vadd.f32 v62, v3  }
.Ltmp5:
0x367: {  	_ = 	snop;
	(pc) =	sbr.rel @p0 .LBB2_2-.Ltmp5, $3  }
0x368: {  	v3 =	vadd.f32 v63, v3;
	_ =	sdelay $0x1  }
0x369: {  	s31 =	sadd.s32 s23, s7;
	[tilespmem:s24+$0x470] =	vst v3  }
0x36a: {  	[hbm4b:s31+s2] =	stream.linear.scatter [tilespmem:s20], [sflag:$0x4], $0x2000, $0x38;
	[tilespmem:$0x15400] =	vst v63  }
0x36b: {  	s0 =	simm.s32 $0x3  }
0x36c: {  	_ =	swait.ge [sflag:s0], $0x2000  }
0x36d: {  	[sflag:s0] =	ssyncset.done $0x0  }
0x36e: {  	[sflag:s0] =	ssyncadd.s32 $0xFFFFE000  }
0x36f: {  	_ =	swait.ge [sflag:s19], $0x2000  }
0x370: {  	s1 =	rddreg [dreg:$0x5]  }
0x371: {  	s31 =	rddreg [dreg:$0x4];
	s1 =	sadd.s32 $0x1, s1  }
0x372: {  	p0 =	sne.s32 s1, s31  }
.Ltmp6:
0x373: {  	_ = 	snop;
	(pc) =	sbr.rel @p0 .LBB2_1-.Ltmp6, $3  }
0x374: {  	_ =	sdelay $0x1  }
0x375: {  	[sflag:s19] =	ssyncset.done $0x0  }
0x376: {  	[sflag:s19] =	ssyncadd.s32 $0xFFFFE000  }
0x377: {  	_ =	sfence.sel $0x180000  }
0x378: {  	[bflag:$0x0] =	sbarrier.arrive $0xFFFF  }
0x379: {  	_ =	strace $0x90000047  }
0x37a: {  	s0 =	stileid.u32;
	[bflag:$0x2] =	sbarrier.arrive $0xFFFF  }
0x37b: {  	p0 =	sne.s32 s0, $0x0;
	s0 =	rddreg [dreg:$0x2]  }
0x37c: {  	s0 =	sadd.s32 @!p0 $0x100000, s0  }
0x37d: {  	[sflag:s0] =	ssyncadd.tile.s32 @!p0 $0x1;
	_ =	shalt  }
.Lfunc_end2:
_tile_overlayer_lowered:
.L_overlay_start_2:
0x37e: {  	(tag) =	ssettag $0x2  }
0x37f: {  	s0 =	rddreg [dreg:$0x0];
	s2 =	stileid.u32  }
0x380: {  	s1 =	rddreg [dreg:$0x1];
	p0 =	sne.s32 s2, $0x0  }
0x381: {  	s3 =	rddreg [dreg:$0x2];
	[bflag:$0x3] =	sbarrier.arrive $0xFFFF;
	s2 =	simm.s32 @!p0 $0x1C05  }
0x382: {  	[timem:s3], [sflag:s2] =	dma.local @!p0 [hbm:s0], s1  }
0x383: {  	s0 =	simm.s32 @!p0 $0x5  }
0x384: {  	_ =	swait.ge @!p0 [sflag:s0], s1  }
0x385: {  	s1 =	ssub.s32 @!p0 $0x0, s1;
	[sflag:s0] =	ssyncset.done @!p0 $0x0  }
0x386: {  	[sflag:s0] =	ssyncadd.s32 @!p0 s1  }
0x387: {  	[bflag:$0x3] =	sbarrier.arrive $0xFFFF  }
0x388: {  	_ =	shalt  }

</sc_bundles>
